<compile_context>
chip_gen: v7x
topology: tpu7x:2x2x1
jax: 0.10.2.dev20260603
libtpu: 0.0.44.dev20260713+nightly
codegen_flags: <defaults>
</compile_context>

<pallas_src>
import functools
import jax
import jax.numpy as jnp
from jax import lax
from jax.experimental import pallas as pl
from jax.experimental.pallas import tpu as pltpu
from jax.experimental.pallas import tpu_sc as plsc

_M = 128
_N = 32768
_NC = 2
_NS = 16
_NW = _NC * _NS
_R = _M // _NW
_CH = 4096
_NCH = _N // _CH
_L = 16


def _sc_body(x_hbm, out_hbm, bufs, obufs, isem0, isem1, osem0, osem1):
    wid = lax.axis_index("s") * _NC + lax.axis_index("c")
    row0 = wid * _R
    isems = (isem0, isem1)
    osems = (osem0, osem1)

    def in_copy(ci, b):
        return pltpu.make_async_copy(
            x_hbm.at[pl.ds(row0, _R), pl.ds(ci * _CH, _CH)], bufs.at[b], isems[b]
        )

    def out_copy(ci, b):
        return pltpu.make_async_copy(
            obufs.at[b], out_hbm.at[pl.ds(row0, _R), pl.ds(ci * _CH, _CH)], osems[b]
        )

    def compute(b, carries):
        def vreg_body(j, carries):
            out = []
            for r in range(_R):
                v = bufs[b, r, pl.ds(j * _L, _L)]
                s = plsc.cumsum(v)
                obufs[b, r, pl.ds(j * _L, _L)] = s - v + carries[r]
                out.append(carries[r] + jnp.sum(v))
            return tuple(out)

        return lax.fori_loop(0, _CH // _L, vreg_body, carries)

    carries = (jnp.float32(0.0),) * _R
    in_copy(0, 0).start()
    for ci in range(_NCH):
        b = ci % 2
        if ci + 1 < _NCH:
            in_copy(ci + 1, 1 - b).start()
        in_copy(ci, b).wait()
        if ci >= 2:
            out_copy(ci - 2, b).wait()
        carries = compute(b, carries)
        out_copy(ci, b).start()
    out_copy(_NCH - 2, _NCH % 2).wait()
    out_copy(_NCH - 1, 1 - _NCH % 2).wait()


@jax.jit
def kernel(x):
    mesh = plsc.VectorSubcoreMesh(core_axis_name="c", subcore_axis_name="s")
    f = pl.kernel(
        _sc_body,
        mesh=mesh,
        out_type=jax.ShapeDtypeStruct((_M, _N), jnp.float32),
        scratch_types=[
            pltpu.VMEM((2, _R, _CH), jnp.float32),
            pltpu.VMEM((2, _R, _CH), jnp.float32),
            pltpu.SemaphoreType.DMA,
            pltpu.SemaphoreType.DMA,
            pltpu.SemaphoreType.DMA,
            pltpu.SemaphoreType.DMA,
        ],
        compiler_params=pltpu.CompilerParams(needs_layout_passes=False),
    )
    return f(x)

# --- scband reference (transcript-rebuilt; emitter-appended) ---
"""Pipeline reference for scband-model-new-19688130085490 (READ-ONLY COPY).

The authoritative reference and input builder live on the scoring server;
editing this copy changes nothing except your own understanding.
"""

import jax, jax.numpy as jnp
import numpy as np


def setup_inputs(seed: int = 0) -> dict:
    key = jax.random.key(seed)
    x = jax.random.normal(key, (128, 32768), dtype=jnp.float32)
    return {"x": x}


def reference(x):
    # Exclusive cumulative sum along dim=1: inclusive scan minus the element itself.
    inclusive = jnp.cumsum(x, axis=1)
    exclusive = inclusive - x
    return exclusive

if __name__ == "__main__":
    import jax
    _d = setup_inputs()
    print(jax.jit(kernel)(*tuple(_d.values())))

</pallas_src>

<mosaic_0001>
#map = affine_map<(d0, d1) -> (0, 0)>
module attributes {stable_mosaic.version = 14 : i64} {
  func.func @_sc_body(%arg0: i32, %arg1: i32, %arg2: memref<128x32768xf32, #tpu.memory_space<hbm>>, %arg3: memref<128x32768xf32, #tpu.memory_space<hbm>>, %arg4: memref<2x4x4096xf32, #tpu.memory_space<vmem>>, %arg5: memref<2x4x4096xf32, #tpu.memory_space<vmem>>, %arg6: memref<!tpu.dma_semaphore, #tpu.memory_space<semaphore_mem>>, %arg7: memref<!tpu.dma_semaphore, #tpu.memory_space<semaphore_mem>>, %arg8: memref<!tpu.dma_semaphore, #tpu.memory_space<semaphore_mem>>, %arg9: memref<!tpu.dma_semaphore, #tpu.memory_space<semaphore_mem>>) attributes {dimension_semantics = [#tpu.dimension_semantics<core_parallel>, #tpu.dimension_semantics<subcore_parallel>], iteration_bounds = array<i64: 2, 16>, scalar_prefetch = 0 : i64, scratch_operands = 6 : i64, tpu.core_type = #tpu.core_type<sc_vector_subcore>, window_params = [{transform_indices = #map}, {transform_indices = #map}]} {
    %mul3A = arith.constant 2 : i32
    %mul3A_0 = arith.muli %arg1, %mul3A : i32
    %add3A = arith.addi %mul3A_0, %arg0 : i32
    %mul3A_1 = arith.constant 4 : i32
    %mul3A_2 = arith.muli %add3A, %mul3A_1 : i32
    %dma_start3A = arith.constant 0 : i32
    %dma_start3A_3 = arith.constant 0 : i32
    %dma_start3A_4 = arith.constant 0 : i32
    %dma_start3A_5 = tpu.memref_slice %arg4[%dma_start3A, %dma_start3A_3, %dma_start3A_4] : memref<2x4x4096xf32, #tpu.memory_space<vmem>> -> memref<1x4x4096xf32, #tpu.memory_space<vmem>>
    %dma_start3A_6 = tpu.memref_squeeze %dma_start3A_5 : memref<1x4x4096xf32, #tpu.memory_space<vmem>> -> memref<4x4096xf32, #tpu.memory_space<vmem>>
    %dma_start3A_7 = arith.constant 0 : i32
    %dma_start3A_8 = tpu.memref_slice %arg2[%mul3A_2, %dma_start3A_7] : memref<128x32768xf32, #tpu.memory_space<hbm>> -> memref<4x4096xf32, #tpu.memory_space<hbm>>
    %dma_start3A_9 = arith.constant 0 : i32
    %dma_start3A_10 = arith.constant 0 : i32
    %dma_start3A_11 = tpu.memref_slice %arg4[%dma_start3A, %dma_start3A_9, %dma_start3A_10] : memref<2x4x4096xf32, #tpu.memory_space<vmem>> -> memref<1x4x4096xf32, #tpu.memory_space<vmem>>
    %dma_start3A_12 = tpu.memref_squeeze %dma_start3A_11 : memref<1x4x4096xf32, #tpu.memory_space<vmem>> -> memref<4x4096xf32, #tpu.memory_space<vmem>>
    %dma_start3A_13 = arith.constant 0 : i32
    %dma_start3A_14 = tpu.memref_slice %arg2[%mul3A_2, %dma_start3A_13] : memref<128x32768xf32, #tpu.memory_space<hbm>> -> memref<4x4096xf32, #tpu.memory_space<hbm>>
    tpu.enqueue_dma source(%dma_start3A_14 : memref<4x4096xf32, #tpu.memory_space<hbm>>) target(%dma_start3A_12 : memref<4x4096xf32, #tpu.memory_space<vmem>>) target_semaphore(%arg6 : memref<!tpu.dma_semaphore, #tpu.memory_space<semaphore_mem>>)
    %dma_start3A_15 = arith.constant 1 : i32
    %dma_start3A_16 = arith.constant 0 : i32
    %dma_start3A_17 = arith.constant 0 : i32
    %dma_start3A_18 = tpu.memref_slice %arg4[%dma_start3A_15, %dma_start3A_16, %dma_start3A_17] : memref<2x4x4096xf32, #tpu.memory_space<vmem>> -> memref<1x4x4096xf32, #tpu.memory_space<vmem>>
    %dma_start3A_19 = tpu.memref_squeeze %dma_start3A_18 : memref<1x4x4096xf32, #tpu.memory_space<vmem>> -> memref<4x4096xf32, #tpu.memory_space<vmem>>
    %dma_start3A_20 = arith.constant 4096 : i32
    %dma_start3A_21 = tpu.memref_slice %arg2[%mul3A_2, %dma_start3A_20] : memref<128x32768xf32, #tpu.memory_space<hbm>> -> memref<4x4096xf32, #tpu.memory_space<hbm>>
    %dma_start3A_22 = arith.constant 0 : i32
    %dma_start3A_23 = arith.constant 0 : i32
    %dma_start3A_24 = tpu.memref_slice %arg4[%dma_start3A_15, %dma_start3A_22, %dma_start3A_23] : memref<2x4x4096xf32, #tpu.memory_space<vmem>> -> memref<1x4x4096xf32, #tpu.memory_space<vmem>>
    %dma_start3A_25 = tpu.memref_squeeze %dma_start3A_24 : memref<1x4x4096xf32, #tpu.memory_space<vmem>> -> memref<4x4096xf32, #tpu.memory_space<vmem>>
    %dma_start3A_26 = arith.constant 4096 : i32
    %dma_start3A_27 = tpu.memref_slice %arg2[%mul3A_2, %dma_start3A_26] : memref<128x32768xf32, #tpu.memory_space<hbm>> -> memref<4x4096xf32, #tpu.memory_space<hbm>>
    tpu.enqueue_dma source(%dma_start3A_27 : memref<4x4096xf32, #tpu.memory_space<hbm>>) target(%dma_start3A_25 : memref<4x4096xf32, #tpu.memory_space<vmem>>) target_semaphore(%arg7 : memref<!tpu.dma_semaphore, #tpu.memory_space<semaphore_mem>>)
    %dma_wait3A = arith.constant 0 : i32
    %dma_wait3A_28 = arith.constant 0 : i32
    %dma_wait3A_29 = arith.constant 0 : i32
    %dma_wait3A_30 = tpu.memref_slice %arg4[%dma_wait3A, %dma_wait3A_28, %dma_wait3A_29] : memref<2x4x4096xf32, #tpu.memory_space<vmem>> -> memref<1x4x4096xf32, #tpu.memory_space<vmem>>
    %dma_wait3A_31 = tpu.memref_squeeze %dma_wait3A_30 : memref<1x4x4096xf32, #tpu.memory_space<vmem>> -> memref<4x4096xf32, #tpu.memory_space<vmem>>
    %dma_wait3A_32 = arith.constant 0 : i32
    %dma_wait3A_33 = tpu.memref_slice %arg2[%mul3A_2, %dma_wait3A_32] : memref<128x32768xf32, #tpu.memory_space<hbm>> -> memref<4x4096xf32, #tpu.memory_space<hbm>>
    %dma_wait3A_34 = arith.constant 0 : i32
    %dma_wait3A_35 = arith.constant 0 : i32
    %dma_wait3A_36 = tpu.memref_slice %arg4[%dma_wait3A, %dma_wait3A_34, %dma_wait3A_35] : memref<2x4x4096xf32, #tpu.memory_space<vmem>> -> memref<1x4x4096xf32, #tpu.memory_space<vmem>>
    %dma_wait3A_37 = tpu.memref_squeeze %dma_wait3A_36 : memref<1x4x4096xf32, #tpu.memory_space<vmem>> -> memref<4x4096xf32, #tpu.memory_space<vmem>>
    %dma_wait3A_38 = arith.constant 0 : i32
    %dma_wait3A_39 = tpu.memref_slice %arg2[%mul3A_2, %dma_wait3A_38] : memref<128x32768xf32, #tpu.memory_space<hbm>> -> memref<4x4096xf32, #tpu.memory_space<hbm>>
    tpu.wait_dma2 semaphore(%arg6 : memref<!tpu.dma_semaphore, #tpu.memory_space<semaphore_mem>>) src(%dma_wait3A_39 : memref<4x4096xf32, #tpu.memory_space<hbm>>) dst(%dma_wait3A_37 : memref<4x4096xf32, #tpu.memory_space<vmem>>)
    %scan3A = arith.constant 0.000000e+00 : f32
    %scan3A_40 = arith.constant 0.000000e+00 : f32
    %scan3A_41 = arith.constant 0.000000e+00 : f32
    %scan3A_42 = arith.constant 0.000000e+00 : f32
    %scan3A_43 = arith.constant 0 : i32
    %scan3A_44 = arith.constant 256 : i32
    %scan3A_45 = arith.addi %scan3A_43, %scan3A_44 : i32
    %scan3A_46 = arith.constant 1 : i32
    %scan3A_47:4 = scf.for %scan3A_468 = %scan3A_43 to %scan3A_45 step %scan3A_46 iter_args(%scan3A_469 = %scan3A, %scan3A_470 = %scan3A_40, %scan3A_471 = %scan3A_41, %scan3A_472 = %scan3A_42) -> (f32, f32, f32, f32)  : i32 {
      %mul3A_473 = arith.constant 16 : i32
      %mul3A_474 = arith.muli %scan3A_468, %mul3A_473 : i32
      %get3A = arith.constant 0 : i32
      %get3A_475 = arith.constant 0 : i32
      %get3A_476 = arith.index_cast %get3A : i32 to index
      %get3A_477 = arith.index_cast %get3A_475 : i32 to index
      %get3A_478 = arith.index_cast %mul3A_474 : i32 to index
      %get3A_479 = tpu.vector_load %arg4[%get3A_476, %get3A_477, %get3A_478] {strides = array<i32>} : memref<2x4x4096xf32, #tpu.memory_space<vmem>>, vector<16xf32>,
      %broadcast_in_dim3A = arith.constant true
      %broadcast_in_dim3A_480 = vector.broadcast %broadcast_in_dim3A : i1 to vector<16xi1>
      %masked_cumsum3A = tpu.scan <sum>, %get3A_479 masked %broadcast_in_dim3A_480 : vector<16xf32>, vector<16xi1> -> vector<16xf32>
      %sub3A = arith.subf %masked_cumsum3A, %get3A_479 : vector<16xf32>
      %add3A_481 = vector.broadcast %scan3A_469 : f32 to vector<16xf32>
      %add3A_482 = arith.addf %sub3A, %add3A_481 : vector<16xf32>
      %mul3A_483 = arith.constant 16 : i32
      %mul3A_484 = arith.muli %scan3A_468, %mul3A_483 : i32
      %swap3A = arith.constant 0 : i32
      %swap3A_485 = arith.constant 0 : i32
      %swap3A_486 = arith.index_cast %swap3A : i32 to index
      %swap3A_487 = arith.index_cast %swap3A_485 : i32 to index
      %swap3A_488 = arith.index_cast %mul3A_484 : i32 to index
      %swap3A_489 = tpu.vector_load %arg5[%swap3A_486, %swap3A_487, %swap3A_488] {strides = array<i32>} : memref<2x4x4096xf32, #tpu.memory_space<vmem>>, vector<16xf32>,
      tpu.vector_store %arg5[%swap3A_486, %swap3A_487, %swap3A_488], %add3A_482 {strides = array<i32>} : memref<2x4x4096xf32, #tpu.memory_space<vmem>>, vector<16xf32>,
      %reduce_sum3A = arith.constant true
      %reduce_sum3A_490 = vector.broadcast %reduce_sum3A : i1 to vector<16xi1>
      %reduce_sum3A_491 = tpu.scan <sum>, %get3A_479 masked %reduce_sum3A_490 : vector<16xf32>, vector<16xi1> -> vector<16xf32>
      %reduce_sum3A_492 = vector.extract %reduce_sum3A_491[15] : f32 from vector<16xf32>
      %add3A_493 = arith.addf %scan3A_469, %reduce_sum3A_492 : f32
      %mul3A_494 = arith.constant 16 : i32
      %mul3A_495 = arith.muli %scan3A_468, %mul3A_494 : i32
      %get3A_496 = arith.constant 0 : i32
      %get3A_497 = arith.constant 1 : i32
      %get3A_498 = arith.index_cast %get3A_496 : i32 to index
      %get3A_499 = arith.index_cast %get3A_497 : i32 to index
      %get3A_500 = arith.index_cast %mul3A_495 : i32 to index
      %get3A_501 = tpu.vector_load %arg4[%get3A_498, %get3A_499, %get3A_500] {strides = array<i32>} : memref<2x4x4096xf32, #tpu.memory_space<vmem>>, vector<16xf32>,
      %broadcast_in_dim3A_502 = arith.constant true
      %broadcast_in_dim3A_503 = vector.broadcast %broadcast_in_dim3A_502 : i1 to vector<16xi1>
      %masked_cumsum3A_504 = tpu.scan <sum>, %get3A_501 masked %broadcast_in_dim3A_503 : vector<16xf32>, vector<16xi1> -> vector<16xf32>
      %sub3A_505 = arith.subf %masked_cumsum3A_504, %get3A_501 : vector<16xf32>
      %add3A_506 = vector.broadcast %scan3A_470 : f32 to vector<16xf32>
      %add3A_507 = arith.addf %sub3A_505, %add3A_506 : vector<16xf32>
      %mul3A_508 = arith.constant 16 : i32
      %mul3A_509 = arith.muli %scan3A_468, %mul3A_508 : i32
      %swap3A_510 = arith.constant 0 : i32
      %swap3A_511 = arith.constant 1 : i32
      %swap3A_512 = arith.index_cast %swap3A_510 : i32 to index
      %swap3A_513 = arith.index_cast %swap3A_511 : i32 to index
      %swap3A_514 = arith.index_cast %mul3A_509 : i32 to index
      %swap3A_515 = tpu.vector_load %arg5[%swap3A_512, %swap3A_513, %swap3A_514] {strides = array<i32>} : memref<2x4x4096xf32, #tpu.memory_space<vmem>>, vector<16xf32>,
      tpu.vector_store %arg5[%swap3A_512, %swap3A_513, %swap3A_514], %add3A_507 {strides = array<i32>} : memref<2x4x4096xf32, #tpu.memory_space<vmem>>, vector<16xf32>,
      %reduce_sum3A_516 = arith.constant true
      %reduce_sum3A_517 = vector.broadcast %reduce_sum3A_516 : i1 to vector<16xi1>
      %reduce_sum3A_518 = tpu.scan <sum>, %get3A_501 masked %reduce_sum3A_517 : vector<16xf32>, vector<16xi1> -> vector<16xf32>
      %reduce_sum3A_519 = vector.extract %reduce_sum3A_518[15] : f32 from vector<16xf32>
      %add3A_520 = arith.addf %scan3A_470, %reduce_sum3A_519 : f32
      %mul3A_521 = arith.constant 16 : i32
      %mul3A_522 = arith.muli %scan3A_468, %mul3A_521 : i32
      %get3A_523 = arith.constant 0 : i32
      %get3A_524 = arith.constant 2 : i32
      %get3A_525 = arith.index_cast %get3A_523 : i32 to index
      %get3A_526 = arith.index_cast %get3A_524 : i32 to index
      %get3A_527 = arith.index_cast %mul3A_522 : i32 to index
      %get3A_528 = tpu.vector_load %arg4[%get3A_525, %get3A_526, %get3A_527] {strides = array<i32>} : memref<2x4x4096xf32, #tpu.memory_space<vmem>>, vector<16xf32>,
      %broadcast_in_dim3A_529 = arith.constant true
      %broadcast_in_dim3A_530 = vector.broadcast %broadcast_in_dim3A_529 : i1 to vector<16xi1>
      %masked_cumsum3A_531 = tpu.scan <sum>, %get3A_528 masked %broadcast_in_dim3A_530 : vector<16xf32>, vector<16xi1> -> vector<16xf32>
      %sub3A_532 = arith.subf %masked_cumsum3A_531, %get3A_528 : vector<16xf32>
      %add3A_533 = vector.broadcast %scan3A_471 : f32 to vector<16xf32>
      %add3A_534 = arith.addf %sub3A_532, %add3A_533 : vector<16xf32>
      %mul3A_535 = arith.constant 16 : i32
      %mul3A_536 = arith.muli %scan3A_468, %mul3A_535 : i32
      %swap3A_537 = arith.constant 0 : i32
      %swap3A_538 = arith.constant 2 : i32
      %swap3A_539 = arith.index_cast %swap3A_537 : i32 to index
      %swap3A_540 = arith.index_cast %swap3A_538 : i32 to index
      %swap3A_541 = arith.index_cast %mul3A_536 : i32 to index
      %swap3A_542 = tpu.vector_load %arg5[%swap3A_539, %swap3A_540, %swap3A_541] {strides = array<i32>} : memref<2x4x4096xf32, #tpu.memory_space<vmem>>, vector<16xf32>,
      tpu.vector_store %arg5[%swap3A_539, %swap3A_540, %swap3A_541], %add3A_534 {strides = array<i32>} : memref<2x4x4096xf32, #tpu.memory_space<vmem>>, vector<16xf32>,
      %reduce_sum3A_543 = arith.constant true
      %reduce_sum3A_544 = vector.broadcast %reduce_sum3A_543 : i1 to vector<16xi1>
      %reduce_sum3A_545 = tpu.scan <sum>, %get3A_528 masked %reduce_sum3A_544 : vector<16xf32>, vector<16xi1> -> vector<16xf32>
      %reduce_sum3A_546 = vector.extract %reduce_sum3A_545[15] : f32 from vector<16xf32>
      %add3A_547 = arith.addf %scan3A_471, %reduce_sum3A_546 : f32
      %mul3A_548 = arith.constant 16 : i32
      %mul3A_549 = arith.muli %scan3A_468, %mul3A_548 : i32
      %get3A_550 = arith.constant 0 : i32
      %get3A_551 = arith.constant 3 : i32
      %get3A_552 = arith.index_cast %get3A_550 : i32 to index
      %get3A_553 = arith.index_cast %get3A_551 : i32 to index
      %get3A_554 = arith.index_cast %mul3A_549 : i32 to index
      %get3A_555 = tpu.vector_load %arg4[%get3A_552, %get3A_553, %get3A_554] {strides = array<i32>} : memref<2x4x4096xf32, #tpu.memory_space<vmem>>, vector<16xf32>,
      %broadcast_in_dim3A_556 = arith.constant true
      %broadcast_in_dim3A_557 = vector.broadcast %broadcast_in_dim3A_556 : i1 to vector<16xi1>
      %masked_cumsum3A_558 = tpu.scan <sum>, %get3A_555 masked %broadcast_in_dim3A_557 : vector<16xf32>, vector<16xi1> -> vector<16xf32>
      %sub3A_559 = arith.subf %masked_cumsum3A_558, %get3A_555 : vector<16xf32>
      %add3A_560 = vector.broadcast %scan3A_472 : f32 to vector<16xf32>
      %add3A_561 = arith.addf %sub3A_559, %add3A_560 : vector<16xf32>
      %mul3A_562 = arith.constant 16 : i32
      %mul3A_563 = arith.muli %scan3A_468, %mul3A_562 : i32
      %swap3A_564 = arith.constant 0 : i32
      %swap3A_565 = arith.constant 3 : i32
      %swap3A_566 = arith.index_cast %swap3A_564 : i32 to index
      %swap3A_567 = arith.index_cast %swap3A_565 : i32 to index
      %swap3A_568 = arith.index_cast %mul3A_563 : i32 to index
      %swap3A_569 = tpu.vector_load %arg5[%swap3A_566, %swap3A_567, %swap3A_568] {strides = array<i32>} : memref<2x4x4096xf32, #tpu.memory_space<vmem>>, vector<16xf32>,
      tpu.vector_store %arg5[%swap3A_566, %swap3A_567, %swap3A_568], %add3A_561 {strides = array<i32>} : memref<2x4x4096xf32, #tpu.memory_space<vmem>>, vector<16xf32>,
      %reduce_sum3A_570 = arith.constant true
      %reduce_sum3A_571 = vector.broadcast %reduce_sum3A_570 : i1 to vector<16xi1>
      %reduce_sum3A_572 = tpu.scan <sum>, %get3A_555 masked %reduce_sum3A_571 : vector<16xf32>, vector<16xi1> -> vector<16xf32>
      %reduce_sum3A_573 = vector.extract %reduce_sum3A_572[15] : f32 from vector<16xf32>
      %add3A_574 = arith.addf %scan3A_472, %reduce_sum3A_573 : f32
      scf.yield %add3A_493, %add3A_520, %add3A_547, %add3A_574 : f32, f32, f32, f32
    }
    %scan3A_48 = arith.constant 256 : i32
    %dma_start3A_49 = arith.constant 0 : i32
    %dma_start3A_50 = arith.constant 0 : i32
    %dma_start3A_51 = arith.constant 0 : i32
    %dma_start3A_52 = tpu.memref_slice %arg5[%dma_start3A_49, %dma_start3A_50, %dma_start3A_51] : memref<2x4x4096xf32, #tpu.memory_space<vmem>> -> memref<1x4x4096xf32, #tpu.memory_space<vmem>>
    %dma_start3A_53 = tpu.memref_squeeze %dma_start3A_52 : memref<1x4x4096xf32, #tpu.memory_space<vmem>> -> memref<4x4096xf32, #tpu.memory_space<vmem>>
    %dma_start3A_54 = arith.constant 0 : i32
    %dma_start3A_55 = tpu.memref_slice %arg3[%mul3A_2, %dma_start3A_54] : memref<128x32768xf32, #tpu.memory_space<hbm>> -> memref<4x4096xf32, #tpu.memory_space<hbm>>
    %dma_start3A_56 = arith.constant 0 : i32
    %dma_start3A_57 = tpu.memref_slice %arg3[%mul3A_2, %dma_start3A_56] : memref<128x32768xf32, #tpu.memory_space<hbm>> -> memref<4x4096xf32, #tpu.memory_space<hbm>>
    %dma_start3A_58 = arith.constant 0 : i32
    %dma_start3A_59 = arith.constant 0 : i32
    %dma_start3A_60 = tpu.memref_slice %arg5[%dma_start3A_49, %dma_start3A_58, %dma_start3A_59] : memref<2x4x4096xf32, #tpu.memory_space<vmem>> -> memref<1x4x4096xf32, #tpu.memory_space<vmem>>
    %dma_start3A_61 = tpu.memref_squeeze %dma_start3A_60 : memref<1x4x4096xf32, #tpu.memory_space<vmem>> -> memref<4x4096xf32, #tpu.memory_space<vmem>>
    tpu.enqueue_dma source(%dma_start3A_61 : memref<4x4096xf32, #tpu.memory_space<vmem>>) target(%dma_start3A_57 : memref<4x4096xf32, #tpu.memory_space<hbm>>) target_semaphore(%arg8 : memref<!tpu.dma_semaphore, #tpu.memory_space<semaphore_mem>>)
    %dma_start3A_62 = arith.constant 0 : i32
    %dma_start3A_63 = arith.constant 0 : i32
    %dma_start3A_64 = arith.constant 0 : i32
    %dma_start3A_65 = tpu.memref_slice %arg4[%dma_start3A_62, %dma_start3A_63, %dma_start3A_64] : memref<2x4x4096xf32, #tpu.memory_space<vmem>> -> memref<1x4x4096xf32, #tpu.memory_space<vmem>>
    %dma_start3A_66 = tpu.memref_squeeze %dma_start3A_65 : memref<1x4x4096xf32, #tpu.memory_space<vmem>> -> memref<4x4096xf32, #tpu.memory_space<vmem>>
    %dma_start3A_67 = arith.constant 8192 : i32
    %dma_start3A_68 = tpu.memref_slice %arg2[%mul3A_2, %dma_start3A_67] : memref<128x32768xf32, #tpu.memory_space<hbm>> -> memref<4x4096xf32, #tpu.memory_space<hbm>>
    %dma_start3A_69 = arith.constant 0 : i32
    %dma_start3A_70 = arith.constant 0 : i32
    %dma_start3A_71 = tpu.memref_slice %arg4[%dma_start3A_62, %dma_start3A_69, %dma_start3A_70] : memref<2x4x4096xf32, #tpu.memory_space<vmem>> -> memref<1x4x4096xf32, #tpu.memory_space<vmem>>
    %dma_start3A_72 = tpu.memref_squeeze %dma_start3A_71 : memref<1x4x4096xf32, #tpu.memory_space<vmem>> -> memref<4x4096xf32, #tpu.memory_space<vmem>>
    %dma_start3A_73 = arith.constant 8192 : i32
    %dma_start3A_74 = tpu.memref_slice %arg2[%mul3A_2, %dma_start3A_73] : memref<128x32768xf32, #tpu.memory_space<hbm>> -> memref<4x4096xf32, #tpu.memory_space<hbm>>
    tpu.enqueue_dma source(%dma_start3A_74 : memref<4x4096xf32, #tpu.memory_space<hbm>>) target(%dma_start3A_72 : memref<4x4096xf32, #tpu.memory_space<vmem>>) target_semaphore(%arg6 : memref<!tpu.dma_semaphore, #tpu.memory_space<semaphore_mem>>)
    %dma_wait3A_75 = arith.constant 1 : i32
    %dma_wait3A_76 = arith.constant 0 : i32
    %dma_wait3A_77 = arith.constant 0 : i32
    %dma_wait3A_78 = tpu.memref_slice %arg4[%dma_wait3A_75, %dma_wait3A_76, %dma_wait3A_77] : memref<2x4x4096xf32, #tpu.memory_space<vmem>> -> memref<1x4x4096xf32, #tpu.memory_space<vmem>>
    %dma_wait3A_79 = tpu.memref_squeeze %dma_wait3A_78 : memref<1x4x4096xf32, #tpu.memory_space<vmem>> -> memref<4x4096xf32, #tpu.memory_space<vmem>>
    %dma_wait3A_80 = arith.constant 4096 : i32
    %dma_wait3A_81 = tpu.memref_slice %arg2[%mul3A_2, %dma_wait3A_80] : memref<128x32768xf32, #tpu.memory_space<hbm>> -> memref<4x4096xf32, #tpu.memory_space<hbm>>
    %dma_wait3A_82 = arith.constant 0 : i32
    %dma_wait3A_83 = arith.constant 0 : i32
    %dma_wait3A_84 = tpu.memref_slice %arg4[%dma_wait3A_75, %dma_wait3A_82, %dma_wait3A_83] : memref<2x4x4096xf32, #tpu.memory_space<vmem>> -> memref<1x4x4096xf32, #tpu.memory_space<vmem>>
    %dma_wait3A_85 = tpu.memref_squeeze %dma_wait3A_84 : memref<1x4x4096xf32, #tpu.memory_space<vmem>> -> memref<4x4096xf32, #tpu.memory_space<vmem>>
    %dma_wait3A_86 = arith.constant 4096 : i32
    %dma_wait3A_87 = tpu.memref_slice %arg2[%mul3A_2, %dma_wait3A_86] : memref<128x32768xf32, #tpu.memory_space<hbm>> -> memref<4x4096xf32, #tpu.memory_space<hbm>>
    tpu.wait_dma2 semaphore(%arg7 : memref<!tpu.dma_semaphore, #tpu.memory_space<semaphore_mem>>) src(%dma_wait3A_87 : memref<4x4096xf32, #tpu.memory_space<hbm>>) dst(%dma_wait3A_85 : memref<4x4096xf32, #tpu.memory_space<vmem>>)
    %scan3A_88 = arith.constant 0 : i32
    %scan3A_89 = arith.constant 256 : i32
    %scan3A_90 = arith.addi %scan3A_88, %scan3A_89 : i32
    %scan3A_91 = arith.constant 1 : i32
    %scan3A_92:4 = scf.for %scan3A_468 = %scan3A_88 to %scan3A_90 step %scan3A_91 iter_args(%scan3A_469 = %scan3A_47#0, %scan3A_470 = %scan3A_47#1, %scan3A_471 = %scan3A_47#2, %scan3A_472 = %scan3A_47#3) -> (f32, f32, f32, f32)  : i32 {
      %mul3A_473 = arith.constant 16 : i32
      %mul3A_474 = arith.muli %scan3A_468, %mul3A_473 : i32
      %get3A = arith.constant 1 : i32
      %get3A_475 = arith.constant 0 : i32
      %get3A_476 = arith.index_cast %get3A : i32 to index
      %get3A_477 = arith.index_cast %get3A_475 : i32 to index
      %get3A_478 = arith.index_cast %mul3A_474 : i32 to index
      %get3A_479 = tpu.vector_load %arg4[%get3A_476, %get3A_477, %get3A_478] {strides = array<i32>} : memref<2x4x4096xf32, #tpu.memory_space<vmem>>, vector<16xf32>,
      %broadcast_in_dim3A = arith.constant true
      %broadcast_in_dim3A_480 = vector.broadcast %broadcast_in_dim3A : i1 to vector<16xi1>
      %masked_cumsum3A = tpu.scan <sum>, %get3A_479 masked %broadcast_in_dim3A_480 : vector<16xf32>, vector<16xi1> -> vector<16xf32>
      %sub3A = arith.subf %masked_cumsum3A, %get3A_479 : vector<16xf32>
      %add3A_481 = vector.broadcast %scan3A_469 : f32 to vector<16xf32>
      %add3A_482 = arith.addf %sub3A, %add3A_481 : vector<16xf32>
      %mul3A_483 = arith.constant 16 : i32
      %mul3A_484 = arith.muli %scan3A_468, %mul3A_483 : i32
      %swap3A = arith.constant 1 : i32
      %swap3A_485 = arith.constant 0 : i32
      %swap3A_486 = arith.index_cast %swap3A : i32 to index
      %swap3A_487 = arith.index_cast %swap3A_485 : i32 to index
      %swap3A_488 = arith.index_cast %mul3A_484 : i32 to index
      %swap3A_489 = tpu.vector_load %arg5[%swap3A_486, %swap3A_487, %swap3A_488] {strides = array<i32>} : memref<2x4x4096xf32, #tpu.memory_space<vmem>>, vector<16xf32>,
      tpu.vector_store %arg5[%swap3A_486, %swap3A_487, %swap3A_488], %add3A_482 {strides = array<i32>} : memref<2x4x4096xf32, #tpu.memory_space<vmem>>, vector<16xf32>,
      %reduce_sum3A = arith.constant true
      %reduce_sum3A_490 = vector.broadcast %reduce_sum3A : i1 to vector<16xi1>
      %reduce_sum3A_491 = tpu.scan <sum>, %get3A_479 masked %reduce_sum3A_490 : vector<16xf32>, vector<16xi1> -> vector<16xf32>
      %reduce_sum3A_492 = vector.extract %reduce_sum3A_491[15] : f32 from vector<16xf32>
      %add3A_493 = arith.addf %scan3A_469, %reduce_sum3A_492 : f32
      %mul3A_494 = arith.constant 16 : i32
      %mul3A_495 = arith.muli %scan3A_468, %mul3A_494 : i32
      %get3A_496 = arith.constant 1 : i32
      %get3A_497 = arith.constant 1 : i32
      %get3A_498 = arith.index_cast %get3A_496 : i32 to index
      %get3A_499 = arith.index_cast %get3A_497 : i32 to index
      %get3A_500 = arith.index_cast %mul3A_495 : i32 to index
      %get3A_501 = tpu.vector_load %arg4[%get3A_498, %get3A_499, %get3A_500] {strides = array<i32>} : memref<2x4x4096xf32, #tpu.memory_space<vmem>>, vector<16xf32>,
      %broadcast_in_dim3A_502 = arith.constant true
      %broadcast_in_dim3A_503 = vector.broadcast %broadcast_in_dim3A_502 : i1 to vector<16xi1>
      %masked_cumsum3A_504 = tpu.scan <sum>, %get3A_501 masked %broadcast_in_dim3A_503 : vector<16xf32>, vector<16xi1> -> vector<16xf32>
      %sub3A_505 = arith.subf %masked_cumsum3A_504, %get3A_501 : vector<16xf32>
      %add3A_506 = vector.broadcast %scan3A_470 : f32 to vector<16xf32>
      %add3A_507 = arith.addf %sub3A_505, %add3A_506 : vector<16xf32>
      %mul3A_508 = arith.constant 16 : i32
      %mul3A_509 = arith.muli %scan3A_468, %mul3A_508 : i32
      %swap3A_510 = arith.constant 1 : i32
      %swap3A_511 = arith.constant 1 : i32
      %swap3A_512 = arith.index_cast %swap3A_510 : i32 to index
      %swap3A_513 = arith.index_cast %swap3A_511 : i32 to index
      %swap3A_514 = arith.index_cast %mul3A_509 : i32 to index
      %swap3A_515 = tpu.vector_load %arg5[%swap3A_512, %swap3A_513, %swap3A_514] {strides = array<i32>} : memref<2x4x4096xf32, #tpu.memory_space<vmem>>, vector<16xf32>,
      tpu.vector_store %arg5[%swap3A_512, %swap3A_513, %swap3A_514], %add3A_507 {strides = array<i32>} : memref<2x4x4096xf32, #tpu.memory_space<vmem>>, vector<16xf32>,
      %reduce_sum3A_516 = arith.constant true
      %reduce_sum3A_517 = vector.broadcast %reduce_sum3A_516 : i1 to vector<16xi1>
      %reduce_sum3A_518 = tpu.scan <sum>, %get3A_501 masked %reduce_sum3A_517 : vector<16xf32>, vector<16xi1> -> vector<16xf32>
      %reduce_sum3A_519 = vector.extract %reduce_sum3A_518[15] : f32 from vector<16xf32>
      %add3A_520 = arith.addf %scan3A_470, %reduce_sum3A_519 : f32
      %mul3A_521 = arith.constant 16 : i32
      %mul3A_522 = arith.muli %scan3A_468, %mul3A_521 : i32
      %get3A_523 = arith.constant 1 : i32
      %get3A_524 = arith.constant 2 : i32
      %get3A_525 = arith.index_cast %get3A_523 : i32 to index
      %get3A_526 = arith.index_cast %get3A_524 : i32 to index
      %get3A_527 = arith.index_cast %mul3A_522 : i32 to index
      %get3A_528 = tpu.vector_load %arg4[%get3A_525, %get3A_526, %get3A_527] {strides = array<i32>} : memref<2x4x4096xf32, #tpu.memory_space<vmem>>, vector<16xf32>,
      %broadcast_in_dim3A_529 = arith.constant true
      %broadcast_in_dim3A_530 = vector.broadcast %broadcast_in_dim3A_529 : i1 to vector<16xi1>
      %masked_cumsum3A_531 = tpu.scan <sum>, %get3A_528 masked %broadcast_in_dim3A_530 : vector<16xf32>, vector<16xi1> -> vector<16xf32>
      %sub3A_532 = arith.subf %masked_cumsum3A_531, %get3A_528 : vector<16xf32>
      %add3A_533 = vector.broadcast %scan3A_471 : f32 to vector<16xf32>
      %add3A_534 = arith.addf %sub3A_532, %add3A_533 : vector<16xf32>
      %mul3A_535 = arith.constant 16 : i32
      %mul3A_536 = arith.muli %scan3A_468, %mul3A_535 : i32
      %swap3A_537 = arith.constant 1 : i32
      %swap3A_538 = arith.constant 2 : i32
      %swap3A_539 = arith.index_cast %swap3A_537 : i32 to index
      %swap3A_540 = arith.index_cast %swap3A_538 : i32 to index
      %swap3A_541 = arith.index_cast %mul3A_536 : i32 to index
      %swap3A_542 = tpu.vector_load %arg5[%swap3A_539, %swap3A_540, %swap3A_541] {strides = array<i32>} : memref<2x4x4096xf32, #tpu.memory_space<vmem>>, vector<16xf32>,
      tpu.vector_store %arg5[%swap3A_539, %swap3A_540, %swap3A_541], %add3A_534 {strides = array<i32>} : memref<2x4x4096xf32, #tpu.memory_space<vmem>>, vector<16xf32>,
      %reduce_sum3A_543 = arith.constant true
      %reduce_sum3A_544 = vector.broadcast %reduce_sum3A_543 : i1 to vector<16xi1>
      %reduce_sum3A_545 = tpu.scan <sum>, %get3A_528 masked %reduce_sum3A_544 : vector<16xf32>, vector<16xi1> -> vector<16xf32>
      %reduce_sum3A_546 = vector.extract %reduce_sum3A_545[15] : f32 from vector<16xf32>
      %add3A_547 = arith.addf %scan3A_471, %reduce_sum3A_546 : f32
      %mul3A_548 = arith.constant 16 : i32
      %mul3A_549 = arith.muli %scan3A_468, %mul3A_548 : i32
      %get3A_550 = arith.constant 1 : i32
      %get3A_551 = arith.constant 3 : i32
      %get3A_552 = arith.index_cast %get3A_550 : i32 to index
      %get3A_553 = arith.index_cast %get3A_551 : i32 to index
      %get3A_554 = arith.index_cast %mul3A_549 : i32 to index
      %get3A_555 = tpu.vector_load %arg4[%get3A_552, %get3A_553, %get3A_554] {strides = array<i32>} : memref<2x4x4096xf32, #tpu.memory_space<vmem>>, vector<16xf32>,
      %broadcast_in_dim3A_556 = arith.constant true
      %broadcast_in_dim3A_557 = vector.broadcast %broadcast_in_dim3A_556 : i1 to vector<16xi1>
      %masked_cumsum3A_558 = tpu.scan <sum>, %get3A_555 masked %broadcast_in_dim3A_557 : vector<16xf32>, vector<16xi1> -> vector<16xf32>
      %sub3A_559 = arith.subf %masked_cumsum3A_558, %get3A_555 : vector<16xf32>
      %add3A_560 = vector.broadcast %scan3A_472 : f32 to vector<16xf32>
      %add3A_561 = arith.addf %sub3A_559, %add3A_560 : vector<16xf32>
      %mul3A_562 = arith.constant 16 : i32
      %mul3A_563 = arith.muli %scan3A_468, %mul3A_562 : i32
      %swap3A_564 = arith.constant 1 : i32
      %swap3A_565 = arith.constant 3 : i32
      %swap3A_566 = arith.index_cast %swap3A_564 : i32 to index
      %swap3A_567 = arith.index_cast %swap3A_565 : i32 to index
      %swap3A_568 = arith.index_cast %mul3A_563 : i32 to index
      %swap3A_569 = tpu.vector_load %arg5[%swap3A_566, %swap3A_567, %swap3A_568] {strides = array<i32>} : memref<2x4x4096xf32, #tpu.memory_space<vmem>>, vector<16xf32>,
      tpu.vector_store %arg5[%swap3A_566, %swap3A_567, %swap3A_568], %add3A_561 {strides = array<i32>} : memref<2x4x4096xf32, #tpu.memory_space<vmem>>, vector<16xf32>,
      %reduce_sum3A_570 = arith.constant true
      %reduce_sum3A_571 = vector.broadcast %reduce_sum3A_570 : i1 to vector<16xi1>
      %reduce_sum3A_572 = tpu.scan <sum>, %get3A_555 masked %reduce_sum3A_571 : vector<16xf32>, vector<16xi1> -> vector<16xf32>
      %reduce_sum3A_573 = vector.extract %reduce_sum3A_572[15] : f32 from vector<16xf32>
      %add3A_574 = arith.addf %scan3A_472, %reduce_sum3A_573 : f32
      scf.yield %add3A_493, %add3A_520, %add3A_547, %add3A_574 : f32, f32, f32, f32
    }
    %scan3A_93 = arith.constant 256 : i32
    %dma_start3A_94 = arith.constant 1 : i32
    %dma_start3A_95 = arith.constant 0 : i32
    %dma_start3A_96 = arith.constant 0 : i32
    %dma_start3A_97 = tpu.memref_slice %arg5[%dma_start3A_94, %dma_start3A_95, %dma_start3A_96] : memref<2x4x4096xf32, #tpu.memory_space<vmem>> -> memref<1x4x4096xf32, #tpu.memory_space<vmem>>
    %dma_start3A_98 = tpu.memref_squeeze %dma_start3A_97 : memref<1x4x4096xf32, #tpu.memory_space<vmem>> -> memref<4x4096xf32, #tpu.memory_space<vmem>>
    %dma_start3A_99 = arith.constant 4096 : i32
    %dma_start3A_100 = tpu.memref_slice %arg3[%mul3A_2, %dma_start3A_99] : memref<128x32768xf32, #tpu.memory_space<hbm>> -> memref<4x4096xf32, #tpu.memory_space<hbm>>
    %dma_start3A_101 = arith.constant 4096 : i32
    %dma_start3A_102 = tpu.memref_slice %arg3[%mul3A_2, %dma_start3A_101] : memref<128x32768xf32, #tpu.memory_space<hbm>> -> memref<4x4096xf32, #tpu.memory_space<hbm>>
    %dma_start3A_103 = arith.constant 0 : i32
    %dma_start3A_104 = arith.constant 0 : i32
    %dma_start3A_105 = tpu.memref_slice %arg5[%dma_start3A_94, %dma_start3A_103, %dma_start3A_104] : memref<2x4x4096xf32, #tpu.memory_space<vmem>> -> memref<1x4x4096xf32, #tpu.memory_space<vmem>>
    %dma_start3A_106 = tpu.memref_squeeze %dma_start3A_105 : memref<1x4x4096xf32, #tpu.memory_space<vmem>> -> memref<4x4096xf32, #tpu.memory_space<vmem>>
    tpu.enqueue_dma source(%dma_start3A_106 : memref<4x4096xf32, #tpu.memory_space<vmem>>) target(%dma_start3A_102 : memref<4x4096xf32, #tpu.memory_space<hbm>>) target_semaphore(%arg9 : memref<!tpu.dma_semaphore, #tpu.memory_space<semaphore_mem>>)
    %dma_start3A_107 = arith.constant 1 : i32
    %dma_start3A_108 = arith.constant 0 : i32
    %dma_start3A_109 = arith.constant 0 : i32
    %dma_start3A_110 = tpu.memref_slice %arg4[%dma_start3A_107, %dma_start3A_108, %dma_start3A_109] : memref<2x4x4096xf32, #tpu.memory_space<vmem>> -> memref<1x4x4096xf32, #tpu.memory_space<vmem>>
    %dma_start3A_111 = tpu.memref_squeeze %dma_start3A_110 : memref<1x4x4096xf32, #tpu.memory_space<vmem>> -> memref<4x4096xf32, #tpu.memory_space<vmem>>
    %dma_start3A_112 = arith.constant 12288 : i32
    %dma_start3A_113 = tpu.memref_slice %arg2[%mul3A_2, %dma_start3A_112] : memref<128x32768xf32, #tpu.memory_space<hbm>> -> memref<4x4096xf32, #tpu.memory_space<hbm>>
    %dma_start3A_114 = arith.constant 0 : i32
    %dma_start3A_115 = arith.constant 0 : i32
    %dma_start3A_116 = tpu.memref_slice %arg4[%dma_start3A_107, %dma_start3A_114, %dma_start3A_115] : memref<2x4x4096xf32, #tpu.memory_space<vmem>> -> memref<1x4x4096xf32, #tpu.memory_space<vmem>>
    %dma_start3A_117 = tpu.memref_squeeze %dma_start3A_116 : memref<1x4x4096xf32, #tpu.memory_space<vmem>> -> memref<4x4096xf32, #tpu.memory_space<vmem>>
    %dma_start3A_118 = arith.constant 12288 : i32
    %dma_start3A_119 = tpu.memref_slice %arg2[%mul3A_2, %dma_start3A_118] : memref<128x32768xf32, #tpu.memory_space<hbm>> -> memref<4x4096xf32, #tpu.memory_space<hbm>>
    tpu.enqueue_dma source(%dma_start3A_119 : memref<4x4096xf32, #tpu.memory_space<hbm>>) target(%dma_start3A_117 : memref<4x4096xf32, #tpu.memory_space<vmem>>) target_semaphore(%arg7 : memref<!tpu.dma_semaphore, #tpu.memory_space<semaphore_mem>>)
    %dma_wait3A_120 = arith.constant 0 : i32
    %dma_wait3A_121 = arith.constant 0 : i32
    %dma_wait3A_122 = arith.constant 0 : i32
    %dma_wait3A_123 = tpu.memref_slice %arg4[%dma_wait3A_120, %dma_wait3A_121, %dma_wait3A_122] : memref<2x4x4096xf32, #tpu.memory_space<vmem>> -> memref<1x4x4096xf32, #tpu.memory_space<vmem>>
    %dma_wait3A_124 = tpu.memref_squeeze %dma_wait3A_123 : memref<1x4x4096xf32, #tpu.memory_space<vmem>> -> memref<4x4096xf32, #tpu.memory_space<vmem>>
    %dma_wait3A_125 = arith.constant 8192 : i32
    %dma_wait3A_126 = tpu.memref_slice %arg2[%mul3A_2, %dma_wait3A_125] : memref<128x32768xf32, #tpu.memory_space<hbm>> -> memref<4x4096xf32, #tpu.memory_space<hbm>>
    %dma_wait3A_127 = arith.constant 0 : i32
    %dma_wait3A_128 = arith.constant 0 : i32
    %dma_wait3A_129 = tpu.memref_slice %arg4[%dma_wait3A_120, %dma_wait3A_127, %dma_wait3A_128] : memref<2x4x4096xf32, #tpu.memory_space<vmem>> -> memref<1x4x4096xf32, #tpu.memory_space<vmem>>
    %dma_wait3A_130 = tpu.memref_squeeze %dma_wait3A_129 : memref<1x4x4096xf32, #tpu.memory_space<vmem>> -> memref<4x4096xf32, #tpu.memory_space<vmem>>
    %dma_wait3A_131 = arith.constant 8192 : i32
    %dma_wait3A_132 = tpu.memref_slice %arg2[%mul3A_2, %dma_wait3A_131] : memref<128x32768xf32, #tpu.memory_space<hbm>> -> memref<4x4096xf32, #tpu.memory_space<hbm>>
    tpu.wait_dma2 semaphore(%arg6 : memref<!tpu.dma_semaphore, #tpu.memory_space<semaphore_mem>>) src(%dma_wait3A_132 : memref<4x4096xf32, #tpu.memory_space<hbm>>) dst(%dma_wait3A_130 : memref<4x4096xf32, #tpu.memory_space<vmem>>)
    %dma_wait3A_133 = arith.constant 0 : i32
    %dma_wait3A_134 = arith.constant 0 : i32
    %dma_wait3A_135 = arith.constant 0 : i32
    %dma_wait3A_136 = tpu.memref_slice %arg5[%dma_wait3A_133, %dma_wait3A_134, %dma_wait3A_135] : memref<2x4x4096xf32, #tpu.memory_space<vmem>> -> memref<1x4x4096xf32, #tpu.memory_space<vmem>>
    %dma_wait3A_137 = tpu.memref_squeeze %dma_wait3A_136 : memref<1x4x4096xf32, #tpu.memory_space<vmem>> -> memref<4x4096xf32, #tpu.memory_space<vmem>>
    %dma_wait3A_138 = arith.constant 0 : i32
    %dma_wait3A_139 = tpu.memref_slice %arg3[%mul3A_2, %dma_wait3A_138] : memref<128x32768xf32, #tpu.memory_space<hbm>> -> memref<4x4096xf32, #tpu.memory_space<hbm>>
    %dma_wait3A_140 = arith.constant 0 : i32
    %dma_wait3A_141 = tpu.memref_slice %arg3[%mul3A_2, %dma_wait3A_140] : memref<128x32768xf32, #tpu.memory_space<hbm>> -> memref<4x4096xf32, #tpu.memory_space<hbm>>
    %dma_wait3A_142 = arith.constant 0 : i32
    %dma_wait3A_143 = arith.constant 0 : i32
    %dma_wait3A_144 = tpu.memref_slice %arg5[%dma_wait3A_133, %dma_wait3A_142, %dma_wait3A_143] : memref<2x4x4096xf32, #tpu.memory_space<vmem>> -> memref<1x4x4096xf32, #tpu.memory_space<vmem>>
    %dma_wait3A_145 = tpu.memref_squeeze %dma_wait3A_144 : memref<1x4x4096xf32, #tpu.memory_space<vmem>> -> memref<4x4096xf32, #tpu.memory_space<vmem>>
    tpu.wait_dma2 semaphore(%arg8 : memref<!tpu.dma_semaphore, #tpu.memory_space<semaphore_mem>>) src(%dma_wait3A_145 : memref<4x4096xf32, #tpu.memory_space<vmem>>) dst(%dma_wait3A_141 : memref<4x4096xf32, #tpu.memory_space<hbm>>)
    %scan3A_146 = arith.constant 0 : i32
    %scan3A_147 = arith.constant 256 : i32
    %scan3A_148 = arith.addi %scan3A_146, %scan3A_147 : i32
    %scan3A_149 = arith.constant 1 : i32
    %scan3A_150:4 = scf.for %scan3A_468 = %scan3A_146 to %scan3A_148 step %scan3A_149 iter_args(%scan3A_469 = %scan3A_92#0, %scan3A_470 = %scan3A_92#1, %scan3A_471 = %scan3A_92#2, %scan3A_472 = %scan3A_92#3) -> (f32, f32, f32, f32)  : i32 {
      %mul3A_473 = arith.constant 16 : i32
      %mul3A_474 = arith.muli %scan3A_468, %mul3A_473 : i32
      %get3A = arith.constant 0 : i32
      %get3A_475 = arith.constant 0 : i32
      %get3A_476 = arith.index_cast %get3A : i32 to index
      %get3A_477 = arith.index_cast %get3A_475 : i32 to index
      %get3A_478 = arith.index_cast %mul3A_474 : i32 to index
      %get3A_479 = tpu.vector_load %arg4[%get3A_476, %get3A_477, %get3A_478] {strides = array<i32>} : memref<2x4x4096xf32, #tpu.memory_space<vmem>>, vector<16xf32>,
      %broadcast_in_dim3A = arith.constant true
      %broadcast_in_dim3A_480 = vector.broadcast %broadcast_in_dim3A : i1 to vector<16xi1>
      %masked_cumsum3A = tpu.scan <sum>, %get3A_479 masked %broadcast_in_dim3A_480 : vector<16xf32>, vector<16xi1> -> vector<16xf32>
      %sub3A = arith.subf %masked_cumsum3A, %get3A_479 : vector<16xf32>
      %add3A_481 = vector.broadcast %scan3A_469 : f32 to vector<16xf32>
      %add3A_482 = arith.addf %sub3A, %add3A_481 : vector<16xf32>
      %mul3A_483 = arith.constant 16 : i32
      %mul3A_484 = arith.muli %scan3A_468, %mul3A_483 : i32
      %swap3A = arith.constant 0 : i32
      %swap3A_485 = arith.constant 0 : i32
      %swap3A_486 = arith.index_cast %swap3A : i32 to index
      %swap3A_487 = arith.index_cast %swap3A_485 : i32 to index
      %swap3A_488 = arith.index_cast %mul3A_484 : i32 to index
      %swap3A_489 = tpu.vector_load %arg5[%swap3A_486, %swap3A_487, %swap3A_488] {strides = array<i32>} : memref<2x4x4096xf32, #tpu.memory_space<vmem>>, vector<16xf32>,
      tpu.vector_store %arg5[%swap3A_486, %swap3A_487, %swap3A_488], %add3A_482 {strides = array<i32>} : memref<2x4x4096xf32, #tpu.memory_space<vmem>>, vector<16xf32>,
      %reduce_sum3A = arith.constant true
      %reduce_sum3A_490 = vector.broadcast %reduce_sum3A : i1 to vector<16xi1>
      %reduce_sum3A_491 = tpu.scan <sum>, %get3A_479 masked %reduce_sum3A_490 : vector<16xf32>, vector<16xi1> -> vector<16xf32>
      %reduce_sum3A_492 = vector.extract %reduce_sum3A_491[15] : f32 from vector<16xf32>
      %add3A_493 = arith.addf %scan3A_469, %reduce_sum3A_492 : f32
      %mul3A_494 = arith.constant 16 : i32
      %mul3A_495 = arith.muli %scan3A_468, %mul3A_494 : i32
      %get3A_496 = arith.constant 0 : i32
      %get3A_497 = arith.constant 1 : i32
      %get3A_498 = arith.index_cast %get3A_496 : i32 to index
      %get3A_499 = arith.index_cast %get3A_497 : i32 to index
      %get3A_500 = arith.index_cast %mul3A_495 : i32 to index
      %get3A_501 = tpu.vector_load %arg4[%get3A_498, %get3A_499, %get3A_500] {strides = array<i32>} : memref<2x4x4096xf32, #tpu.memory_space<vmem>>, vector<16xf32>,
      %broadcast_in_dim3A_502 = arith.constant true
      %broadcast_in_dim3A_503 = vector.broadcast %broadcast_in_dim3A_502 : i1 to vector<16xi1>
      %masked_cumsum3A_504 = tpu.scan <sum>, %get3A_501 masked %broadcast_in_dim3A_503 : vector<16xf32>, vector<16xi1> -> vector<16xf32>
      %sub3A_505 = arith.subf %masked_cumsum3A_504, %get3A_501 : vector<16xf32>
      %add3A_506 = vector.broadcast %scan3A_470 : f32 to vector<16xf32>
      %add3A_507 = arith.addf %sub3A_505, %add3A_506 : vector<16xf32>
      %mul3A_508 = arith.constant 16 : i32
      %mul3A_509 = arith.muli %scan3A_468, %mul3A_508 : i32
      %swap3A_510 = arith.constant 0 : i32
      %swap3A_511 = arith.constant 1 : i32
      %swap3A_512 = arith.index_cast %swap3A_510 : i32 to index
      %swap3A_513 = arith.index_cast %swap3A_511 : i32 to index
      %swap3A_514 = arith.index_cast %mul3A_509 : i32 to index
      %swap3A_515 = tpu.vector_load %arg5[%swap3A_512, %swap3A_513, %swap3A_514] {strides = array<i32>} : memref<2x4x4096xf32, #tpu.memory_space<vmem>>, vector<16xf32>,
      tpu.vector_store %arg5[%swap3A_512, %swap3A_513, %swap3A_514], %add3A_507 {strides = array<i32>} : memref<2x4x4096xf32, #tpu.memory_space<vmem>>, vector<16xf32>,
      %reduce_sum3A_516 = arith.constant true
      %reduce_sum3A_517 = vector.broadcast %reduce_sum3A_516 : i1 to vector<16xi1>
      %reduce_sum3A_518 = tpu.scan <sum>, %get3A_501 masked %reduce_sum3A_517 : vector<16xf32>, vector<16xi1> -> vector<16xf32>
      %reduce_sum3A_519 = vector.extract %reduce_sum3A_518[15] : f32 from vector<16xf32>
      %add3A_520 = arith.addf %scan3A_470, %reduce_sum3A_519 : f32
      %mul3A_521 = arith.constant 16 : i32
      %mul3A_522 = arith.muli %scan3A_468, %mul3A_521 : i32
      %get3A_523 = arith.constant 0 : i32
      %get3A_524 = arith.constant 2 : i32
      %get3A_525 = arith.index_cast %get3A_523 : i32 to index
      %get3A_526 = arith.index_cast %get3A_524 : i32 to index
      %get3A_527 = arith.index_cast %mul3A_522 : i32 to index
      %get3A_528 = tpu.vector_load %arg4[%get3A_525, %get3A_526, %get3A_527] {strides = array<i32>} : memref<2x4x4096xf32, #tpu.memory_space<vmem>>, vector<16xf32>,
      %broadcast_in_dim3A_529 = arith.constant true
      %broadcast_in_dim3A_530 = vector.broadcast %broadcast_in_dim3A_529 : i1 to vector<16xi1>
      %masked_cumsum3A_531 = tpu.scan <sum>, %get3A_528 masked %broadcast_in_dim3A_530 : vector<16xf32>, vector<16xi1> -> vector<16xf32>
      %sub3A_532 = arith.subf %masked_cumsum3A_531, %get3A_528 : vector<16xf32>
      %add3A_533 = vector.broadcast %scan3A_471 : f32 to vector<16xf32>
      %add3A_534 = arith.addf %sub3A_532, %add3A_533 : vector<16xf32>
      %mul3A_535 = arith.constant 16 : i32
      %mul3A_536 = arith.muli %scan3A_468, %mul3A_535 : i32
      %swap3A_537 = arith.constant 0 : i32
      %swap3A_538 = arith.constant 2 : i32
      %swap3A_539 = arith.index_cast %swap3A_537 : i32 to index
      %swap3A_540 = arith.index_cast %swap3A_538 : i32 to index
      %swap3A_541 = arith.index_cast %mul3A_536 : i32 to index
      %swap3A_542 = tpu.vector_load %arg5[%swap3A_539, %swap3A_540, %swap3A_541] {strides = array<i32>} : memref<2x4x4096xf32, #tpu.memory_space<vmem>>, vector<16xf32>,
      tpu.vector_store %arg5[%swap3A_539, %swap3A_540, %swap3A_541], %add3A_534 {strides = array<i32>} : memref<2x4x4096xf32, #tpu.memory_space<vmem>>, vector<16xf32>,
      %reduce_sum3A_543 = arith.constant true
      %reduce_sum3A_544 = vector.broadcast %reduce_sum3A_543 : i1 to vector<16xi1>
      %reduce_sum3A_545 = tpu.scan <sum>, %get3A_528 masked %reduce_sum3A_544 : vector<16xf32>, vector<16xi1> -> vector<16xf32>
      %reduce_sum3A_546 = vector.extract %reduce_sum3A_545[15] : f32 from vector<16xf32>
      %add3A_547 = arith.addf %scan3A_471, %reduce_sum3A_546 : f32
      %mul3A_548 = arith.constant 16 : i32
      %mul3A_549 = arith.muli %scan3A_468, %mul3A_548 : i32
      %get3A_550 = arith.constant 0 : i32
      %get3A_551 = arith.constant 3 : i32
      %get3A_552 = arith.index_cast %get3A_550 : i32 to index
      %get3A_553 = arith.index_cast %get3A_551 : i32 to index
      %get3A_554 = arith.index_cast %mul3A_549 : i32 to index
      %get3A_555 = tpu.vector_load %arg4[%get3A_552, %get3A_553, %get3A_554] {strides = array<i32>} : memref<2x4x4096xf32, #tpu.memory_space<vmem>>, vector<16xf32>,
      %broadcast_in_dim3A_556 = arith.constant true
      %broadcast_in_dim3A_557 = vector.broadcast %broadcast_in_dim3A_556 : i1 to vector<16xi1>
      %masked_cumsum3A_558 = tpu.scan <sum>, %get3A_555 masked %broadcast_in_dim3A_557 : vector<16xf32>, vector<16xi1> -> vector<16xf32>
      %sub3A_559 = arith.subf %masked_cumsum3A_558, %get3A_555 : vector<16xf32>
      %add3A_560 = vector.broadcast %scan3A_472 : f32 to vector<16xf32>
      %add3A_561 = arith.addf %sub3A_559, %add3A_560 : vector<16xf32>
      %mul3A_562 = arith.constant 16 : i32
      %mul3A_563 = arith.muli %scan3A_468, %mul3A_562 : i32
      %swap3A_564 = arith.constant 0 : i32
      %swap3A_565 = arith.constant 3 : i32
      %swap3A_566 = arith.index_cast %swap3A_564 : i32 to index
      %swap3A_567 = arith.index_cast %swap3A_565 : i32 to index
      %swap3A_568 = arith.index_cast %mul3A_563 : i32 to index
      %swap3A_569 = tpu.vector_load %arg5[%swap3A_566, %swap3A_567, %swap3A_568] {strides = array<i32>} : memref<2x4x4096xf32, #tpu.memory_space<vmem>>, vector<16xf32>,
      tpu.vector_store %arg5[%swap3A_566, %swap3A_567, %swap3A_568], %add3A_561 {strides = array<i32>} : memref<2x4x4096xf32, #tpu.memory_space<vmem>>, vector<16xf32>,
      %reduce_sum3A_570 = arith.constant true
      %reduce_sum3A_571 = vector.broadcast %reduce_sum3A_570 : i1 to vector<16xi1>
      %reduce_sum3A_572 = tpu.scan <sum>, %get3A_555 masked %reduce_sum3A_571 : vector<16xf32>, vector<16xi1> -> vector<16xf32>
      %reduce_sum3A_573 = vector.extract %reduce_sum3A_572[15] : f32 from vector<16xf32>
      %add3A_574 = arith.addf %scan3A_472, %reduce_sum3A_573 : f32
      scf.yield %add3A_493, %add3A_520, %add3A_547, %add3A_574 : f32, f32, f32, f32
    }
    %scan3A_151 = arith.constant 256 : i32
    %dma_start3A_152 = arith.constant 0 : i32
    %dma_start3A_153 = arith.constant 0 : i32
    %dma_start3A_154 = arith.constant 0 : i32
    %dma_start3A_155 = tpu.memref_slice %arg5[%dma_start3A_152, %dma_start3A_153, %dma_start3A_154] : memref<2x4x4096xf32, #tpu.memory_space<vmem>> -> memref<1x4x4096xf32, #tpu.memory_space<vmem>>
    %dma_start3A_156 = tpu.memref_squeeze %dma_start3A_155 : memref<1x4x4096xf32, #tpu.memory_space<vmem>> -> memref<4x4096xf32, #tpu.memory_space<vmem>>
    %dma_start3A_157 = arith.constant 8192 : i32
    %dma_start3A_158 = tpu.memref_slice %arg3[%mul3A_2, %dma_start3A_157] : memref<128x32768xf32, #tpu.memory_space<hbm>> -> memref<4x4096xf32, #tpu.memory_space<hbm>>
    %dma_start3A_159 = arith.constant 8192 : i32
    %dma_start3A_160 = tpu.memref_slice %arg3[%mul3A_2, %dma_start3A_159] : memref<128x32768xf32, #tpu.memory_space<hbm>> -> memref<4x4096xf32, #tpu.memory_space<hbm>>
    %dma_start3A_161 = arith.constant 0 : i32
    %dma_start3A_162 = arith.constant 0 : i32
    %dma_start3A_163 = tpu.memref_slice %arg5[%dma_start3A_152, %dma_start3A_161, %dma_start3A_162] : memref<2x4x4096xf32, #tpu.memory_space<vmem>> -> memref<1x4x4096xf32, #tpu.memory_space<vmem>>
    %dma_start3A_164 = tpu.memref_squeeze %dma_start3A_163 : memref<1x4x4096xf32, #tpu.memory_space<vmem>> -> memref<4x4096xf32, #tpu.memory_space<vmem>>
    tpu.enqueue_dma source(%dma_start3A_164 : memref<4x4096xf32, #tpu.memory_space<vmem>>) target(%dma_start3A_160 : memref<4x4096xf32, #tpu.memory_space<hbm>>) target_semaphore(%arg8 : memref<!tpu.dma_semaphore, #tpu.memory_space<semaphore_mem>>)
    %dma_start3A_165 = arith.constant 0 : i32
    %dma_start3A_166 = arith.constant 0 : i32
    %dma_start3A_167 = arith.constant 0 : i32
    %dma_start3A_168 = tpu.memref_slice %arg4[%dma_start3A_165, %dma_start3A_166, %dma_start3A_167] : memref<2x4x4096xf32, #tpu.memory_space<vmem>> -> memref<1x4x4096xf32, #tpu.memory_space<vmem>>
    %dma_start3A_169 = tpu.memref_squeeze %dma_start3A_168 : memref<1x4x4096xf32, #tpu.memory_space<vmem>> -> memref<4x4096xf32, #tpu.memory_space<vmem>>
    %dma_start3A_170 = arith.constant 16384 : i32
    %dma_start3A_171 = tpu.memref_slice %arg2[%mul3A_2, %dma_start3A_170] : memref<128x32768xf32, #tpu.memory_space<hbm>> -> memref<4x4096xf32, #tpu.memory_space<hbm>>
    %dma_start3A_172 = arith.constant 0 : i32
    %dma_start3A_173 = arith.constant 0 : i32
    %dma_start3A_174 = tpu.memref_slice %arg4[%dma_start3A_165, %dma_start3A_172, %dma_start3A_173] : memref<2x4x4096xf32, #tpu.memory_space<vmem>> -> memref<1x4x4096xf32, #tpu.memory_space<vmem>>
    %dma_start3A_175 = tpu.memref_squeeze %dma_start3A_174 : memref<1x4x4096xf32, #tpu.memory_space<vmem>> -> memref<4x4096xf32, #tpu.memory_space<vmem>>
    %dma_start3A_176 = arith.constant 16384 : i32
    %dma_start3A_177 = tpu.memref_slice %arg2[%mul3A_2, %dma_start3A_176] : memref<128x32768xf32, #tpu.memory_space<hbm>> -> memref<4x4096xf32, #tpu.memory_space<hbm>>
    tpu.enqueue_dma source(%dma_start3A_177 : memref<4x4096xf32, #tpu.memory_space<hbm>>) target(%dma_start3A_175 : memref<4x4096xf32, #tpu.memory_space<vmem>>) target_semaphore(%arg6 : memref<!tpu.dma_semaphore, #tpu.memory_space<semaphore_mem>>)
    %dma_wait3A_178 = arith.constant 1 : i32
    %dma_wait3A_179 = arith.constant 0 : i32
    %dma_wait3A_180 = arith.constant 0 : i32
    %dma_wait3A_181 = tpu.memref_slice %arg4[%dma_wait3A_178, %dma_wait3A_179, %dma_wait3A_180] : memref<2x4x4096xf32, #tpu.memory_space<vmem>> -> memref<1x4x4096xf32, #tpu.memory_space<vmem>>
    %dma_wait3A_182 = tpu.memref_squeeze %dma_wait3A_181 : memref<1x4x4096xf32, #tpu.memory_space<vmem>> -> memref<4x4096xf32, #tpu.memory_space<vmem>>
    %dma_wait3A_183 = arith.constant 12288 : i32
    %dma_wait3A_184 = tpu.memref_slice %arg2[%mul3A_2, %dma_wait3A_183] : memref<128x32768xf32, #tpu.memory_space<hbm>> -> memref<4x4096xf32, #tpu.memory_space<hbm>>
    %dma_wait3A_185 = arith.constant 0 : i32
    %dma_wait3A_186 = arith.constant 0 : i32
    %dma_wait3A_187 = tpu.memref_slice %arg4[%dma_wait3A_178, %dma_wait3A_185, %dma_wait3A_186] : memref<2x4x4096xf32, #tpu.memory_space<vmem>> -> memref<1x4x4096xf32, #tpu.memory_space<vmem>>
    %dma_wait3A_188 = tpu.memref_squeeze %dma_wait3A_187 : memref<1x4x4096xf32, #tpu.memory_space<vmem>> -> memref<4x4096xf32, #tpu.memory_space<vmem>>
    %dma_wait3A_189 = arith.constant 12288 : i32
    %dma_wait3A_190 = tpu.memref_slice %arg2[%mul3A_2, %dma_wait3A_189] : memref<128x32768xf32, #tpu.memory_space<hbm>> -> memref<4x4096xf32, #tpu.memory_space<hbm>>
    tpu.wait_dma2 semaphore(%arg7 : memref<!tpu.dma_semaphore, #tpu.memory_space<semaphore_mem>>) src(%dma_wait3A_190 : memref<4x4096xf32, #tpu.memory_space<hbm>>) dst(%dma_wait3A_188 : memref<4x4096xf32, #tpu.memory_space<vmem>>)
    %dma_wait3A_191 = arith.constant 1 : i32
    %dma_wait3A_192 = arith.constant 0 : i32
    %dma_wait3A_193 = arith.constant 0 : i32
    %dma_wait3A_194 = tpu.memref_slice %arg5[%dma_wait3A_191, %dma_wait3A_192, %dma_wait3A_193] : memref<2x4x4096xf32, #tpu.memory_space<vmem>> -> memref<1x4x4096xf32, #tpu.memory_space<vmem>>
    %dma_wait3A_195 = tpu.memref_squeeze %dma_wait3A_194 : memref<1x4x4096xf32, #tpu.memory_space<vmem>> -> memref<4x4096xf32, #tpu.memory_space<vmem>>
    %dma_wait3A_196 = arith.constant 4096 : i32
    %dma_wait3A_197 = tpu.memref_slice %arg3[%mul3A_2, %dma_wait3A_196] : memref<128x32768xf32, #tpu.memory_space<hbm>> -> memref<4x4096xf32, #tpu.memory_space<hbm>>
    %dma_wait3A_198 = arith.constant 4096 : i32
    %dma_wait3A_199 = tpu.memref_slice %arg3[%mul3A_2, %dma_wait3A_198] : memref<128x32768xf32, #tpu.memory_space<hbm>> -> memref<4x4096xf32, #tpu.memory_space<hbm>>
    %dma_wait3A_200 = arith.constant 0 : i32
    %dma_wait3A_201 = arith.constant 0 : i32
    %dma_wait3A_202 = tpu.memref_slice %arg5[%dma_wait3A_191, %dma_wait3A_200, %dma_wait3A_201] : memref<2x4x4096xf32, #tpu.memory_space<vmem>> -> memref<1x4x4096xf32, #tpu.memory_space<vmem>>
    %dma_wait3A_203 = tpu.memref_squeeze %dma_wait3A_202 : memref<1x4x4096xf32, #tpu.memory_space<vmem>> -> memref<4x4096xf32, #tpu.memory_space<vmem>>
    tpu.wait_dma2 semaphore(%arg9 : memref<!tpu.dma_semaphore, #tpu.memory_space<semaphore_mem>>) src(%dma_wait3A_203 : memref<4x4096xf32, #tpu.memory_space<vmem>>) dst(%dma_wait3A_199 : memref<4x4096xf32, #tpu.memory_space<hbm>>)
    %scan3A_204 = arith.constant 0 : i32
    %scan3A_205 = arith.constant 256 : i32
    %scan3A_206 = arith.addi %scan3A_204, %scan3A_205 : i32
    %scan3A_207 = arith.constant 1 : i32
    %scan3A_208:4 = scf.for %scan3A_468 = %scan3A_204 to %scan3A_206 step %scan3A_207 iter_args(%scan3A_469 = %scan3A_150#0, %scan3A_470 = %scan3A_150#1, %scan3A_471 = %scan3A_150#2, %scan3A_472 = %scan3A_150#3) -> (f32, f32, f32, f32)  : i32 {
      %mul3A_473 = arith.constant 16 : i32
      %mul3A_474 = arith.muli %scan3A_468, %mul3A_473 : i32
      %get3A = arith.constant 1 : i32
      %get3A_475 = arith.constant 0 : i32
      %get3A_476 = arith.index_cast %get3A : i32 to index
      %get3A_477 = arith.index_cast %get3A_475 : i32 to index
      %get3A_478 = arith.index_cast %mul3A_474 : i32 to index
      %get3A_479 = tpu.vector_load %arg4[%get3A_476, %get3A_477, %get3A_478] {strides = array<i32>} : memref<2x4x4096xf32, #tpu.memory_space<vmem>>, vector<16xf32>,
      %broadcast_in_dim3A = arith.constant true
      %broadcast_in_dim3A_480 = vector.broadcast %broadcast_in_dim3A : i1 to vector<16xi1>
      %masked_cumsum3A = tpu.scan <sum>, %get3A_479 masked %broadcast_in_dim3A_480 : vector<16xf32>, vector<16xi1> -> vector<16xf32>
      %sub3A = arith.subf %masked_cumsum3A, %get3A_479 : vector<16xf32>
      %add3A_481 = vector.broadcast %scan3A_469 : f32 to vector<16xf32>
      %add3A_482 = arith.addf %sub3A, %add3A_481 : vector<16xf32>
      %mul3A_483 = arith.constant 16 : i32
      %mul3A_484 = arith.muli %scan3A_468, %mul3A_483 : i32
      %swap3A = arith.constant 1 : i32
      %swap3A_485 = arith.constant 0 : i32
      %swap3A_486 = arith.index_cast %swap3A : i32 to index
      %swap3A_487 = arith.index_cast %swap3A_485 : i32 to index
      %swap3A_488 = arith.index_cast %mul3A_484 : i32 to index
      %swap3A_489 = tpu.vector_load %arg5[%swap3A_486, %swap3A_487, %swap3A_488] {strides = array<i32>} : memref<2x4x4096xf32, #tpu.memory_space<vmem>>, vector<16xf32>,
      tpu.vector_store %arg5[%swap3A_486, %swap3A_487, %swap3A_488], %add3A_482 {strides = array<i32>} : memref<2x4x4096xf32, #tpu.memory_space<vmem>>, vector<16xf32>,
      %reduce_sum3A = arith.constant true
      %reduce_sum3A_490 = vector.broadcast %reduce_sum3A : i1 to vector<16xi1>
      %reduce_sum3A_491 = tpu.scan <sum>, %get3A_479 masked %reduce_sum3A_490 : vector<16xf32>, vector<16xi1> -> vector<16xf32>
      %reduce_sum3A_492 = vector.extract %reduce_sum3A_491[15] : f32 from vector<16xf32>
      %add3A_493 = arith.addf %scan3A_469, %reduce_sum3A_492 : f32
      %mul3A_494 = arith.constant 16 : i32
      %mul3A_495 = arith.muli %scan3A_468, %mul3A_494 : i32
      %get3A_496 = arith.constant 1 : i32
      %get3A_497 = arith.constant 1 : i32
      %get3A_498 = arith.index_cast %get3A_496 : i32 to index
      %get3A_499 = arith.index_cast %get3A_497 : i32 to index
      %get3A_500 = arith.index_cast %mul3A_495 : i32 to index
      %get3A_501 = tpu.vector_load %arg4[%get3A_498, %get3A_499, %get3A_500] {strides = array<i32>} : memref<2x4x4096xf32, #tpu.memory_space<vmem>>, vector<16xf32>,
      %broadcast_in_dim3A_502 = arith.constant true
      %broadcast_in_dim3A_503 = vector.broadcast %broadcast_in_dim3A_502 : i1 to vector<16xi1>
      %masked_cumsum3A_504 = tpu.scan <sum>, %get3A_501 masked %broadcast_in_dim3A_503 : vector<16xf32>, vector<16xi1> -> vector<16xf32>
      %sub3A_505 = arith.subf %masked_cumsum3A_504, %get3A_501 : vector<16xf32>
      %add3A_506 = vector.broadcast %scan3A_470 : f32 to vector<16xf32>
      %add3A_507 = arith.addf %sub3A_505, %add3A_506 : vector<16xf32>
      %mul3A_508 = arith.constant 16 : i32
      %mul3A_509 = arith.muli %scan3A_468, %mul3A_508 : i32
      %swap3A_510 = arith.constant 1 : i32
      %swap3A_511 = arith.constant 1 : i32
      %swap3A_512 = arith.index_cast %swap3A_510 : i32 to index
      %swap3A_513 = arith.index_cast %swap3A_511 : i32 to index
      %swap3A_514 = arith.index_cast %mul3A_509 : i32 to index
      %swap3A_515 = tpu.vector_load %arg5[%swap3A_512, %swap3A_513, %swap3A_514] {strides = array<i32>} : memref<2x4x4096xf32, #tpu.memory_space<vmem>>, vector<16xf32>,
      tpu.vector_store %arg5[%swap3A_512, %swap3A_513, %swap3A_514], %add3A_507 {strides = array<i32>} : memref<2x4x4096xf32, #tpu.memory_space<vmem>>, vector<16xf32>,
      %reduce_sum3A_516 = arith.constant true
      %reduce_sum3A_517 = vector.broadcast %reduce_sum3A_516 : i1 to vector<16xi1>
      %reduce_sum3A_518 = tpu.scan <sum>, %get3A_501 masked %reduce_sum3A_517 : vector<16xf32>, vector<16xi1> -> vector<16xf32>
      %reduce_sum3A_519 = vector.extract %reduce_sum3A_518[15] : f32 from vector<16xf32>
      %add3A_520 = arith.addf %scan3A_470, %reduce_sum3A_519 : f32
      %mul3A_521 = arith.constant 16 : i32
      %mul3A_522 = arith.muli %scan3A_468, %mul3A_521 : i32
      %get3A_523 = arith.constant 1 : i32
      %get3A_524 = arith.constant 2 : i32
      %get3A_525 = arith.index_cast %get3A_523 : i32 to index
      %get3A_526 = arith.index_cast %get3A_524 : i32 to index
      %get3A_527 = arith.index_cast %mul3A_522 : i32 to index
      %get3A_528 = tpu.vector_load %arg4[%get3A_525, %get3A_526, %get3A_527] {strides = array<i32>} : memref<2x4x4096xf32, #tpu.memory_space<vmem>>, vector<16xf32>,
      %broadcast_in_dim3A_529 = arith.constant true
      %broadcast_in_dim3A_530 = vector.broadcast %broadcast_in_dim3A_529 : i1 to vector<16xi1>
      %masked_cumsum3A_531 = tpu.scan <sum>, %get3A_528 masked %broadcast_in_dim3A_530 : vector<16xf32>, vector<16xi1> -> vector<16xf32>
      %sub3A_532 = arith.subf %masked_cumsum3A_531, %get3A_528 : vector<16xf32>
      %add3A_533 = vector.broadcast %scan3A_471 : f32 to vector<16xf32>
      %add3A_534 = arith.addf %sub3A_532, %add3A_533 : vector<16xf32>
      %mul3A_535 = arith.constant 16 : i32
      %mul3A_536 = arith.muli %scan3A_468, %mul3A_535 : i32
      %swap3A_537 = arith.constant 1 : i32
      %swap3A_538 = arith.constant 2 : i32
      %swap3A_539 = arith.index_cast %swap3A_537 : i32 to index
      %swap3A_540 = arith.index_cast %swap3A_538 : i32 to index
      %swap3A_541 = arith.index_cast %mul3A_536 : i32 to index
      %swap3A_542 = tpu.vector_load %arg5[%swap3A_539, %swap3A_540, %swap3A_541] {strides = array<i32>} : memref<2x4x4096xf32, #tpu.memory_space<vmem>>, vector<16xf32>,
      tpu.vector_store %arg5[%swap3A_539, %swap3A_540, %swap3A_541], %add3A_534 {strides = array<i32>} : memref<2x4x4096xf32, #tpu.memory_space<vmem>>, vector<16xf32>,
      %reduce_sum3A_543 = arith.constant true
      %reduce_sum3A_544 = vector.broadcast %reduce_sum3A_543 : i1 to vector<16xi1>
      %reduce_sum3A_545 = tpu.scan <sum>, %get3A_528 masked %reduce_sum3A_544 : vector<16xf32>, vector<16xi1> -> vector<16xf32>
      %reduce_sum3A_546 = vector.extract %reduce_sum3A_545[15] : f32 from vector<16xf32>
      %add3A_547 = arith.addf %scan3A_471, %reduce_sum3A_546 : f32
      %mul3A_548 = arith.constant 16 : i32
      %mul3A_549 = arith.muli %scan3A_468, %mul3A_548 : i32
      %get3A_550 = arith.constant 1 : i32
      %get3A_551 = arith.constant 3 : i32
      %get3A_552 = arith.index_cast %get3A_550 : i32 to index
      %get3A_553 = arith.index_cast %get3A_551 : i32 to index
      %get3A_554 = arith.index_cast %mul3A_549 : i32 to index
      %get3A_555 = tpu.vector_load %arg4[%get3A_552, %get3A_553, %get3A_554] {strides = array<i32>} : memref<2x4x4096xf32, #tpu.memory_space<vmem>>, vector<16xf32>,
      %broadcast_in_dim3A_556 = arith.constant true
      %broadcast_in_dim3A_557 = vector.broadcast %broadcast_in_dim3A_556 : i1 to vector<16xi1>
      %masked_cumsum3A_558 = tpu.scan <sum>, %get3A_555 masked %broadcast_in_dim3A_557 : vector<16xf32>, vector<16xi1> -> vector<16xf32>
      %sub3A_559 = arith.subf %masked_cumsum3A_558, %get3A_555 : vector<16xf32>
      %add3A_560 = vector.broadcast %scan3A_472 : f32 to vector<16xf32>
      %add3A_561 = arith.addf %sub3A_559, %add3A_560 : vector<16xf32>
      %mul3A_562 = arith.constant 16 : i32
      %mul3A_563 = arith.muli %scan3A_468, %mul3A_562 : i32
      %swap3A_564 = arith.constant 1 : i32
      %swap3A_565 = arith.constant 3 : i32
      %swap3A_566 = arith.index_cast %swap3A_564 : i32 to index
      %swap3A_567 = arith.index_cast %swap3A_565 : i32 to index
      %swap3A_568 = arith.index_cast %mul3A_563 : i32 to index
      %swap3A_569 = tpu.vector_load %arg5[%swap3A_566, %swap3A_567, %swap3A_568] {strides = array<i32>} : memref<2x4x4096xf32, #tpu.memory_space<vmem>>, vector<16xf32>,
      tpu.vector_store %arg5[%swap3A_566, %swap3A_567, %swap3A_568], %add3A_561 {strides = array<i32>} : memref<2x4x4096xf32, #tpu.memory_space<vmem>>, vector<16xf32>,
      %reduce_sum3A_570 = arith.constant true
      %reduce_sum3A_571 = vector.broadcast %reduce_sum3A_570 : i1 to vector<16xi1>
      %reduce_sum3A_572 = tpu.scan <sum>, %get3A_555 masked %reduce_sum3A_571 : vector<16xf32>, vector<16xi1> -> vector<16xf32>
      %reduce_sum3A_573 = vector.extract %reduce_sum3A_572[15] : f32 from vector<16xf32>
      %add3A_574 = arith.addf %scan3A_472, %reduce_sum3A_573 : f32
      scf.yield %add3A_493, %add3A_520, %add3A_547, %add3A_574 : f32, f32, f32, f32
    }
    %scan3A_209 = arith.constant 256 : i32
    %dma_start3A_210 = arith.constant 1 : i32
    %dma_start3A_211 = arith.constant 0 : i32
    %dma_start3A_212 = arith.constant 0 : i32
    %dma_start3A_213 = tpu.memref_slice %arg5[%dma_start3A_210, %dma_start3A_211, %dma_start3A_212] : memref<2x4x4096xf32, #tpu.memory_space<vmem>> -> memref<1x4x4096xf32, #tpu.memory_space<vmem>>
    %dma_start3A_214 = tpu.memref_squeeze %dma_start3A_213 : memref<1x4x4096xf32, #tpu.memory_space<vmem>> -> memref<4x4096xf32, #tpu.memory_space<vmem>>
    %dma_start3A_215 = arith.constant 12288 : i32
    %dma_start3A_216 = tpu.memref_slice %arg3[%mul3A_2, %dma_start3A_215] : memref<128x32768xf32, #tpu.memory_space<hbm>> -> memref<4x4096xf32, #tpu.memory_space<hbm>>
    %dma_start3A_217 = arith.constant 12288 : i32
    %dma_start3A_218 = tpu.memref_slice %arg3[%mul3A_2, %dma_start3A_217] : memref<128x32768xf32, #tpu.memory_space<hbm>> -> memref<4x4096xf32, #tpu.memory_space<hbm>>
    %dma_start3A_219 = arith.constant 0 : i32
    %dma_start3A_220 = arith.constant 0 : i32
    %dma_start3A_221 = tpu.memref_slice %arg5[%dma_start3A_210, %dma_start3A_219, %dma_start3A_220] : memref<2x4x4096xf32, #tpu.memory_space<vmem>> -> memref<1x4x4096xf32, #tpu.memory_space<vmem>>
    %dma_start3A_222 = tpu.memref_squeeze %dma_start3A_221 : memref<1x4x4096xf32, #tpu.memory_space<vmem>> -> memref<4x4096xf32, #tpu.memory_space<vmem>>
    tpu.enqueue_dma source(%dma_start3A_222 : memref<4x4096xf32, #tpu.memory_space<vmem>>) target(%dma_start3A_218 : memref<4x4096xf32, #tpu.memory_space<hbm>>) target_semaphore(%arg9 : memref<!tpu.dma_semaphore, #tpu.memory_space<semaphore_mem>>)
    %dma_start3A_223 = arith.constant 1 : i32
    %dma_start3A_224 = arith.constant 0 : i32
    %dma_start3A_225 = arith.constant 0 : i32
    %dma_start3A_226 = tpu.memref_slice %arg4[%dma_start3A_223, %dma_start3A_224, %dma_start3A_225] : memref<2x4x4096xf32, #tpu.memory_space<vmem>> -> memref<1x4x4096xf32, #tpu.memory_space<vmem>>
    %dma_start3A_227 = tpu.memref_squeeze %dma_start3A_226 : memref<1x4x4096xf32, #tpu.memory_space<vmem>> -> memref<4x4096xf32, #tpu.memory_space<vmem>>
    %dma_start3A_228 = arith.constant 20480 : i32
    %dma_start3A_229 = tpu.memref_slice %arg2[%mul3A_2, %dma_start3A_228] : memref<128x32768xf32, #tpu.memory_space<hbm>> -> memref<4x4096xf32, #tpu.memory_space<hbm>>
    %dma_start3A_230 = arith.constant 0 : i32
    %dma_start3A_231 = arith.constant 0 : i32
    %dma_start3A_232 = tpu.memref_slice %arg4[%dma_start3A_223, %dma_start3A_230, %dma_start3A_231] : memref<2x4x4096xf32, #tpu.memory_space<vmem>> -> memref<1x4x4096xf32, #tpu.memory_space<vmem>>
    %dma_start3A_233 = tpu.memref_squeeze %dma_start3A_232 : memref<1x4x4096xf32, #tpu.memory_space<vmem>> -> memref<4x4096xf32, #tpu.memory_space<vmem>>
    %dma_start3A_234 = arith.constant 20480 : i32
    %dma_start3A_235 = tpu.memref_slice %arg2[%mul3A_2, %dma_start3A_234] : memref<128x32768xf32, #tpu.memory_space<hbm>> -> memref<4x4096xf32, #tpu.memory_space<hbm>>
    tpu.enqueue_dma source(%dma_start3A_235 : memref<4x4096xf32, #tpu.memory_space<hbm>>) target(%dma_start3A_233 : memref<4x4096xf32, #tpu.memory_space<vmem>>) target_semaphore(%arg7 : memref<!tpu.dma_semaphore, #tpu.memory_space<semaphore_mem>>)
    %dma_wait3A_236 = arith.constant 0 : i32
    %dma_wait3A_237 = arith.constant 0 : i32
    %dma_wait3A_238 = arith.constant 0 : i32
    %dma_wait3A_239 = tpu.memref_slice %arg4[%dma_wait3A_236, %dma_wait3A_237, %dma_wait3A_238] : memref<2x4x4096xf32, #tpu.memory_space<vmem>> -> memref<1x4x4096xf32, #tpu.memory_space<vmem>>
    %dma_wait3A_240 = tpu.memref_squeeze %dma_wait3A_239 : memref<1x4x4096xf32, #tpu.memory_space<vmem>> -> memref<4x4096xf32, #tpu.memory_space<vmem>>
    %dma_wait3A_241 = arith.constant 16384 : i32
    %dma_wait3A_242 = tpu.memref_slice %arg2[%mul3A_2, %dma_wait3A_241] : memref<128x32768xf32, #tpu.memory_space<hbm>> -> memref<4x4096xf32, #tpu.memory_space<hbm>>
    %dma_wait3A_243 = arith.constant 0 : i32
    %dma_wait3A_244 = arith.constant 0 : i32
    %dma_wait3A_245 = tpu.memref_slice %arg4[%dma_wait3A_236, %dma_wait3A_243, %dma_wait3A_244] : memref<2x4x4096xf32, #tpu.memory_space<vmem>> -> memref<1x4x4096xf32, #tpu.memory_space<vmem>>
    %dma_wait3A_246 = tpu.memref_squeeze %dma_wait3A_245 : memref<1x4x4096xf32, #tpu.memory_space<vmem>> -> memref<4x4096xf32, #tpu.memory_space<vmem>>
    %dma_wait3A_247 = arith.constant 16384 : i32
    %dma_wait3A_248 = tpu.memref_slice %arg2[%mul3A_2, %dma_wait3A_247] : memref<128x32768xf32, #tpu.memory_space<hbm>> -> memref<4x4096xf32, #tpu.memory_space<hbm>>
    tpu.wait_dma2 semaphore(%arg6 : memref<!tpu.dma_semaphore, #tpu.memory_space<semaphore_mem>>) src(%dma_wait3A_248 : memref<4x4096xf32, #tpu.memory_space<hbm>>) dst(%dma_wait3A_246 : memref<4x4096xf32, #tpu.memory_space<vmem>>)
    %dma_wait3A_249 = arith.constant 0 : i32
    %dma_wait3A_250 = arith.constant 0 : i32
    %dma_wait3A_251 = arith.constant 0 : i32
    %dma_wait3A_252 = tpu.memref_slice %arg5[%dma_wait3A_249, %dma_wait3A_250, %dma_wait3A_251] : memref<2x4x4096xf32, #tpu.memory_space<vmem>> -> memref<1x4x4096xf32, #tpu.memory_space<vmem>>
    %dma_wait3A_253 = tpu.memref_squeeze %dma_wait3A_252 : memref<1x4x4096xf32, #tpu.memory_space<vmem>> -> memref<4x4096xf32, #tpu.memory_space<vmem>>
    %dma_wait3A_254 = arith.constant 8192 : i32
    %dma_wait3A_255 = tpu.memref_slice %arg3[%mul3A_2, %dma_wait3A_254] : memref<128x32768xf32, #tpu.memory_space<hbm>> -> memref<4x4096xf32, #tpu.memory_space<hbm>>
    %dma_wait3A_256 = arith.constant 8192 : i32
    %dma_wait3A_257 = tpu.memref_slice %arg3[%mul3A_2, %dma_wait3A_256] : memref<128x32768xf32, #tpu.memory_space<hbm>> -> memref<4x4096xf32, #tpu.memory_space<hbm>>
    %dma_wait3A_258 = arith.constant 0 : i32
    %dma_wait3A_259 = arith.constant 0 : i32
    %dma_wait3A_260 = tpu.memref_slice %arg5[%dma_wait3A_249, %dma_wait3A_258, %dma_wait3A_259] : memref<2x4x4096xf32, #tpu.memory_space<vmem>> -> memref<1x4x4096xf32, #tpu.memory_space<vmem>>
    %dma_wait3A_261 = tpu.memref_squeeze %dma_wait3A_260 : memref<1x4x4096xf32, #tpu.memory_space<vmem>> -> memref<4x4096xf32, #tpu.memory_space<vmem>>
    tpu.wait_dma2 semaphore(%arg8 : memref<!tpu.dma_semaphore, #tpu.memory_space<semaphore_mem>>) src(%dma_wait3A_261 : memref<4x4096xf32, #tpu.memory_space<vmem>>) dst(%dma_wait3A_257 : memref<4x4096xf32, #tpu.memory_space<hbm>>)
    %scan3A_262 = arith.constant 0 : i32
    %scan3A_263 = arith.constant 256 : i32
    %scan3A_264 = arith.addi %scan3A_262, %scan3A_263 : i32
    %scan3A_265 = arith.constant 1 : i32
    %scan3A_266:4 = scf.for %scan3A_468 = %scan3A_262 to %scan3A_264 step %scan3A_265 iter_args(%scan3A_469 = %scan3A_208#0, %scan3A_470 = %scan3A_208#1, %scan3A_471 = %scan3A_208#2, %scan3A_472 = %scan3A_208#3) -> (f32, f32, f32, f32)  : i32 {
      %mul3A_473 = arith.constant 16 : i32
      %mul3A_474 = arith.muli %scan3A_468, %mul3A_473 : i32
      %get3A = arith.constant 0 : i32
      %get3A_475 = arith.constant 0 : i32
      %get3A_476 = arith.index_cast %get3A : i32 to index
      %get3A_477 = arith.index_cast %get3A_475 : i32 to index
      %get3A_478 = arith.index_cast %mul3A_474 : i32 to index
      %get3A_479 = tpu.vector_load %arg4[%get3A_476, %get3A_477, %get3A_478] {strides = array<i32>} : memref<2x4x4096xf32, #tpu.memory_space<vmem>>, vector<16xf32>,
      %broadcast_in_dim3A = arith.constant true
      %broadcast_in_dim3A_480 = vector.broadcast %broadcast_in_dim3A : i1 to vector<16xi1>
      %masked_cumsum3A = tpu.scan <sum>, %get3A_479 masked %broadcast_in_dim3A_480 : vector<16xf32>, vector<16xi1> -> vector<16xf32>
      %sub3A = arith.subf %masked_cumsum3A, %get3A_479 : vector<16xf32>
      %add3A_481 = vector.broadcast %scan3A_469 : f32 to vector<16xf32>
      %add3A_482 = arith.addf %sub3A, %add3A_481 : vector<16xf32>
      %mul3A_483 = arith.constant 16 : i32
      %mul3A_484 = arith.muli %scan3A_468, %mul3A_483 : i32
      %swap3A = arith.constant 0 : i32
      %swap3A_485 = arith.constant 0 : i32
      %swap3A_486 = arith.index_cast %swap3A : i32 to index
      %swap3A_487 = arith.index_cast %swap3A_485 : i32 to index
      %swap3A_488 = arith.index_cast %mul3A_484 : i32 to index
      %swap3A_489 = tpu.vector_load %arg5[%swap3A_486, %swap3A_487, %swap3A_488] {strides = array<i32>} : memref<2x4x4096xf32, #tpu.memory_space<vmem>>, vector<16xf32>,
      tpu.vector_store %arg5[%swap3A_486, %swap3A_487, %swap3A_488], %add3A_482 {strides = array<i32>} : memref<2x4x4096xf32, #tpu.memory_space<vmem>>, vector<16xf32>,
      %reduce_sum3A = arith.constant true
      %reduce_sum3A_490 = vector.broadcast %reduce_sum3A : i1 to vector<16xi1>
      %reduce_sum3A_491 = tpu.scan <sum>, %get3A_479 masked %reduce_sum3A_490 : vector<16xf32>, vector<16xi1> -> vector<16xf32>
      %reduce_sum3A_492 = vector.extract %reduce_sum3A_491[15] : f32 from vector<16xf32>
      %add3A_493 = arith.addf %scan3A_469, %reduce_sum3A_492 : f32
      %mul3A_494 = arith.constant 16 : i32
      %mul3A_495 = arith.muli %scan3A_468, %mul3A_494 : i32
      %get3A_496 = arith.constant 0 : i32
      %get3A_497 = arith.constant 1 : i32
      %get3A_498 = arith.index_cast %get3A_496 : i32 to index
      %get3A_499 = arith.index_cast %get3A_497 : i32 to index
      %get3A_500 = arith.index_cast %mul3A_495 : i32 to index
      %get3A_501 = tpu.vector_load %arg4[%get3A_498, %get3A_499, %get3A_500] {strides = array<i32>} : memref<2x4x4096xf32, #tpu.memory_space<vmem>>, vector<16xf32>,
      %broadcast_in_dim3A_502 = arith.constant true
      %broadcast_in_dim3A_503 = vector.broadcast %broadcast_in_dim3A_502 : i1 to vector<16xi1>
      %masked_cumsum3A_504 = tpu.scan <sum>, %get3A_501 masked %broadcast_in_dim3A_503 : vector<16xf32>, vector<16xi1> -> vector<16xf32>
      %sub3A_505 = arith.subf %masked_cumsum3A_504, %get3A_501 : vector<16xf32>
      %add3A_506 = vector.broadcast %scan3A_470 : f32 to vector<16xf32>
      %add3A_507 = arith.addf %sub3A_505, %add3A_506 : vector<16xf32>
      %mul3A_508 = arith.constant 16 : i32
      %mul3A_509 = arith.muli %scan3A_468, %mul3A_508 : i32
      %swap3A_510 = arith.constant 0 : i32
      %swap3A_511 = arith.constant 1 : i32
      %swap3A_512 = arith.index_cast %swap3A_510 : i32 to index
      %swap3A_513 = arith.index_cast %swap3A_511 : i32 to index
      %swap3A_514 = arith.index_cast %mul3A_509 : i32 to index
      %swap3A_515 = tpu.vector_load %arg5[%swap3A_512, %swap3A_513, %swap3A_514] {strides = array<i32>} : memref<2x4x4096xf32, #tpu.memory_space<vmem>>, vector<16xf32>,
      tpu.vector_store %arg5[%swap3A_512, %swap3A_513, %swap3A_514], %add3A_507 {strides = array<i32>} : memref<2x4x4096xf32, #tpu.memory_space<vmem>>, vector<16xf32>,
      %reduce_sum3A_516 = arith.constant true
      %reduce_sum3A_517 = vector.broadcast %reduce_sum3A_516 : i1 to vector<16xi1>
      %reduce_sum3A_518 = tpu.scan <sum>, %get3A_501 masked %reduce_sum3A_517 : vector<16xf32>, vector<16xi1> -> vector<16xf32>
      %reduce_sum3A_519 = vector.extract %reduce_sum3A_518[15] : f32 from vector<16xf32>
      %add3A_520 = arith.addf %scan3A_470, %reduce_sum3A_519 : f32
      %mul3A_521 = arith.constant 16 : i32
      %mul3A_522 = arith.muli %scan3A_468, %mul3A_521 : i32
      %get3A_523 = arith.constant 0 : i32
      %get3A_524 = arith.constant 2 : i32
      %get3A_525 = arith.index_cast %get3A_523 : i32 to index
      %get3A_526 = arith.index_cast %get3A_524 : i32 to index
      %get3A_527 = arith.index_cast %mul3A_522 : i32 to index
      %get3A_528 = tpu.vector_load %arg4[%get3A_525, %get3A_526, %get3A_527] {strides = array<i32>} : memref<2x4x4096xf32, #tpu.memory_space<vmem>>, vector<16xf32>,
      %broadcast_in_dim3A_529 = arith.constant true
      %broadcast_in_dim3A_530 = vector.broadcast %broadcast_in_dim3A_529 : i1 to vector<16xi1>
      %masked_cumsum3A_531 = tpu.scan <sum>, %get3A_528 masked %broadcast_in_dim3A_530 : vector<16xf32>, vector<16xi1> -> vector<16xf32>
      %sub3A_532 = arith.subf %masked_cumsum3A_531, %get3A_528 : vector<16xf32>
      %add3A_533 = vector.broadcast %scan3A_471 : f32 to vector<16xf32>
      %add3A_534 = arith.addf %sub3A_532, %add3A_533 : vector<16xf32>
      %mul3A_535 = arith.constant 16 : i32
      %mul3A_536 = arith.muli %scan3A_468, %mul3A_535 : i32
      %swap3A_537 = arith.constant 0 : i32
      %swap3A_538 = arith.constant 2 : i32
      %swap3A_539 = arith.index_cast %swap3A_537 : i32 to index
      %swap3A_540 = arith.index_cast %swap3A_538 : i32 to index
      %swap3A_541 = arith.index_cast %mul3A_536 : i32 to index
      %swap3A_542 = tpu.vector_load %arg5[%swap3A_539, %swap3A_540, %swap3A_541] {strides = array<i32>} : memref<2x4x4096xf32, #tpu.memory_space<vmem>>, vector<16xf32>,
      tpu.vector_store %arg5[%swap3A_539, %swap3A_540, %swap3A_541], %add3A_534 {strides = array<i32>} : memref<2x4x4096xf32, #tpu.memory_space<vmem>>, vector<16xf32>,
      %reduce_sum3A_543 = arith.constant true
      %reduce_sum3A_544 = vector.broadcast %reduce_sum3A_543 : i1 to vector<16xi1>
      %reduce_sum3A_545 = tpu.scan <sum>, %get3A_528 masked %reduce_sum3A_544 : vector<16xf32>, vector<16xi1> -> vector<16xf32>
      %reduce_sum3A_546 = vector.extract %reduce_sum3A_545[15] : f32 from vector<16xf32>
      %add3A_547 = arith.addf %scan3A_471, %reduce_sum3A_546 : f32
      %mul3A_548 = arith.constant 16 : i32
      %mul3A_549 = arith.muli %scan3A_468, %mul3A_548 : i32
      %get3A_550 = arith.constant 0 : i32
      %get3A_551 = arith.constant 3 : i32
      %get3A_552 = arith.index_cast %get3A_550 : i32 to index
      %get3A_553 = arith.index_cast %get3A_551 : i32 to index
      %get3A_554 = arith.index_cast %mul3A_549 : i32 to index
      %get3A_555 = tpu.vector_load %arg4[%get3A_552, %get3A_553, %get3A_554] {strides = array<i32>} : memref<2x4x4096xf32, #tpu.memory_space<vmem>>, vector<16xf32>,
      %broadcast_in_dim3A_556 = arith.constant true
      %broadcast_in_dim3A_557 = vector.broadcast %broadcast_in_dim3A_556 : i1 to vector<16xi1>
      %masked_cumsum3A_558 = tpu.scan <sum>, %get3A_555 masked %broadcast_in_dim3A_557 : vector<16xf32>, vector<16xi1> -> vector<16xf32>
      %sub3A_559 = arith.subf %masked_cumsum3A_558, %get3A_555 : vector<16xf32>
      %add3A_560 = vector.broadcast %scan3A_472 : f32 to vector<16xf32>
      %add3A_561 = arith.addf %sub3A_559, %add3A_560 : vector<16xf32>
      %mul3A_562 = arith.constant 16 : i32
      %mul3A_563 = arith.muli %scan3A_468, %mul3A_562 : i32
      %swap3A_564 = arith.constant 0 : i32
      %swap3A_565 = arith.constant 3 : i32
      %swap3A_566 = arith.index_cast %swap3A_564 : i32 to index
      %swap3A_567 = arith.index_cast %swap3A_565 : i32 to index
      %swap3A_568 = arith.index_cast %mul3A_563 : i32 to index
      %swap3A_569 = tpu.vector_load %arg5[%swap3A_566, %swap3A_567, %swap3A_568] {strides = array<i32>} : memref<2x4x4096xf32, #tpu.memory_space<vmem>>, vector<16xf32>,
      tpu.vector_store %arg5[%swap3A_566, %swap3A_567, %swap3A_568], %add3A_561 {strides = array<i32>} : memref<2x4x4096xf32, #tpu.memory_space<vmem>>, vector<16xf32>,
      %reduce_sum3A_570 = arith.constant true
      %reduce_sum3A_571 = vector.broadcast %reduce_sum3A_570 : i1 to vector<16xi1>
      %reduce_sum3A_572 = tpu.scan <sum>, %get3A_555 masked %reduce_sum3A_571 : vector<16xf32>, vector<16xi1> -> vector<16xf32>
      %reduce_sum3A_573 = vector.extract %reduce_sum3A_572[15] : f32 from vector<16xf32>
      %add3A_574 = arith.addf %scan3A_472, %reduce_sum3A_573 : f32
      scf.yield %add3A_493, %add3A_520, %add3A_547, %add3A_574 : f32, f32, f32, f32
    }
    %scan3A_267 = arith.constant 256 : i32
    %dma_start3A_268 = arith.constant 0 : i32
    %dma_start3A_269 = arith.constant 0 : i32
    %dma_start3A_270 = arith.constant 0 : i32
    %dma_start3A_271 = tpu.memref_slice %arg5[%dma_start3A_268, %dma_start3A_269, %dma_start3A_270] : memref<2x4x4096xf32, #tpu.memory_space<vmem>> -> memref<1x4x4096xf32, #tpu.memory_space<vmem>>
    %dma_start3A_272 = tpu.memref_squeeze %dma_start3A_271 : memref<1x4x4096xf32, #tpu.memory_space<vmem>> -> memref<4x4096xf32, #tpu.memory_space<vmem>>
    %dma_start3A_273 = arith.constant 16384 : i32
    %dma_start3A_274 = tpu.memref_slice %arg3[%mul3A_2, %dma_start3A_273] : memref<128x32768xf32, #tpu.memory_space<hbm>> -> memref<4x4096xf32, #tpu.memory_space<hbm>>
    %dma_start3A_275 = arith.constant 16384 : i32
    %dma_start3A_276 = tpu.memref_slice %arg3[%mul3A_2, %dma_start3A_275] : memref<128x32768xf32, #tpu.memory_space<hbm>> -> memref<4x4096xf32, #tpu.memory_space<hbm>>
    %dma_start3A_277 = arith.constant 0 : i32
    %dma_start3A_278 = arith.constant 0 : i32
    %dma_start3A_279 = tpu.memref_slice %arg5[%dma_start3A_268, %dma_start3A_277, %dma_start3A_278] : memref<2x4x4096xf32, #tpu.memory_space<vmem>> -> memref<1x4x4096xf32, #tpu.memory_space<vmem>>
    %dma_start3A_280 = tpu.memref_squeeze %dma_start3A_279 : memref<1x4x4096xf32, #tpu.memory_space<vmem>> -> memref<4x4096xf32, #tpu.memory_space<vmem>>
    tpu.enqueue_dma source(%dma_start3A_280 : memref<4x4096xf32, #tpu.memory_space<vmem>>) target(%dma_start3A_276 : memref<4x4096xf32, #tpu.memory_space<hbm>>) target_semaphore(%arg8 : memref<!tpu.dma_semaphore, #tpu.memory_space<semaphore_mem>>)
    %dma_start3A_281 = arith.constant 0 : i32
    %dma_start3A_282 = arith.constant 0 : i32
    %dma_start3A_283 = arith.constant 0 : i32
    %dma_start3A_284 = tpu.memref_slice %arg4[%dma_start3A_281, %dma_start3A_282, %dma_start3A_283] : memref<2x4x4096xf32, #tpu.memory_space<vmem>> -> memref<1x4x4096xf32, #tpu.memory_space<vmem>>
    %dma_start3A_285 = tpu.memref_squeeze %dma_start3A_284 : memref<1x4x4096xf32, #tpu.memory_space<vmem>> -> memref<4x4096xf32, #tpu.memory_space<vmem>>
    %dma_start3A_286 = arith.constant 24576 : i32
    %dma_start3A_287 = tpu.memref_slice %arg2[%mul3A_2, %dma_start3A_286] : memref<128x32768xf32, #tpu.memory_space<hbm>> -> memref<4x4096xf32, #tpu.memory_space<hbm>>
    %dma_start3A_288 = arith.constant 0 : i32
    %dma_start3A_289 = arith.constant 0 : i32
    %dma_start3A_290 = tpu.memref_slice %arg4[%dma_start3A_281, %dma_start3A_288, %dma_start3A_289] : memref<2x4x4096xf32, #tpu.memory_space<vmem>> -> memref<1x4x4096xf32, #tpu.memory_space<vmem>>
    %dma_start3A_291 = tpu.memref_squeeze %dma_start3A_290 : memref<1x4x4096xf32, #tpu.memory_space<vmem>> -> memref<4x4096xf32, #tpu.memory_space<vmem>>
    %dma_start3A_292 = arith.constant 24576 : i32
    %dma_start3A_293 = tpu.memref_slice %arg2[%mul3A_2, %dma_start3A_292] : memref<128x32768xf32, #tpu.memory_space<hbm>> -> memref<4x4096xf32, #tpu.memory_space<hbm>>
    tpu.enqueue_dma source(%dma_start3A_293 : memref<4x4096xf32, #tpu.memory_space<hbm>>) target(%dma_start3A_291 : memref<4x4096xf32, #tpu.memory_space<vmem>>) target_semaphore(%arg6 : memref<!tpu.dma_semaphore, #tpu.memory_space<semaphore_mem>>)
    %dma_wait3A_294 = arith.constant 1 : i32
    %dma_wait3A_295 = arith.constant 0 : i32
    %dma_wait3A_296 = arith.constant 0 : i32
    %dma_wait3A_297 = tpu.memref_slice %arg4[%dma_wait3A_294, %dma_wait3A_295, %dma_wait3A_296] : memref<2x4x4096xf32, #tpu.memory_space<vmem>> -> memref<1x4x4096xf32, #tpu.memory_space<vmem>>
    %dma_wait3A_298 = tpu.memref_squeeze %dma_wait3A_297 : memref<1x4x4096xf32, #tpu.memory_space<vmem>> -> memref<4x4096xf32, #tpu.memory_space<vmem>>
    %dma_wait3A_299 = arith.constant 20480 : i32
    %dma_wait3A_300 = tpu.memref_slice %arg2[%mul3A_2, %dma_wait3A_299] : memref<128x32768xf32, #tpu.memory_space<hbm>> -> memref<4x4096xf32, #tpu.memory_space<hbm>>
    %dma_wait3A_301 = arith.constant 0 : i32
    %dma_wait3A_302 = arith.constant 0 : i32
    %dma_wait3A_303 = tpu.memref_slice %arg4[%dma_wait3A_294, %dma_wait3A_301, %dma_wait3A_302] : memref<2x4x4096xf32, #tpu.memory_space<vmem>> -> memref<1x4x4096xf32, #tpu.memory_space<vmem>>
    %dma_wait3A_304 = tpu.memref_squeeze %dma_wait3A_303 : memref<1x4x4096xf32, #tpu.memory_space<vmem>> -> memref<4x4096xf32, #tpu.memory_space<vmem>>
    %dma_wait3A_305 = arith.constant 20480 : i32
    %dma_wait3A_306 = tpu.memref_slice %arg2[%mul3A_2, %dma_wait3A_305] : memref<128x32768xf32, #tpu.memory_space<hbm>> -> memref<4x4096xf32, #tpu.memory_space<hbm>>
    tpu.wait_dma2 semaphore(%arg7 : memref<!tpu.dma_semaphore, #tpu.memory_space<semaphore_mem>>) src(%dma_wait3A_306 : memref<4x4096xf32, #tpu.memory_space<hbm>>) dst(%dma_wait3A_304 : memref<4x4096xf32, #tpu.memory_space<vmem>>)
    %dma_wait3A_307 = arith.constant 1 : i32
    %dma_wait3A_308 = arith.constant 0 : i32
    %dma_wait3A_309 = arith.constant 0 : i32
    %dma_wait3A_310 = tpu.memref_slice %arg5[%dma_wait3A_307, %dma_wait3A_308, %dma_wait3A_309] : memref<2x4x4096xf32, #tpu.memory_space<vmem>> -> memref<1x4x4096xf32, #tpu.memory_space<vmem>>
    %dma_wait3A_311 = tpu.memref_squeeze %dma_wait3A_310 : memref<1x4x4096xf32, #tpu.memory_space<vmem>> -> memref<4x4096xf32, #tpu.memory_space<vmem>>
    %dma_wait3A_312 = arith.constant 12288 : i32
    %dma_wait3A_313 = tpu.memref_slice %arg3[%mul3A_2, %dma_wait3A_312] : memref<128x32768xf32, #tpu.memory_space<hbm>> -> memref<4x4096xf32, #tpu.memory_space<hbm>>
    %dma_wait3A_314 = arith.constant 12288 : i32
    %dma_wait3A_315 = tpu.memref_slice %arg3[%mul3A_2, %dma_wait3A_314] : memref<128x32768xf32, #tpu.memory_space<hbm>> -> memref<4x4096xf32, #tpu.memory_space<hbm>>
    %dma_wait3A_316 = arith.constant 0 : i32
    %dma_wait3A_317 = arith.constant 0 : i32
    %dma_wait3A_318 = tpu.memref_slice %arg5[%dma_wait3A_307, %dma_wait3A_316, %dma_wait3A_317] : memref<2x4x4096xf32, #tpu.memory_space<vmem>> -> memref<1x4x4096xf32, #tpu.memory_space<vmem>>
    %dma_wait3A_319 = tpu.memref_squeeze %dma_wait3A_318 : memref<1x4x4096xf32, #tpu.memory_space<vmem>> -> memref<4x4096xf32, #tpu.memory_space<vmem>>
    tpu.wait_dma2 semaphore(%arg9 : memref<!tpu.dma_semaphore, #tpu.memory_space<semaphore_mem>>) src(%dma_wait3A_319 : memref<4x4096xf32, #tpu.memory_space<vmem>>) dst(%dma_wait3A_315 : memref<4x4096xf32, #tpu.memory_space<hbm>>)
    %scan3A_320 = arith.constant 0 : i32
    %scan3A_321 = arith.constant 256 : i32
    %scan3A_322 = arith.addi %scan3A_320, %scan3A_321 : i32
    %scan3A_323 = arith.constant 1 : i32
    %scan3A_324:4 = scf.for %scan3A_468 = %scan3A_320 to %scan3A_322 step %scan3A_323 iter_args(%scan3A_469 = %scan3A_266#0, %scan3A_470 = %scan3A_266#1, %scan3A_471 = %scan3A_266#2, %scan3A_472 = %scan3A_266#3) -> (f32, f32, f32, f32)  : i32 {
      %mul3A_473 = arith.constant 16 : i32
      %mul3A_474 = arith.muli %scan3A_468, %mul3A_473 : i32
      %get3A = arith.constant 1 : i32
      %get3A_475 = arith.constant 0 : i32
      %get3A_476 = arith.index_cast %get3A : i32 to index
      %get3A_477 = arith.index_cast %get3A_475 : i32 to index
      %get3A_478 = arith.index_cast %mul3A_474 : i32 to index
      %get3A_479 = tpu.vector_load %arg4[%get3A_476, %get3A_477, %get3A_478] {strides = array<i32>} : memref<2x4x4096xf32, #tpu.memory_space<vmem>>, vector<16xf32>,
      %broadcast_in_dim3A = arith.constant true
      %broadcast_in_dim3A_480 = vector.broadcast %broadcast_in_dim3A : i1 to vector<16xi1>
      %masked_cumsum3A = tpu.scan <sum>, %get3A_479 masked %broadcast_in_dim3A_480 : vector<16xf32>, vector<16xi1> -> vector<16xf32>
      %sub3A = arith.subf %masked_cumsum3A, %get3A_479 : vector<16xf32>
      %add3A_481 = vector.broadcast %scan3A_469 : f32 to vector<16xf32>
      %add3A_482 = arith.addf %sub3A, %add3A_481 : vector<16xf32>
      %mul3A_483 = arith.constant 16 : i32
      %mul3A_484 = arith.muli %scan3A_468, %mul3A_483 : i32
      %swap3A = arith.constant 1 : i32
      %swap3A_485 = arith.constant 0 : i32
      %swap3A_486 = arith.index_cast %swap3A : i32 to index
      %swap3A_487 = arith.index_cast %swap3A_485 : i32 to index
      %swap3A_488 = arith.index_cast %mul3A_484 : i32 to index
      %swap3A_489 = tpu.vector_load %arg5[%swap3A_486, %swap3A_487, %swap3A_488] {strides = array<i32>} : memref<2x4x4096xf32, #tpu.memory_space<vmem>>, vector<16xf32>,
      tpu.vector_store %arg5[%swap3A_486, %swap3A_487, %swap3A_488], %add3A_482 {strides = array<i32>} : memref<2x4x4096xf32, #tpu.memory_space<vmem>>, vector<16xf32>,
      %reduce_sum3A = arith.constant true
      %reduce_sum3A_490 = vector.broadcast %reduce_sum3A : i1 to vector<16xi1>
      %reduce_sum3A_491 = tpu.scan <sum>, %get3A_479 masked %reduce_sum3A_490 : vector<16xf32>, vector<16xi1> -> vector<16xf32>
      %reduce_sum3A_492 = vector.extract %reduce_sum3A_491[15] : f32 from vector<16xf32>
      %add3A_493 = arith.addf %scan3A_469, %reduce_sum3A_492 : f32
      %mul3A_494 = arith.constant 16 : i32
      %mul3A_495 = arith.muli %scan3A_468, %mul3A_494 : i32
      %get3A_496 = arith.constant 1 : i32
      %get3A_497 = arith.constant 1 : i32
      %get3A_498 = arith.index_cast %get3A_496 : i32 to index
      %get3A_499 = arith.index_cast %get3A_497 : i32 to index
      %get3A_500 = arith.index_cast %mul3A_495 : i32 to index
      %get3A_501 = tpu.vector_load %arg4[%get3A_498, %get3A_499, %get3A_500] {strides = array<i32>} : memref<2x4x4096xf32, #tpu.memory_space<vmem>>, vector<16xf32>,
      %broadcast_in_dim3A_502 = arith.constant true
      %broadcast_in_dim3A_503 = vector.broadcast %broadcast_in_dim3A_502 : i1 to vector<16xi1>
      %masked_cumsum3A_504 = tpu.scan <sum>, %get3A_501 masked %broadcast_in_dim3A_503 : vector<16xf32>, vector<16xi1> -> vector<16xf32>
      %sub3A_505 = arith.subf %masked_cumsum3A_504, %get3A_501 : vector<16xf32>
      %add3A_506 = vector.broadcast %scan3A_470 : f32 to vector<16xf32>
      %add3A_507 = arith.addf %sub3A_505, %add3A_506 : vector<16xf32>
      %mul3A_508 = arith.constant 16 : i32
      %mul3A_509 = arith.muli %scan3A_468, %mul3A_508 : i32
      %swap3A_510 = arith.constant 1 : i32
      %swap3A_511 = arith.constant 1 : i32
      %swap3A_512 = arith.index_cast %swap3A_510 : i32 to index
      %swap3A_513 = arith.index_cast %swap3A_511 : i32 to index
      %swap3A_514 = arith.index_cast %mul3A_509 : i32 to index
      %swap3A_515 = tpu.vector_load %arg5[%swap3A_512, %swap3A_513, %swap3A_514] {strides = array<i32>} : memref<2x4x4096xf32, #tpu.memory_space<vmem>>, vector<16xf32>,
      tpu.vector_store %arg5[%swap3A_512, %swap3A_513, %swap3A_514], %add3A_507 {strides = array<i32>} : memref<2x4x4096xf32, #tpu.memory_space<vmem>>, vector<16xf32>,
      %reduce_sum3A_516 = arith.constant true
      %reduce_sum3A_517 = vector.broadcast %reduce_sum3A_516 : i1 to vector<16xi1>
      %reduce_sum3A_518 = tpu.scan <sum>, %get3A_501 masked %reduce_sum3A_517 : vector<16xf32>, vector<16xi1> -> vector<16xf32>
      %reduce_sum3A_519 = vector.extract %reduce_sum3A_518[15] : f32 from vector<16xf32>
      %add3A_520 = arith.addf %scan3A_470, %reduce_sum3A_519 : f32
      %mul3A_521 = arith.constant 16 : i32
      %mul3A_522 = arith.muli %scan3A_468, %mul3A_521 : i32
      %get3A_523 = arith.constant 1 : i32
      %get3A_524 = arith.constant 2 : i32
      %get3A_525 = arith.index_cast %get3A_523 : i32 to index
      %get3A_526 = arith.index_cast %get3A_524 : i32 to index
      %get3A_527 = arith.index_cast %mul3A_522 : i32 to index
      %get3A_528 = tpu.vector_load %arg4[%get3A_525, %get3A_526, %get3A_527] {strides = array<i32>} : memref<2x4x4096xf32, #tpu.memory_space<vmem>>, vector<16xf32>,
      %broadcast_in_dim3A_529 = arith.constant true
      %broadcast_in_dim3A_530 = vector.broadcast %broadcast_in_dim3A_529 : i1 to vector<16xi1>
      %masked_cumsum3A_531 = tpu.scan <sum>, %get3A_528 masked %broadcast_in_dim3A_530 : vector<16xf32>, vector<16xi1> -> vector<16xf32>
      %sub3A_532 = arith.subf %masked_cumsum3A_531, %get3A_528 : vector<16xf32>
      %add3A_533 = vector.broadcast %scan3A_471 : f32 to vector<16xf32>
      %add3A_534 = arith.addf %sub3A_532, %add3A_533 : vector<16xf32>
      %mul3A_535 = arith.constant 16 : i32
      %mul3A_536 = arith.muli %scan3A_468, %mul3A_535 : i32
      %swap3A_537 = arith.constant 1 : i32
      %swap3A_538 = arith.constant 2 : i32
      %swap3A_539 = arith.index_cast %swap3A_537 : i32 to index
      %swap3A_540 = arith.index_cast %swap3A_538 : i32 to index
      %swap3A_541 = arith.index_cast %mul3A_536 : i32 to index
      %swap3A_542 = tpu.vector_load %arg5[%swap3A_539, %swap3A_540, %swap3A_541] {strides = array<i32>} : memref<2x4x4096xf32, #tpu.memory_space<vmem>>, vector<16xf32>,
      tpu.vector_store %arg5[%swap3A_539, %swap3A_540, %swap3A_541], %add3A_534 {strides = array<i32>} : memref<2x4x4096xf32, #tpu.memory_space<vmem>>, vector<16xf32>,
      %reduce_sum3A_543 = arith.constant true
      %reduce_sum3A_544 = vector.broadcast %reduce_sum3A_543 : i1 to vector<16xi1>
      %reduce_sum3A_545 = tpu.scan <sum>, %get3A_528 masked %reduce_sum3A_544 : vector<16xf32>, vector<16xi1> -> vector<16xf32>
      %reduce_sum3A_546 = vector.extract %reduce_sum3A_545[15] : f32 from vector<16xf32>
      %add3A_547 = arith.addf %scan3A_471, %reduce_sum3A_546 : f32
      %mul3A_548 = arith.constant 16 : i32
      %mul3A_549 = arith.muli %scan3A_468, %mul3A_548 : i32
      %get3A_550 = arith.constant 1 : i32
      %get3A_551 = arith.constant 3 : i32
      %get3A_552 = arith.index_cast %get3A_550 : i32 to index
      %get3A_553 = arith.index_cast %get3A_551 : i32 to index
      %get3A_554 = arith.index_cast %mul3A_549 : i32 to index
      %get3A_555 = tpu.vector_load %arg4[%get3A_552, %get3A_553, %get3A_554] {strides = array<i32>} : memref<2x4x4096xf32, #tpu.memory_space<vmem>>, vector<16xf32>,
      %broadcast_in_dim3A_556 = arith.constant true
      %broadcast_in_dim3A_557 = vector.broadcast %broadcast_in_dim3A_556 : i1 to vector<16xi1>
      %masked_cumsum3A_558 = tpu.scan <sum>, %get3A_555 masked %broadcast_in_dim3A_557 : vector<16xf32>, vector<16xi1> -> vector<16xf32>
      %sub3A_559 = arith.subf %masked_cumsum3A_558, %get3A_555 : vector<16xf32>
      %add3A_560 = vector.broadcast %scan3A_472 : f32 to vector<16xf32>
      %add3A_561 = arith.addf %sub3A_559, %add3A_560 : vector<16xf32>
      %mul3A_562 = arith.constant 16 : i32
      %mul3A_563 = arith.muli %scan3A_468, %mul3A_562 : i32
      %swap3A_564 = arith.constant 1 : i32
      %swap3A_565 = arith.constant 3 : i32
      %swap3A_566 = arith.index_cast %swap3A_564 : i32 to index
      %swap3A_567 = arith.index_cast %swap3A_565 : i32 to index
      %swap3A_568 = arith.index_cast %mul3A_563 : i32 to index
      %swap3A_569 = tpu.vector_load %arg5[%swap3A_566, %swap3A_567, %swap3A_568] {strides = array<i32>} : memref<2x4x4096xf32, #tpu.memory_space<vmem>>, vector<16xf32>,
      tpu.vector_store %arg5[%swap3A_566, %swap3A_567, %swap3A_568], %add3A_561 {strides = array<i32>} : memref<2x4x4096xf32, #tpu.memory_space<vmem>>, vector<16xf32>,
      %reduce_sum3A_570 = arith.constant true
      %reduce_sum3A_571 = vector.broadcast %reduce_sum3A_570 : i1 to vector<16xi1>
      %reduce_sum3A_572 = tpu.scan <sum>, %get3A_555 masked %reduce_sum3A_571 : vector<16xf32>, vector<16xi1> -> vector<16xf32>
      %reduce_sum3A_573 = vector.extract %reduce_sum3A_572[15] : f32 from vector<16xf32>
      %add3A_574 = arith.addf %scan3A_472, %reduce_sum3A_573 : f32
      scf.yield %add3A_493, %add3A_520, %add3A_547, %add3A_574 : f32, f32, f32, f32
    }
    %scan3A_325 = arith.constant 256 : i32
    %dma_start3A_326 = arith.constant 1 : i32
    %dma_start3A_327 = arith.constant 0 : i32
    %dma_start3A_328 = arith.constant 0 : i32
    %dma_start3A_329 = tpu.memref_slice %arg5[%dma_start3A_326, %dma_start3A_327, %dma_start3A_328] : memref<2x4x4096xf32, #tpu.memory_space<vmem>> -> memref<1x4x4096xf32, #tpu.memory_space<vmem>>
    %dma_start3A_330 = tpu.memref_squeeze %dma_start3A_329 : memref<1x4x4096xf32, #tpu.memory_space<vmem>> -> memref<4x4096xf32, #tpu.memory_space<vmem>>
    %dma_start3A_331 = arith.constant 20480 : i32
    %dma_start3A_332 = tpu.memref_slice %arg3[%mul3A_2, %dma_start3A_331] : memref<128x32768xf32, #tpu.memory_space<hbm>> -> memref<4x4096xf32, #tpu.memory_space<hbm>>
    %dma_start3A_333 = arith.constant 20480 : i32
    %dma_start3A_334 = tpu.memref_slice %arg3[%mul3A_2, %dma_start3A_333] : memref<128x32768xf32, #tpu.memory_space<hbm>> -> memref<4x4096xf32, #tpu.memory_space<hbm>>
    %dma_start3A_335 = arith.constant 0 : i32
    %dma_start3A_336 = arith.constant 0 : i32
    %dma_start3A_337 = tpu.memref_slice %arg5[%dma_start3A_326, %dma_start3A_335, %dma_start3A_336] : memref<2x4x4096xf32, #tpu.memory_space<vmem>> -> memref<1x4x4096xf32, #tpu.memory_space<vmem>>
    %dma_start3A_338 = tpu.memref_squeeze %dma_start3A_337 : memref<1x4x4096xf32, #tpu.memory_space<vmem>> -> memref<4x4096xf32, #tpu.memory_space<vmem>>
    tpu.enqueue_dma source(%dma_start3A_338 : memref<4x4096xf32, #tpu.memory_space<vmem>>) target(%dma_start3A_334 : memref<4x4096xf32, #tpu.memory_space<hbm>>) target_semaphore(%arg9 : memref<!tpu.dma_semaphore, #tpu.memory_space<semaphore_mem>>)
    %dma_start3A_339 = arith.constant 1 : i32
    %dma_start3A_340 = arith.constant 0 : i32
    %dma_start3A_341 = arith.constant 0 : i32
    %dma_start3A_342 = tpu.memref_slice %arg4[%dma_start3A_339, %dma_start3A_340, %dma_start3A_341] : memref<2x4x4096xf32, #tpu.memory_space<vmem>> -> memref<1x4x4096xf32, #tpu.memory_space<vmem>>
    %dma_start3A_343 = tpu.memref_squeeze %dma_start3A_342 : memref<1x4x4096xf32, #tpu.memory_space<vmem>> -> memref<4x4096xf32, #tpu.memory_space<vmem>>
    %dma_start3A_344 = arith.constant 28672 : i32
    %dma_start3A_345 = tpu.memref_slice %arg2[%mul3A_2, %dma_start3A_344] : memref<128x32768xf32, #tpu.memory_space<hbm>> -> memref<4x4096xf32, #tpu.memory_space<hbm>>
    %dma_start3A_346 = arith.constant 0 : i32
    %dma_start3A_347 = arith.constant 0 : i32
    %dma_start3A_348 = tpu.memref_slice %arg4[%dma_start3A_339, %dma_start3A_346, %dma_start3A_347] : memref<2x4x4096xf32, #tpu.memory_space<vmem>> -> memref<1x4x4096xf32, #tpu.memory_space<vmem>>
    %dma_start3A_349 = tpu.memref_squeeze %dma_start3A_348 : memref<1x4x4096xf32, #tpu.memory_space<vmem>> -> memref<4x4096xf32, #tpu.memory_space<vmem>>
    %dma_start3A_350 = arith.constant 28672 : i32
    %dma_start3A_351 = tpu.memref_slice %arg2[%mul3A_2, %dma_start3A_350] : memref<128x32768xf32, #tpu.memory_space<hbm>> -> memref<4x4096xf32, #tpu.memory_space<hbm>>
    tpu.enqueue_dma source(%dma_start3A_351 : memref<4x4096xf32, #tpu.memory_space<hbm>>) target(%dma_start3A_349 : memref<4x4096xf32, #tpu.memory_space<vmem>>) target_semaphore(%arg7 : memref<!tpu.dma_semaphore, #tpu.memory_space<semaphore_mem>>)
    %dma_wait3A_352 = arith.constant 0 : i32
    %dma_wait3A_353 = arith.constant 0 : i32
    %dma_wait3A_354 = arith.constant 0 : i32
    %dma_wait3A_355 = tpu.memref_slice %arg4[%dma_wait3A_352, %dma_wait3A_353, %dma_wait3A_354] : memref<2x4x4096xf32, #tpu.memory_space<vmem>> -> memref<1x4x4096xf32, #tpu.memory_space<vmem>>
    %dma_wait3A_356 = tpu.memref_squeeze %dma_wait3A_355 : memref<1x4x4096xf32, #tpu.memory_space<vmem>> -> memref<4x4096xf32, #tpu.memory_space<vmem>>
    %dma_wait3A_357 = arith.constant 24576 : i32
    %dma_wait3A_358 = tpu.memref_slice %arg2[%mul3A_2, %dma_wait3A_357] : memref<128x32768xf32, #tpu.memory_space<hbm>> -> memref<4x4096xf32, #tpu.memory_space<hbm>>
    %dma_wait3A_359 = arith.constant 0 : i32
    %dma_wait3A_360 = arith.constant 0 : i32
    %dma_wait3A_361 = tpu.memref_slice %arg4[%dma_wait3A_352, %dma_wait3A_359, %dma_wait3A_360] : memref<2x4x4096xf32, #tpu.memory_space<vmem>> -> memref<1x4x4096xf32, #tpu.memory_space<vmem>>
    %dma_wait3A_362 = tpu.memref_squeeze %dma_wait3A_361 : memref<1x4x4096xf32, #tpu.memory_space<vmem>> -> memref<4x4096xf32, #tpu.memory_space<vmem>>
    %dma_wait3A_363 = arith.constant 24576 : i32
    %dma_wait3A_364 = tpu.memref_slice %arg2[%mul3A_2, %dma_wait3A_363] : memref<128x32768xf32, #tpu.memory_space<hbm>> -> memref<4x4096xf32, #tpu.memory_space<hbm>>
    tpu.wait_dma2 semaphore(%arg6 : memref<!tpu.dma_semaphore, #tpu.memory_space<semaphore_mem>>) src(%dma_wait3A_364 : memref<4x4096xf32, #tpu.memory_space<hbm>>) dst(%dma_wait3A_362 : memref<4x4096xf32, #tpu.memory_space<vmem>>)
    %dma_wait3A_365 = arith.constant 0 : i32
    %dma_wait3A_366 = arith.constant 0 : i32
    %dma_wait3A_367 = arith.constant 0 : i32
    %dma_wait3A_368 = tpu.memref_slice %arg5[%dma_wait3A_365, %dma_wait3A_366, %dma_wait3A_367] : memref<2x4x4096xf32, #tpu.memory_space<vmem>> -> memref<1x4x4096xf32, #tpu.memory_space<vmem>>
    %dma_wait3A_369 = tpu.memref_squeeze %dma_wait3A_368 : memref<1x4x4096xf32, #tpu.memory_space<vmem>> -> memref<4x4096xf32, #tpu.memory_space<vmem>>
    %dma_wait3A_370 = arith.constant 16384 : i32
    %dma_wait3A_371 = tpu.memref_slice %arg3[%mul3A_2, %dma_wait3A_370] : memref<128x32768xf32, #tpu.memory_space<hbm>> -> memref<4x4096xf32, #tpu.memory_space<hbm>>
    %dma_wait3A_372 = arith.constant 16384 : i32
    %dma_wait3A_373 = tpu.memref_slice %arg3[%mul3A_2, %dma_wait3A_372] : memref<128x32768xf32, #tpu.memory_space<hbm>> -> memref<4x4096xf32, #tpu.memory_space<hbm>>
    %dma_wait3A_374 = arith.constant 0 : i32
    %dma_wait3A_375 = arith.constant 0 : i32
    %dma_wait3A_376 = tpu.memref_slice %arg5[%dma_wait3A_365, %dma_wait3A_374, %dma_wait3A_375] : memref<2x4x4096xf32, #tpu.memory_space<vmem>> -> memref<1x4x4096xf32, #tpu.memory_space<vmem>>
    %dma_wait3A_377 = tpu.memref_squeeze %dma_wait3A_376 : memref<1x4x4096xf32, #tpu.memory_space<vmem>> -> memref<4x4096xf32, #tpu.memory_space<vmem>>
    tpu.wait_dma2 semaphore(%arg8 : memref<!tpu.dma_semaphore, #tpu.memory_space<semaphore_mem>>) src(%dma_wait3A_377 : memref<4x4096xf32, #tpu.memory_space<vmem>>) dst(%dma_wait3A_373 : memref<4x4096xf32, #tpu.memory_space<hbm>>)
    %scan3A_378 = arith.constant 0 : i32
    %scan3A_379 = arith.constant 256 : i32
    %scan3A_380 = arith.addi %scan3A_378, %scan3A_379 : i32
    %scan3A_381 = arith.constant 1 : i32
    %scan3A_382:4 = scf.for %scan3A_468 = %scan3A_378 to %scan3A_380 step %scan3A_381 iter_args(%scan3A_469 = %scan3A_324#0, %scan3A_470 = %scan3A_324#1, %scan3A_471 = %scan3A_324#2, %scan3A_472 = %scan3A_324#3) -> (f32, f32, f32, f32)  : i32 {
      %mul3A_473 = arith.constant 16 : i32
      %mul3A_474 = arith.muli %scan3A_468, %mul3A_473 : i32
      %get3A = arith.constant 0 : i32
      %get3A_475 = arith.constant 0 : i32
      %get3A_476 = arith.index_cast %get3A : i32 to index
      %get3A_477 = arith.index_cast %get3A_475 : i32 to index
      %get3A_478 = arith.index_cast %mul3A_474 : i32 to index
      %get3A_479 = tpu.vector_load %arg4[%get3A_476, %get3A_477, %get3A_478] {strides = array<i32>} : memref<2x4x4096xf32, #tpu.memory_space<vmem>>, vector<16xf32>,
      %broadcast_in_dim3A = arith.constant true
      %broadcast_in_dim3A_480 = vector.broadcast %broadcast_in_dim3A : i1 to vector<16xi1>
      %masked_cumsum3A = tpu.scan <sum>, %get3A_479 masked %broadcast_in_dim3A_480 : vector<16xf32>, vector<16xi1> -> vector<16xf32>
      %sub3A = arith.subf %masked_cumsum3A, %get3A_479 : vector<16xf32>
      %add3A_481 = vector.broadcast %scan3A_469 : f32 to vector<16xf32>
      %add3A_482 = arith.addf %sub3A, %add3A_481 : vector<16xf32>
      %mul3A_483 = arith.constant 16 : i32
      %mul3A_484 = arith.muli %scan3A_468, %mul3A_483 : i32
      %swap3A = arith.constant 0 : i32
      %swap3A_485 = arith.constant 0 : i32
      %swap3A_486 = arith.index_cast %swap3A : i32 to index
      %swap3A_487 = arith.index_cast %swap3A_485 : i32 to index
      %swap3A_488 = arith.index_cast %mul3A_484 : i32 to index
      %swap3A_489 = tpu.vector_load %arg5[%swap3A_486, %swap3A_487, %swap3A_488] {strides = array<i32>} : memref<2x4x4096xf32, #tpu.memory_space<vmem>>, vector<16xf32>,
      tpu.vector_store %arg5[%swap3A_486, %swap3A_487, %swap3A_488], %add3A_482 {strides = array<i32>} : memref<2x4x4096xf32, #tpu.memory_space<vmem>>, vector<16xf32>,
      %reduce_sum3A = arith.constant true
      %reduce_sum3A_490 = vector.broadcast %reduce_sum3A : i1 to vector<16xi1>
      %reduce_sum3A_491 = tpu.scan <sum>, %get3A_479 masked %reduce_sum3A_490 : vector<16xf32>, vector<16xi1> -> vector<16xf32>
      %reduce_sum3A_492 = vector.extract %reduce_sum3A_491[15] : f32 from vector<16xf32>
      %add3A_493 = arith.addf %scan3A_469, %reduce_sum3A_492 : f32
      %mul3A_494 = arith.constant 16 : i32
      %mul3A_495 = arith.muli %scan3A_468, %mul3A_494 : i32
      %get3A_496 = arith.constant 0 : i32
      %get3A_497 = arith.constant 1 : i32
      %get3A_498 = arith.index_cast %get3A_496 : i32 to index
      %get3A_499 = arith.index_cast %get3A_497 : i32 to index
      %get3A_500 = arith.index_cast %mul3A_495 : i32 to index
      %get3A_501 = tpu.vector_load %arg4[%get3A_498, %get3A_499, %get3A_500] {strides = array<i32>} : memref<2x4x4096xf32, #tpu.memory_space<vmem>>, vector<16xf32>,
      %broadcast_in_dim3A_502 = arith.constant true
      %broadcast_in_dim3A_503 = vector.broadcast %broadcast_in_dim3A_502 : i1 to vector<16xi1>
      %masked_cumsum3A_504 = tpu.scan <sum>, %get3A_501 masked %broadcast_in_dim3A_503 : vector<16xf32>, vector<16xi1> -> vector<16xf32>
      %sub3A_505 = arith.subf %masked_cumsum3A_504, %get3A_501 : vector<16xf32>
      %add3A_506 = vector.broadcast %scan3A_470 : f32 to vector<16xf32>
      %add3A_507 = arith.addf %sub3A_505, %add3A_506 : vector<16xf32>
      %mul3A_508 = arith.constant 16 : i32
      %mul3A_509 = arith.muli %scan3A_468, %mul3A_508 : i32
      %swap3A_510 = arith.constant 0 : i32
      %swap3A_511 = arith.constant 1 : i32
      %swap3A_512 = arith.index_cast %swap3A_510 : i32 to index
      %swap3A_513 = arith.index_cast %swap3A_511 : i32 to index
      %swap3A_514 = arith.index_cast %mul3A_509 : i32 to index
      %swap3A_515 = tpu.vector_load %arg5[%swap3A_512, %swap3A_513, %swap3A_514] {strides = array<i32>} : memref<2x4x4096xf32, #tpu.memory_space<vmem>>, vector<16xf32>,
      tpu.vector_store %arg5[%swap3A_512, %swap3A_513, %swap3A_514], %add3A_507 {strides = array<i32>} : memref<2x4x4096xf32, #tpu.memory_space<vmem>>, vector<16xf32>,
      %reduce_sum3A_516 = arith.constant true
      %reduce_sum3A_517 = vector.broadcast %reduce_sum3A_516 : i1 to vector<16xi1>
      %reduce_sum3A_518 = tpu.scan <sum>, %get3A_501 masked %reduce_sum3A_517 : vector<16xf32>, vector<16xi1> -> vector<16xf32>
      %reduce_sum3A_519 = vector.extract %reduce_sum3A_518[15] : f32 from vector<16xf32>
      %add3A_520 = arith.addf %scan3A_470, %reduce_sum3A_519 : f32
      %mul3A_521 = arith.constant 16 : i32
      %mul3A_522 = arith.muli %scan3A_468, %mul3A_521 : i32
      %get3A_523 = arith.constant 0 : i32
      %get3A_524 = arith.constant 2 : i32
      %get3A_525 = arith.index_cast %get3A_523 : i32 to index
      %get3A_526 = arith.index_cast %get3A_524 : i32 to index
      %get3A_527 = arith.index_cast %mul3A_522 : i32 to index
      %get3A_528 = tpu.vector_load %arg4[%get3A_525, %get3A_526, %get3A_527] {strides = array<i32>} : memref<2x4x4096xf32, #tpu.memory_space<vmem>>, vector<16xf32>,
      %broadcast_in_dim3A_529 = arith.constant true
      %broadcast_in_dim3A_530 = vector.broadcast %broadcast_in_dim3A_529 : i1 to vector<16xi1>
      %masked_cumsum3A_531 = tpu.scan <sum>, %get3A_528 masked %broadcast_in_dim3A_530 : vector<16xf32>, vector<16xi1> -> vector<16xf32>
      %sub3A_532 = arith.subf %masked_cumsum3A_531, %get3A_528 : vector<16xf32>
      %add3A_533 = vector.broadcast %scan3A_471 : f32 to vector<16xf32>
      %add3A_534 = arith.addf %sub3A_532, %add3A_533 : vector<16xf32>
      %mul3A_535 = arith.constant 16 : i32
      %mul3A_536 = arith.muli %scan3A_468, %mul3A_535 : i32
      %swap3A_537 = arith.constant 0 : i32
      %swap3A_538 = arith.constant 2 : i32
      %swap3A_539 = arith.index_cast %swap3A_537 : i32 to index
      %swap3A_540 = arith.index_cast %swap3A_538 : i32 to index
      %swap3A_541 = arith.index_cast %mul3A_536 : i32 to index
      %swap3A_542 = tpu.vector_load %arg5[%swap3A_539, %swap3A_540, %swap3A_541] {strides = array<i32>} : memref<2x4x4096xf32, #tpu.memory_space<vmem>>, vector<16xf32>,
      tpu.vector_store %arg5[%swap3A_539, %swap3A_540, %swap3A_541], %add3A_534 {strides = array<i32>} : memref<2x4x4096xf32, #tpu.memory_space<vmem>>, vector<16xf32>,
      %reduce_sum3A_543 = arith.constant true
      %reduce_sum3A_544 = vector.broadcast %reduce_sum3A_543 : i1 to vector<16xi1>
      %reduce_sum3A_545 = tpu.scan <sum>, %get3A_528 masked %reduce_sum3A_544 : vector<16xf32>, vector<16xi1> -> vector<16xf32>
      %reduce_sum3A_546 = vector.extract %reduce_sum3A_545[15] : f32 from vector<16xf32>
      %add3A_547 = arith.addf %scan3A_471, %reduce_sum3A_546 : f32
      %mul3A_548 = arith.constant 16 : i32
      %mul3A_549 = arith.muli %scan3A_468, %mul3A_548 : i32
      %get3A_550 = arith.constant 0 : i32
      %get3A_551 = arith.constant 3 : i32
      %get3A_552 = arith.index_cast %get3A_550 : i32 to index
      %get3A_553 = arith.index_cast %get3A_551 : i32 to index
      %get3A_554 = arith.index_cast %mul3A_549 : i32 to index
      %get3A_555 = tpu.vector_load %arg4[%get3A_552, %get3A_553, %get3A_554] {strides = array<i32>} : memref<2x4x4096xf32, #tpu.memory_space<vmem>>, vector<16xf32>,
      %broadcast_in_dim3A_556 = arith.constant true
      %broadcast_in_dim3A_557 = vector.broadcast %broadcast_in_dim3A_556 : i1 to vector<16xi1>
      %masked_cumsum3A_558 = tpu.scan <sum>, %get3A_555 masked %broadcast_in_dim3A_557 : vector<16xf32>, vector<16xi1> -> vector<16xf32>
      %sub3A_559 = arith.subf %masked_cumsum3A_558, %get3A_555 : vector<16xf32>
      %add3A_560 = vector.broadcast %scan3A_472 : f32 to vector<16xf32>
      %add3A_561 = arith.addf %sub3A_559, %add3A_560 : vector<16xf32>
      %mul3A_562 = arith.constant 16 : i32
      %mul3A_563 = arith.muli %scan3A_468, %mul3A_562 : i32
      %swap3A_564 = arith.constant 0 : i32
      %swap3A_565 = arith.constant 3 : i32
      %swap3A_566 = arith.index_cast %swap3A_564 : i32 to index
      %swap3A_567 = arith.index_cast %swap3A_565 : i32 to index
      %swap3A_568 = arith.index_cast %mul3A_563 : i32 to index
      %swap3A_569 = tpu.vector_load %arg5[%swap3A_566, %swap3A_567, %swap3A_568] {strides = array<i32>} : memref<2x4x4096xf32, #tpu.memory_space<vmem>>, vector<16xf32>,
      tpu.vector_store %arg5[%swap3A_566, %swap3A_567, %swap3A_568], %add3A_561 {strides = array<i32>} : memref<2x4x4096xf32, #tpu.memory_space<vmem>>, vector<16xf32>,
      %reduce_sum3A_570 = arith.constant true
      %reduce_sum3A_571 = vector.broadcast %reduce_sum3A_570 : i1 to vector<16xi1>
      %reduce_sum3A_572 = tpu.scan <sum>, %get3A_555 masked %reduce_sum3A_571 : vector<16xf32>, vector<16xi1> -> vector<16xf32>
      %reduce_sum3A_573 = vector.extract %reduce_sum3A_572[15] : f32 from vector<16xf32>
      %add3A_574 = arith.addf %scan3A_472, %reduce_sum3A_573 : f32
      scf.yield %add3A_493, %add3A_520, %add3A_547, %add3A_574 : f32, f32, f32, f32
    }
    %scan3A_383 = arith.constant 256 : i32
    %dma_start3A_384 = arith.constant 0 : i32
    %dma_start3A_385 = arith.constant 0 : i32
    %dma_start3A_386 = arith.constant 0 : i32
    %dma_start3A_387 = tpu.memref_slice %arg5[%dma_start3A_384, %dma_start3A_385, %dma_start3A_386] : memref<2x4x4096xf32, #tpu.memory_space<vmem>> -> memref<1x4x4096xf32, #tpu.memory_space<vmem>>
    %dma_start3A_388 = tpu.memref_squeeze %dma_start3A_387 : memref<1x4x4096xf32, #tpu.memory_space<vmem>> -> memref<4x4096xf32, #tpu.memory_space<vmem>>
    %dma_start3A_389 = arith.constant 24576 : i32
    %dma_start3A_390 = tpu.memref_slice %arg3[%mul3A_2, %dma_start3A_389] : memref<128x32768xf32, #tpu.memory_space<hbm>> -> memref<4x4096xf32, #tpu.memory_space<hbm>>
    %dma_start3A_391 = arith.constant 24576 : i32
    %dma_start3A_392 = tpu.memref_slice %arg3[%mul3A_2, %dma_start3A_391] : memref<128x32768xf32, #tpu.memory_space<hbm>> -> memref<4x4096xf32, #tpu.memory_space<hbm>>
    %dma_start3A_393 = arith.constant 0 : i32
    %dma_start3A_394 = arith.constant 0 : i32
    %dma_start3A_395 = tpu.memref_slice %arg5[%dma_start3A_384, %dma_start3A_393, %dma_start3A_394] : memref<2x4x4096xf32, #tpu.memory_space<vmem>> -> memref<1x4x4096xf32, #tpu.memory_space<vmem>>
    %dma_start3A_396 = tpu.memref_squeeze %dma_start3A_395 : memref<1x4x4096xf32, #tpu.memory_space<vmem>> -> memref<4x4096xf32, #tpu.memory_space<vmem>>
    tpu.enqueue_dma source(%dma_start3A_396 : memref<4x4096xf32, #tpu.memory_space<vmem>>) target(%dma_start3A_392 : memref<4x4096xf32, #tpu.memory_space<hbm>>) target_semaphore(%arg8 : memref<!tpu.dma_semaphore, #tpu.memory_space<semaphore_mem>>)
    %dma_wait3A_397 = arith.constant 1 : i32
    %dma_wait3A_398 = arith.constant 0 : i32
    %dma_wait3A_399 = arith.constant 0 : i32
    %dma_wait3A_400 = tpu.memref_slice %arg4[%dma_wait3A_397, %dma_wait3A_398, %dma_wait3A_399] : memref<2x4x4096xf32, #tpu.memory_space<vmem>> -> memref<1x4x4096xf32, #tpu.memory_space<vmem>>
    %dma_wait3A_401 = tpu.memref_squeeze %dma_wait3A_400 : memref<1x4x4096xf32, #tpu.memory_space<vmem>> -> memref<4x4096xf32, #tpu.memory_space<vmem>>
    %dma_wait3A_402 = arith.constant 28672 : i32
    %dma_wait3A_403 = tpu.memref_slice %arg2[%mul3A_2, %dma_wait3A_402] : memref<128x32768xf32, #tpu.memory_space<hbm>> -> memref<4x4096xf32, #tpu.memory_space<hbm>>
    %dma_wait3A_404 = arith.constant 0 : i32
    %dma_wait3A_405 = arith.constant 0 : i32
    %dma_wait3A_406 = tpu.memref_slice %arg4[%dma_wait3A_397, %dma_wait3A_404, %dma_wait3A_405] : memref<2x4x4096xf32, #tpu.memory_space<vmem>> -> memref<1x4x4096xf32, #tpu.memory_space<vmem>>
    %dma_wait3A_407 = tpu.memref_squeeze %dma_wait3A_406 : memref<1x4x4096xf32, #tpu.memory_space<vmem>> -> memref<4x4096xf32, #tpu.memory_space<vmem>>
    %dma_wait3A_408 = arith.constant 28672 : i32
    %dma_wait3A_409 = tpu.memref_slice %arg2[%mul3A_2, %dma_wait3A_408] : memref<128x32768xf32, #tpu.memory_space<hbm>> -> memref<4x4096xf32, #tpu.memory_space<hbm>>
    tpu.wait_dma2 semaphore(%arg7 : memref<!tpu.dma_semaphore, #tpu.memory_space<semaphore_mem>>) src(%dma_wait3A_409 : memref<4x4096xf32, #tpu.memory_space<hbm>>) dst(%dma_wait3A_407 : memref<4x4096xf32, #tpu.memory_space<vmem>>)
    %dma_wait3A_410 = arith.constant 1 : i32
    %dma_wait3A_411 = arith.constant 0 : i32
    %dma_wait3A_412 = arith.constant 0 : i32
    %dma_wait3A_413 = tpu.memref_slice %arg5[%dma_wait3A_410, %dma_wait3A_411, %dma_wait3A_412] : memref<2x4x4096xf32, #tpu.memory_space<vmem>> -> memref<1x4x4096xf32, #tpu.memory_space<vmem>>
    %dma_wait3A_414 = tpu.memref_squeeze %dma_wait3A_413 : memref<1x4x4096xf32, #tpu.memory_space<vmem>> -> memref<4x4096xf32, #tpu.memory_space<vmem>>
    %dma_wait3A_415 = arith.constant 20480 : i32
    %dma_wait3A_416 = tpu.memref_slice %arg3[%mul3A_2, %dma_wait3A_415] : memref<128x32768xf32, #tpu.memory_space<hbm>> -> memref<4x4096xf32, #tpu.memory_space<hbm>>
    %dma_wait3A_417 = arith.constant 20480 : i32
    %dma_wait3A_418 = tpu.memref_slice %arg3[%mul3A_2, %dma_wait3A_417] : memref<128x32768xf32, #tpu.memory_space<hbm>> -> memref<4x4096xf32, #tpu.memory_space<hbm>>
    %dma_wait3A_419 = arith.constant 0 : i32
    %dma_wait3A_420 = arith.constant 0 : i32
    %dma_wait3A_421 = tpu.memref_slice %arg5[%dma_wait3A_410, %dma_wait3A_419, %dma_wait3A_420] : memref<2x4x4096xf32, #tpu.memory_space<vmem>> -> memref<1x4x4096xf32, #tpu.memory_space<vmem>>
    %dma_wait3A_422 = tpu.memref_squeeze %dma_wait3A_421 : memref<1x4x4096xf32, #tpu.memory_space<vmem>> -> memref<4x4096xf32, #tpu.memory_space<vmem>>
    tpu.wait_dma2 semaphore(%arg9 : memref<!tpu.dma_semaphore, #tpu.memory_space<semaphore_mem>>) src(%dma_wait3A_422 : memref<4x4096xf32, #tpu.memory_space<vmem>>) dst(%dma_wait3A_418 : memref<4x4096xf32, #tpu.memory_space<hbm>>)
    %scan3A_423 = arith.constant 0 : i32
    %scan3A_424 = arith.constant 256 : i32
    %scan3A_425 = arith.addi %scan3A_423, %scan3A_424 : i32
    %scan3A_426 = arith.constant 1 : i32
    %scan3A_427:4 = scf.for %scan3A_468 = %scan3A_423 to %scan3A_425 step %scan3A_426 iter_args(%scan3A_469 = %scan3A_382#0, %scan3A_470 = %scan3A_382#1, %scan3A_471 = %scan3A_382#2, %scan3A_472 = %scan3A_382#3) -> (f32, f32, f32, f32)  : i32 {
      %mul3A_473 = arith.constant 16 : i32
      %mul3A_474 = arith.muli %scan3A_468, %mul3A_473 : i32
      %get3A = arith.constant 1 : i32
      %get3A_475 = arith.constant 0 : i32
      %get3A_476 = arith.index_cast %get3A : i32 to index
      %get3A_477 = arith.index_cast %get3A_475 : i32 to index
      %get3A_478 = arith.index_cast %mul3A_474 : i32 to index
      %get3A_479 = tpu.vector_load %arg4[%get3A_476, %get3A_477, %get3A_478] {strides = array<i32>} : memref<2x4x4096xf32, #tpu.memory_space<vmem>>, vector<16xf32>,
      %broadcast_in_dim3A = arith.constant true
      %broadcast_in_dim3A_480 = vector.broadcast %broadcast_in_dim3A : i1 to vector<16xi1>
      %masked_cumsum3A = tpu.scan <sum>, %get3A_479 masked %broadcast_in_dim3A_480 : vector<16xf32>, vector<16xi1> -> vector<16xf32>
      %sub3A = arith.subf %masked_cumsum3A, %get3A_479 : vector<16xf32>
      %add3A_481 = vector.broadcast %scan3A_469 : f32 to vector<16xf32>
      %add3A_482 = arith.addf %sub3A, %add3A_481 : vector<16xf32>
      %mul3A_483 = arith.constant 16 : i32
      %mul3A_484 = arith.muli %scan3A_468, %mul3A_483 : i32
      %swap3A = arith.constant 1 : i32
      %swap3A_485 = arith.constant 0 : i32
      %swap3A_486 = arith.index_cast %swap3A : i32 to index
      %swap3A_487 = arith.index_cast %swap3A_485 : i32 to index
      %swap3A_488 = arith.index_cast %mul3A_484 : i32 to index
      %swap3A_489 = tpu.vector_load %arg5[%swap3A_486, %swap3A_487, %swap3A_488] {strides = array<i32>} : memref<2x4x4096xf32, #tpu.memory_space<vmem>>, vector<16xf32>,
      tpu.vector_store %arg5[%swap3A_486, %swap3A_487, %swap3A_488], %add3A_482 {strides = array<i32>} : memref<2x4x4096xf32, #tpu.memory_space<vmem>>, vector<16xf32>,
      %reduce_sum3A = arith.constant true
      %reduce_sum3A_490 = vector.broadcast %reduce_sum3A : i1 to vector<16xi1>
      %reduce_sum3A_491 = tpu.scan <sum>, %get3A_479 masked %reduce_sum3A_490 : vector<16xf32>, vector<16xi1> -> vector<16xf32>
      %reduce_sum3A_492 = vector.extract %reduce_sum3A_491[15] : f32 from vector<16xf32>
      %add3A_493 = arith.addf %scan3A_469, %reduce_sum3A_492 : f32
      %mul3A_494 = arith.constant 16 : i32
      %mul3A_495 = arith.muli %scan3A_468, %mul3A_494 : i32
      %get3A_496 = arith.constant 1 : i32
      %get3A_497 = arith.constant 1 : i32
      %get3A_498 = arith.index_cast %get3A_496 : i32 to index
      %get3A_499 = arith.index_cast %get3A_497 : i32 to index
      %get3A_500 = arith.index_cast %mul3A_495 : i32 to index
      %get3A_501 = tpu.vector_load %arg4[%get3A_498, %get3A_499, %get3A_500] {strides = array<i32>} : memref<2x4x4096xf32, #tpu.memory_space<vmem>>, vector<16xf32>,
      %broadcast_in_dim3A_502 = arith.constant true
      %broadcast_in_dim3A_503 = vector.broadcast %broadcast_in_dim3A_502 : i1 to vector<16xi1>
      %masked_cumsum3A_504 = tpu.scan <sum>, %get3A_501 masked %broadcast_in_dim3A_503 : vector<16xf32>, vector<16xi1> -> vector<16xf32>
      %sub3A_505 = arith.subf %masked_cumsum3A_504, %get3A_501 : vector<16xf32>
      %add3A_506 = vector.broadcast %scan3A_470 : f32 to vector<16xf32>
      %add3A_507 = arith.addf %sub3A_505, %add3A_506 : vector<16xf32>
      %mul3A_508 = arith.constant 16 : i32
      %mul3A_509 = arith.muli %scan3A_468, %mul3A_508 : i32
      %swap3A_510 = arith.constant 1 : i32
      %swap3A_511 = arith.constant 1 : i32
      %swap3A_512 = arith.index_cast %swap3A_510 : i32 to index
      %swap3A_513 = arith.index_cast %swap3A_511 : i32 to index
      %swap3A_514 = arith.index_cast %mul3A_509 : i32 to index
      %swap3A_515 = tpu.vector_load %arg5[%swap3A_512, %swap3A_513, %swap3A_514] {strides = array<i32>} : memref<2x4x4096xf32, #tpu.memory_space<vmem>>, vector<16xf32>,
      tpu.vector_store %arg5[%swap3A_512, %swap3A_513, %swap3A_514], %add3A_507 {strides = array<i32>} : memref<2x4x4096xf32, #tpu.memory_space<vmem>>, vector<16xf32>,
      %reduce_sum3A_516 = arith.constant true
      %reduce_sum3A_517 = vector.broadcast %reduce_sum3A_516 : i1 to vector<16xi1>
      %reduce_sum3A_518 = tpu.scan <sum>, %get3A_501 masked %reduce_sum3A_517 : vector<16xf32>, vector<16xi1> -> vector<16xf32>
      %reduce_sum3A_519 = vector.extract %reduce_sum3A_518[15] : f32 from vector<16xf32>
      %add3A_520 = arith.addf %scan3A_470, %reduce_sum3A_519 : f32
      %mul3A_521 = arith.constant 16 : i32
      %mul3A_522 = arith.muli %scan3A_468, %mul3A_521 : i32
      %get3A_523 = arith.constant 1 : i32
      %get3A_524 = arith.constant 2 : i32
      %get3A_525 = arith.index_cast %get3A_523 : i32 to index
      %get3A_526 = arith.index_cast %get3A_524 : i32 to index
      %get3A_527 = arith.index_cast %mul3A_522 : i32 to index
      %get3A_528 = tpu.vector_load %arg4[%get3A_525, %get3A_526, %get3A_527] {strides = array<i32>} : memref<2x4x4096xf32, #tpu.memory_space<vmem>>, vector<16xf32>,
      %broadcast_in_dim3A_529 = arith.constant true
      %broadcast_in_dim3A_530 = vector.broadcast %broadcast_in_dim3A_529 : i1 to vector<16xi1>
      %masked_cumsum3A_531 = tpu.scan <sum>, %get3A_528 masked %broadcast_in_dim3A_530 : vector<16xf32>, vector<16xi1> -> vector<16xf32>
      %sub3A_532 = arith.subf %masked_cumsum3A_531, %get3A_528 : vector<16xf32>
      %add3A_533 = vector.broadcast %scan3A_471 : f32 to vector<16xf32>
      %add3A_534 = arith.addf %sub3A_532, %add3A_533 : vector<16xf32>
      %mul3A_535 = arith.constant 16 : i32
      %mul3A_536 = arith.muli %scan3A_468, %mul3A_535 : i32
      %swap3A_537 = arith.constant 1 : i32
      %swap3A_538 = arith.constant 2 : i32
      %swap3A_539 = arith.index_cast %swap3A_537 : i32 to index
      %swap3A_540 = arith.index_cast %swap3A_538 : i32 to index
      %swap3A_541 = arith.index_cast %mul3A_536 : i32 to index
      %swap3A_542 = tpu.vector_load %arg5[%swap3A_539, %swap3A_540, %swap3A_541] {strides = array<i32>} : memref<2x4x4096xf32, #tpu.memory_space<vmem>>, vector<16xf32>,
      tpu.vector_store %arg5[%swap3A_539, %swap3A_540, %swap3A_541], %add3A_534 {strides = array<i32>} : memref<2x4x4096xf32, #tpu.memory_space<vmem>>, vector<16xf32>,
      %reduce_sum3A_543 = arith.constant true
      %reduce_sum3A_544 = vector.broadcast %reduce_sum3A_543 : i1 to vector<16xi1>
      %reduce_sum3A_545 = tpu.scan <sum>, %get3A_528 masked %reduce_sum3A_544 : vector<16xf32>, vector<16xi1> -> vector<16xf32>
      %reduce_sum3A_546 = vector.extract %reduce_sum3A_545[15] : f32 from vector<16xf32>
      %add3A_547 = arith.addf %scan3A_471, %reduce_sum3A_546 : f32
      %mul3A_548 = arith.constant 16 : i32
      %mul3A_549 = arith.muli %scan3A_468, %mul3A_548 : i32
      %get3A_550 = arith.constant 1 : i32
      %get3A_551 = arith.constant 3 : i32
      %get3A_552 = arith.index_cast %get3A_550 : i32 to index
      %get3A_553 = arith.index_cast %get3A_551 : i32 to index
      %get3A_554 = arith.index_cast %mul3A_549 : i32 to index
      %get3A_555 = tpu.vector_load %arg4[%get3A_552, %get3A_553, %get3A_554] {strides = array<i32>} : memref<2x4x4096xf32, #tpu.memory_space<vmem>>, vector<16xf32>,
      %broadcast_in_dim3A_556 = arith.constant true
      %broadcast_in_dim3A_557 = vector.broadcast %broadcast_in_dim3A_556 : i1 to vector<16xi1>
      %masked_cumsum3A_558 = tpu.scan <sum>, %get3A_555 masked %broadcast_in_dim3A_557 : vector<16xf32>, vector<16xi1> -> vector<16xf32>
      %sub3A_559 = arith.subf %masked_cumsum3A_558, %get3A_555 : vector<16xf32>
      %add3A_560 = vector.broadcast %scan3A_472 : f32 to vector<16xf32>
      %add3A_561 = arith.addf %sub3A_559, %add3A_560 : vector<16xf32>
      %mul3A_562 = arith.constant 16 : i32
      %mul3A_563 = arith.muli %scan3A_468, %mul3A_562 : i32
      %swap3A_564 = arith.constant 1 : i32
      %swap3A_565 = arith.constant 3 : i32
      %swap3A_566 = arith.index_cast %swap3A_564 : i32 to index
      %swap3A_567 = arith.index_cast %swap3A_565 : i32 to index
      %swap3A_568 = arith.index_cast %mul3A_563 : i32 to index
      %swap3A_569 = tpu.vector_load %arg5[%swap3A_566, %swap3A_567, %swap3A_568] {strides = array<i32>} : memref<2x4x4096xf32, #tpu.memory_space<vmem>>, vector<16xf32>,
      tpu.vector_store %arg5[%swap3A_566, %swap3A_567, %swap3A_568], %add3A_561 {strides = array<i32>} : memref<2x4x4096xf32, #tpu.memory_space<vmem>>, vector<16xf32>,
      %reduce_sum3A_570 = arith.constant true
      %reduce_sum3A_571 = vector.broadcast %reduce_sum3A_570 : i1 to vector<16xi1>
      %reduce_sum3A_572 = tpu.scan <sum>, %get3A_555 masked %reduce_sum3A_571 : vector<16xf32>, vector<16xi1> -> vector<16xf32>
      %reduce_sum3A_573 = vector.extract %reduce_sum3A_572[15] : f32 from vector<16xf32>
      %add3A_574 = arith.addf %scan3A_472, %reduce_sum3A_573 : f32
      scf.yield %add3A_493, %add3A_520, %add3A_547, %add3A_574 : f32, f32, f32, f32
    }
    %scan3A_428 = arith.constant 256 : i32
    %dma_start3A_429 = arith.constant 1 : i32
    %dma_start3A_430 = arith.constant 0 : i32
    %dma_start3A_431 = arith.constant 0 : i32
    %dma_start3A_432 = tpu.memref_slice %arg5[%dma_start3A_429, %dma_start3A_430, %dma_start3A_431] : memref<2x4x4096xf32, #tpu.memory_space<vmem>> -> memref<1x4x4096xf32, #tpu.memory_space<vmem>>
    %dma_start3A_433 = tpu.memref_squeeze %dma_start3A_432 : memref<1x4x4096xf32, #tpu.memory_space<vmem>> -> memref<4x4096xf32, #tpu.memory_space<vmem>>
    %dma_start3A_434 = arith.constant 28672 : i32
    %dma_start3A_435 = tpu.memref_slice %arg3[%mul3A_2, %dma_start3A_434] : memref<128x32768xf32, #tpu.memory_space<hbm>> -> memref<4x4096xf32, #tpu.memory_space<hbm>>
    %dma_start3A_436 = arith.constant 28672 : i32
    %dma_start3A_437 = tpu.memref_slice %arg3[%mul3A_2, %dma_start3A_436] : memref<128x32768xf32, #tpu.memory_space<hbm>> -> memref<4x4096xf32, #tpu.memory_space<hbm>>
    %dma_start3A_438 = arith.constant 0 : i32
    %dma_start3A_439 = arith.constant 0 : i32
    %dma_start3A_440 = tpu.memref_slice %arg5[%dma_start3A_429, %dma_start3A_438, %dma_start3A_439] : memref<2x4x4096xf32, #tpu.memory_space<vmem>> -> memref<1x4x4096xf32, #tpu.memory_space<vmem>>
    %dma_start3A_441 = tpu.memref_squeeze %dma_start3A_440 : memref<1x4x4096xf32, #tpu.memory_space<vmem>> -> memref<4x4096xf32, #tpu.memory_space<vmem>>
    tpu.enqueue_dma source(%dma_start3A_441 : memref<4x4096xf32, #tpu.memory_space<vmem>>) target(%dma_start3A_437 : memref<4x4096xf32, #tpu.memory_space<hbm>>) target_semaphore(%arg9 : memref<!tpu.dma_semaphore, #tpu.memory_space<semaphore_mem>>)
    %dma_wait3A_442 = arith.constant 0 : i32
    %dma_wait3A_443 = arith.constant 0 : i32
    %dma_wait3A_444 = arith.constant 0 : i32
    %dma_wait3A_445 = tpu.memref_slice %arg5[%dma_wait3A_442, %dma_wait3A_443, %dma_wait3A_444] : memref<2x4x4096xf32, #tpu.memory_space<vmem>> -> memref<1x4x4096xf32, #tpu.memory_space<vmem>>
    %dma_wait3A_446 = tpu.memref_squeeze %dma_wait3A_445 : memref<1x4x4096xf32, #tpu.memory_space<vmem>> -> memref<4x4096xf32, #tpu.memory_space<vmem>>
    %dma_wait3A_447 = arith.constant 24576 : i32
    %dma_wait3A_448 = tpu.memref_slice %arg3[%mul3A_2, %dma_wait3A_447] : memref<128x32768xf32, #tpu.memory_space<hbm>> -> memref<4x4096xf32, #tpu.memory_space<hbm>>
    %dma_wait3A_449 = arith.constant 24576 : i32
    %dma_wait3A_450 = tpu.memref_slice %arg3[%mul3A_2, %dma_wait3A_449] : memref<128x32768xf32, #tpu.memory_space<hbm>> -> memref<4x4096xf32, #tpu.memory_space<hbm>>
    %dma_wait3A_451 = arith.constant 0 : i32
    %dma_wait3A_452 = arith.constant 0 : i32
    %dma_wait3A_453 = tpu.memref_slice %arg5[%dma_wait3A_442, %dma_wait3A_451, %dma_wait3A_452] : memref<2x4x4096xf32, #tpu.memory_space<vmem>> -> memref<1x4x4096xf32, #tpu.memory_space<vmem>>
    %dma_wait3A_454 = tpu.memref_squeeze %dma_wait3A_453 : memref<1x4x4096xf32, #tpu.memory_space<vmem>> -> memref<4x4096xf32, #tpu.memory_space<vmem>>
    tpu.wait_dma2 semaphore(%arg8 : memref<!tpu.dma_semaphore, #tpu.memory_space<semaphore_mem>>) src(%dma_wait3A_454 : memref<4x4096xf32, #tpu.memory_space<vmem>>) dst(%dma_wait3A_450 : memref<4x4096xf32, #tpu.memory_space<hbm>>)
    %dma_wait3A_455 = arith.constant 1 : i32
    %dma_wait3A_456 = arith.constant 0 : i32
    %dma_wait3A_457 = arith.constant 0 : i32
    %dma_wait3A_458 = tpu.memref_slice %arg5[%dma_wait3A_455, %dma_wait3A_456, %dma_wait3A_457] : memref<2x4x4096xf32, #tpu.memory_space<vmem>> -> memref<1x4x4096xf32, #tpu.memory_space<vmem>>
    %dma_wait3A_459 = tpu.memref_squeeze %dma_wait3A_458 : memref<1x4x4096xf32, #tpu.memory_space<vmem>> -> memref<4x4096xf32, #tpu.memory_space<vmem>>
    %dma_wait3A_460 = arith.constant 28672 : i32
    %dma_wait3A_461 = tpu.memref_slice %arg3[%mul3A_2, %dma_wait3A_460] : memref<128x32768xf32, #tpu.memory_space<hbm>> -> memref<4x4096xf32, #tpu.memory_space<hbm>>
    %dma_wait3A_462 = arith.constant 28672 : i32
    %dma_wait3A_463 = tpu.memref_slice %arg3[%mul3A_2, %dma_wait3A_462] : memref<128x32768xf32, #tpu.memory_space<hbm>> -> memref<4x4096xf32, #tpu.memory_space<hbm>>
    %dma_wait3A_464 = arith.constant 0 : i32
    %dma_wait3A_465 = arith.constant 0 : i32
    %dma_wait3A_466 = tpu.memref_slice %arg5[%dma_wait3A_455, %dma_wait3A_464, %dma_wait3A_465] : memref<2x4x4096xf32, #tpu.memory_space<vmem>> -> memref<1x4x4096xf32, #tpu.memory_space<vmem>>
    %dma_wait3A_467 = tpu.memref_squeeze %dma_wait3A_466 : memref<1x4x4096xf32, #tpu.memory_space<vmem>> -> memref<4x4096xf32, #tpu.memory_space<vmem>>
    tpu.wait_dma2 semaphore(%arg9 : memref<!tpu.dma_semaphore, #tpu.memory_space<semaphore_mem>>) src(%dma_wait3A_467 : memref<4x4096xf32, #tpu.memory_space<vmem>>) dst(%dma_wait3A_463 : memref<4x4096xf32, #tpu.memory_space<hbm>>)
    return
  }
}

</mosaic_0001>

<sc_bundles>
// kernel: kernel.3.cloned.1.call-start
scs
__scs_entry_jumppad:
0x0: {  	(pc) =	sbr.rel $0x88, $3  }
0x1: {  	(tag) =	ssettag $0x0;
	lr =	simm.s32 $0x1  }
0x2: {  	[smem:$0x3FA0] =	sst lr;
	_ =	strace $0xD0000000  }
0x3: {  	_ = 	snop  }
0x4: {  	_ = 	snop  }
0x5: {  	_ = 	snop  }
0x6: {  	_ = 	snop  }
0x7: {  	_ = 	snop  }
__scs_overlays_trampoline_lowered:
0x8: {  	[smem:$0x3FAF] =	sst s0  }
0x9: {  	[smem:$0x3FB0] =	sst s1  }
0xa: {  	[smem:$0x3FB1] =	sst s2  }
0xb: {  	[smem:$0x3FB2] =	sst s3  }
0xc: {  	[smem:$0x3FB3] =	sst s4  }
0xd: {  	[smem:$0x3FB4] =	sst s5  }
0xe: {  	[smem:$0x3FB5] =	sst s6  }
0xf: {  	[smem:$0x3FB6] =	sst s7  }
0x10: {  	[smem:$0x3FB7] =	sst s8  }
0x11: {  	[smem:$0x3FB8] =	sst s9;
	s0 =	simm.s32 @!p0 $0x0  }
0x12: {  	s1 =	sld [smem:$0x3F9E];
	s0 =	simm.s32 @p0 $0x1  }
0x13: {  	[smem:$0x3FB9] =	sst s0;
	s0 =	simm.s32 @!p1 $0x0  }
0x14: {  	s2 =	sld [smem:$0x3F9D];
	s0 =	simm.s32 @p1 $0x1  }
0x15: {  	[smem:$0x3FBA] =	sst s0;
	s0 =	simm.s32 @!p2 $0x0  }
0x16: {  	s3 =	sld [smem:$0x3FDB];
	s0 =	simm.s32 @p2 $0x1  }
0x17: {  	s4 =	simm.s32 $0x1BF5;
	[smem:$0x3FBC] =	sst s0  }
0x18: {  	s0 =	sld [smem:$0x3F9F];
	_ =	swait.ge [sflag:s4], $0x0  }
0x19: {  	s7 =	sld [smem:$0x3FA0]  }
0x1a: {  	s8 =	sadd.s32 $0xFFFFE003, lr  }
0x1b: {  	s9 =	sadd.s32 $0xFFFFFEF7, lr;
	s5 =	simm.s32 $0xFFFFFFFF;
	p2 =	slt.u32 s8, $0xFFFFF086  }
0x1c: {  	p1 =	slt.u32 s9, $0xF7A;
	s5 =	simm.s32 @!p2 $0x0  }
0x1d: {  	s5 =	simm.s32 @p1 $0x1;
	p0 =	seq.s32 s7, s2  }
0x1e: {  	s7 =	smul.u32 @!p0 $0xF7A, s2;
	p2 =	seq.s32 @!p0 s5, $0x0  }
0x1f: {  	s9 =	smul.u32 $0xF7A, s1;
	s8 =	simm.s32 @!p0 $0x1BF5;
	p2 =	por !p2, p0  }
0x20: {  	[sflag:s8] =	ssyncset.s32 @!p0 $0xFFFFF086;
	s6 =	sadd.s32 @!p0 s3, s7;
	s7 =	simm.s32 @!p0 $0x108  }
0x21: {  	s3 =	sadd.s32 s3, s9;
	s6 =	sadd.s32 @!p0 $0x88, s6;
	s7 =	simm.s32 @p2 $0x1082  }
0x22: {  	[simem:s7], [sflag:s8] =	dma.local @!p0 [hbm:s6], $0xF7A  }
0x23: {  	s9 =	sor.u32 $0xD0000000, s2;
	s6 =	simm.s32 $0x108;
	_ =	swait.ge @!p0 [sflag:s8], $0x0  }
0x24: {  	s3 =	sadd.s32 $0x88, s3;
	s6 =	simm.s32 @!p1 $0x1082;
	[sflag:s4] =	ssyncset.s32 $0xFFFFF086  }
0x25: {  	[simem:s6], [sflag:s4] =	dma.local [hbm:s3], $0xF7A  }
0x26: {  	[smem:$0x3FA0] =	sst s1;
	(tag) =	ssettag s2;
	_ =	strace s9  }
0x27: {  	s1 =	sld [smem:$0x3FB0]  }
0x28: {  	s2 =	sld [smem:$0x3FB1]  }
0x29: {  	s4 =	sld [smem:$0x3FB3]  }
0x2a: {  	p0 =	seq.s32 s5, $0x0;
	s5 =	sld [smem:$0x3FB4]  }
0x2b: {  	s6 =	sld [smem:$0x3FB5]  }
0x2c: {  	s7 =	sld [smem:$0x3FB6]  }
0x2d: {  	s3 =	simm.s32 $0x108;
	s8 =	sld [smem:$0x3FB7]  }
0x2e: {  	s3 =	simm.s32 @!p0 $0x1082;
	s9 =	sld [smem:$0x3FB8]  }
0x2f: {  	lr =	sadd.s32 s0, s3;
	s0 =	sld [smem:$0x3FAF]  }
0x30: {  	s3 =	sld [smem:$0x3FB2]  }
0x31: {  	[smem:$0x3FBB] =	sst s10  }
0x32: {  	s10 =	sld [smem:$0x3FB9];
	_ =	sdelay $0x3  }
0x33: {  	p0 =	seq.s32 s10, $0x1;
	s10 =	sld [smem:$0x3FBB];
	_ =	sdelay $0x3  }
0x34: {  	[smem:$0x3FBB] =	sst s10  }
0x35: {  	s10 =	sld [smem:$0x3FBA];
	_ =	sdelay $0x3  }
0x36: {  	p1 =	seq.s32 s10, $0x1;
	s10 =	sld [smem:$0x3FBB];
	_ =	sdelay $0x3  }
0x37: {  	[smem:$0x3FBB] =	sst s10  }
0x38: {  	s10 =	sld [smem:$0x3FBC]  }
0x39: {  	_ = 	snop;
	(pc) =	sbr.ind lr, $3  }
0x3a: {  	_ = 	snop  }
0x3b: {  	_ = 	snop  }
0x3c: {  	p2 =	seq.s32 s10, $0x1;
	s10 =	sld [smem:$0x3FBB]  }
0x3d: {  	_ =	shalt  }
0x3e: {  	_ =	shalt  }
0x3f: {  	_ =	shalt  }
0x40: {  	_ =	shalt  }
0x41: {  	_ =	shalt  }
0x42: {  	_ =	shalt  }
0x43: {  	_ =	shalt  }
0x44: {  	_ =	shalt  }
0x45: {  	_ =	shalt  }
0x46: {  	_ =	shalt  }
0x47: {  	_ =	shalt  }
0x48: {  	_ =	shalt  }
0x49: {  	_ =	shalt  }
0x4a: {  	_ =	shalt  }
0x4b: {  	_ =	shalt  }
0x4c: {  	_ =	shalt  }
0x4d: {  	_ =	shalt  }
0x4e: {  	_ =	shalt  }
0x4f: {  	_ =	shalt  }
0x50: {  	_ =	shalt  }
0x51: {  	_ =	shalt  }
0x52: {  	_ =	shalt  }
0x53: {  	_ =	shalt  }
0x54: {  	_ =	shalt  }
0x55: {  	_ =	shalt  }
0x56: {  	_ =	shalt  }
0x57: {  	_ =	shalt  }
0x58: {  	_ =	shalt  }
0x59: {  	_ =	shalt  }
0x5a: {  	_ =	shalt  }
0x5b: {  	_ =	shalt  }
0x5c: {  	_ =	shalt  }
0x5d: {  	_ =	shalt  }
0x5e: {  	_ =	shalt  }
0x5f: {  	_ =	shalt  }
0x60: {  	_ =	shalt  }
0x61: {  	_ =	shalt  }
0x62: {  	_ =	shalt  }
0x63: {  	_ =	shalt  }
0x64: {  	_ =	shalt  }
0x65: {  	_ =	shalt  }
0x66: {  	_ =	shalt  }
0x67: {  	_ =	shalt  }
0x68: {  	_ =	shalt  }
0x69: {  	_ =	shalt  }
0x6a: {  	_ =	shalt  }
0x6b: {  	_ =	shalt  }
0x6c: {  	_ =	shalt  }
0x6d: {  	_ =	shalt  }
0x6e: {  	_ =	shalt  }
0x6f: {  	_ =	shalt  }
0x70: {  	_ =	shalt  }
0x71: {  	_ =	shalt  }
0x72: {  	_ =	shalt  }
0x73: {  	_ =	shalt  }
0x74: {  	_ =	shalt  }
0x75: {  	_ =	shalt  }
0x76: {  	_ =	shalt  }
0x77: {  	_ =	shalt  }
0x78: {  	_ =	shalt  }
0x79: {  	_ =	shalt  }
0x7a: {  	_ =	shalt  }
0x7b: {  	_ =	shalt  }
0x7c: {  	_ =	shalt  }
0x7d: {  	_ =	shalt  }
0x7e: {  	_ =	shalt  }
0x7f: {  	_ =	shalt  }
0x80: {  	_ =	shalt  }
0x81: {  	_ =	shalt  }
0x82: {  	_ =	shalt  }
0x83: {  	_ =	shalt  }
0x84: {  	_ =	shalt  }
0x85: {  	_ =	shalt  }
0x86: {  	_ =	shalt  }
0x87: {  	_ =	shalt  }
.Lfunc_end0:
.L_simem_size_0:
called_computation_lowered:
.L_overlay_start_0:
0x88: {  	s2 =	sld [smem:$0x3FD9]  }
0x89: {  	s3 =	sld [smem:$0x3FFE];
	_ =	sdelay $0x1  }
0x8a: {  	s1 =	srdreg.scid  }
0x8b: {  	s0 =	sand.u32 $0x1, s1  }
0x8c: {  	s18 =	sshll.u32 s0, $0xA;
	s2 =	sadd.s32 s3, s2  }
0x8d: {  	s2 =	sadd.s32 s2, s18  }
0x8e: {  	[smem:$0x3FC7] =	sst s2  }
0x8f: {  	_ = 	snop  }
0x90: {  	s2 =	sld [smem:$0x3FC9]  }
0x91: {  	s19 =	sld [smem:$0x3FD0];
	(tm) =	ssettm $0x1  }
0x92: {  	s4 =	sld [smem:$0x3FFB];
	_ =	sdelay $0x3  }
0x93: {  	_ =	strace s4  }
0x94: {  	s4 =	sld [smem:$0x3FFC];
	_ =	sdelay $0x3  }
0x95: {  	_ =	strace s4  }
0x96: {  	s4 =	sld [smem:$0x3FFD];
	_ =	sdelay $0x3  }
0x97: {  	_ =	strace s4  }
0x98: {  	_ =	strace $0x8FFFFFFF  }
0x99: {  	s20 =	sld [smem:$0x3FDB];
	_ =	sdelay $0x1  }
0x9a: {  	s5 =	simm.s32 $_scs_section_size  }
0x9b: {  	s6 =	simm.s32 $_size__tile_overlayer_lowered;
	s7 =	simm.s32 $_tile_overlayer_lowered  }
0x9c: {  	s23 =	simm.s32 $0x1BFF;
	s22 =	sshll.u32 s7, $0x1;
	s4 =	sadd.s32 s5, s20  }
0x9d: {  	s8 =	simm.s32 $0x0;
	s21 =	sshll.u32 s6, $0x1;
	s6 =	sadd.s32 s22, s4  }
0x9e: {  	[timem:s8], [sflag:s23] =	dma.local [hbm:s6], s21  }
0x9f: {  	_ =	swait.ge [sflag:s23], s21  }
0xa0: {  	s5 =	ssub.s32 $0x0, s21;
	[sflag:s23] =	ssyncset.done $0x0  }
0xa1: {  	[sflag:s23] =	ssyncadd.s32 s5;
	_ =	sdelay $0x1  }
0xa2: {  	s24 =	simm.s32 $0x1B8B  }
0xa3: {  	_ =	swait.ge [sflag:s24], $0x1  }
0xa4: {  	[sflag:s24] =	ssyncset.done $0x0  }
0xa5: {  	s25 =	simm.s32 $0x1B8E;
	[sflag:s24] =	ssyncadd.s32 $0xFFFFFFFF  }
0xa6: {  	s26 =	simm.s32 $execute0_lowered;
	[smem:$0x3FD2] =	sst s25  }
0xa7: {  	s5 =	sshll.u32 s26, $0x1;
	_ =	strace $0x80000046;
	[dreg:$0x1] =	wrdreg $0xFFFFFFFF  }
0xa8: {  	s28 =	simm.s32 $_size_execute0_lowered;
	s4 =	sadd.s32 s4, s5;
	[dreg:$0x0] =	wrdreg $0x0  }
0xa9: {  	s5 =	sshll.u32 s28, $0x1;
	[dreg:$0x2] =	wrdreg s4  }
0xaa: {  	[dreg:$0x3] =	wrdreg s5  }
0xab: {  	[dreg:$0x4] =	wrdreg $0xC0  }
0xac: {  	_ =	task [dreg:s8], $0x5FFFF  }
0xad: {  	[dreg:$0x1] =	wrdreg $0xFFFFFFFF  }
0xae: {  	[dreg:$0x0] =	wrdreg $0x60  }
0xaf: {  	[dreg:$0x2] =	wrdreg s2  }
0xb0: {  	[dreg:$0x3] =	wrdreg s19  }
0xb1: {  	[dreg:$0x4] =	wrdreg $0x9  }
0xb2: {  	_ =	task.clear_ibuf [dreg:s8], $0x5FFFF;
	_ =	strace $0x90000046  }
0xb3: {  	s29 =	simm.s32 $0x9;
	_ =	strace $0x80000048  }
0xb4: {  	_ =	swait.ge [sflag:s29], $0x1  }
0xb5: {  	[sflag:s29] =	ssyncadd.s32 $0xFFFFFFFF  }
0xb6: {  	_ =	strace $0x90000048  }
0xb7: {  	_ =	sfence  }
0xb8: {  	s30 =	sld [smem:$0x0];
	_ =	sdelay $0x2  }
0xb9: {  	s31 =	sshll.u32 s1, $0xD;
	s1 =	sshrl.u32 s1, $0x2  }
0xba: {  	s3 =	sand.u32 $0x4000, s31;
	s1 =	sadd.s32 s1, s30  }
0xbb: {  	s0 =	sor.u32 s3, s0;
	s1 =	sshll.u32 s1, $0x11  }
0xbc: {  	s0 =	sor.u32 s1, s0  }
0xbd: {  	s0 =	sadd.s32 $0x8F2B, s0  }
0xbe: {  	[sflag:s0] =	ssyncadd.remote.s32 $0x1  }
0xbf: {  	_ =	sfence.sel $0xFFFF  }
0xc0: {  	[dreg:$0x0] =	wrdreg $0xFFFFFFFF;
	(pc) =	sbr.abs _section_cstart, $3  }
0xc1: {  	[dreg:$0x1] =	wrdreg $0xFFFFFFFF  }
0xc2: {  	_ =	task.clear_ibuf [dreg:s8], $0x2FFFF;
	_ =	strace $0x9FFFFFFF  }
0xc3: {  	(tm) =	ssettm $0x7FFFFFFF  }
tec
execute0_lowered:
.L_overlay_start_1:
0x0: {  	(tag) =	ssettag $0x1  }
0x1: {  	s0 =	rddreg [dreg:$0x0]  }
0x2: {  	s1 =	rddreg [dreg:$0x1];
	s3 =	srdreg.scid  }
0x3: {  	s2 =	simm.s32 $0x0;
	s5 =	stileid.u32;
	s28 =	simm.s32 $0x3  }
0x4: {  	s29 =	simm.s32 $0x4;
	s30 =	simm.s32 $0x0;
	s3 =	sand.u32 $0x1, s3  }
0x5: {  	s5 =	sshll.u32 s5, $0xF;
	s4 =	ssub.s32 $0x2, s3;
	s3 =	sshll.u32 s3, $0x6  }
0x6: {  	[smem:$0x7FF] =	sst s2;
	s6 =	sshrl.u32 s4, $0x1;
	s3 =	sor.u32 s3, s5  }
0x7: {  	_ =	strace $0x80000047;
	s4 =	ssub.s32 s4, s6;
	s5 =	sor.u32 $0x1000, s3  }
0x8: {  	s18 =	sadd.s32 s0, s3;
	s20 =	sor.u32 $0x2000, s3;
	s7 =	sadd.s32 s1, s3  }
0x9: {  	s22 =	sor.u32 $0x3000, s3;
	s24 =	sor.u32 $0x4000, s3;
	s26 =	sor.u32 $0x5000, s3  }
0xa: {  	s31 =	sor.u32 $0x6000, s3;
	s3 =	sor.u32 $0x7000, s3;
	[dreg:$0x3] =	wrdreg s18  }
0xb: {  	s19 =	sadd.s32 s0, s5;
	[dreg:$0x5] =	wrdreg s7;
	s21 =	sadd.s32 s0, s20  }
0xc: {  	s5 =	sadd.s32 s1, s5;
	s23 =	sadd.s32 s0, s22;
	s6 =	sadd.s32 s1, s20  }
0xd: {  	s25 =	sadd.s32 s0, s24;
	s7 =	sadd.s32 s1, s22;
	[dreg:$0x4] =	wrdreg s19  }
0xe: {  	s12 =	sadd.s32 s0, s26;
	s13 =	sadd.s32 s1, s24;
	[dreg:$0x6] =	wrdreg s21  }
0xf: {  	s14 =	sadd.s32 s0, s31;
	s15 =	sadd.s32 s1, s26;
	[dreg:$0x7] =	wrdreg s5  }
0x10: {  	s16 =	sadd.s32 s0, s3;
	s17 =	sadd.s32 s1, s31;
	[dreg:$0x8] =	wrdreg s23  }
0x11: {  	s18 =	sadd.s32 s1, s3;
	s20 =	simm.s32 $0x200;
	[dreg:$0x9] =	wrdreg s6  }
0x12: {  	s22 =	simm.s32 $0x4000;
	s24 =	simm.s32 $0x8000;
	[dreg:$0xa] =	wrdreg s25  }
0x13: {  	s26 =	simm.s32 $0xC000;
	[dreg:$0xb] =	wrdreg s7;
	s19 =	smax.u32 s4, $0x1  }
0x14: {  	s21 =	simm.s32 $0x400;
	s23 =	simm.s32 $0x1;
	s25 =	simm.s32 $0x2  }
.LBB2_1:
0x15: {  	s0 =	rddreg [dreg:$0x3]  }
0x16: {  	[tilespmem:s2], [sflag:$0x1] =	stream.strided.gather [hbm4b:s0+s20], $0x4000, s21, s20, $0x38;
	[tilespmem:$0x10000] =	vst v63  }
0x17: {  	s5 =	rddreg [dreg:$0x4]  }
0x18: {  	[tilespmem:s22], [sflag:$0x2] =	stream.strided.gather [hbm4b:s5+s20], $0x4000, s21, s20, $0x38;
	[tilespmem:$0x10000] =	vst v63  }
0x19: {  	_ =	swait.ge [sflag:s23], $0x4000  }
0x1a: {  	s6 =	sand.u32 $0x70, s2;
	s1 =	sand.u32 $0x3E00, s2;
	[sflag:s23] =	ssyncset.done $0x0  }
0x1b: {  	s4 =	sor.u32 s6, s1;
	[sflag:s23] =	ssyncadd.s32 $0xFFFFC000  }
0x1c: {  	v0 =	vld [tilespmem:s4+$0x180];
	_ =	sdelay $0x4  }
0x1d: {  	(xrf2) =	vadd.scan.msk.f32 $0xffff, v0;
	_ =	sdelay $0x2  }
0x1e: {  	v2 =	vld [tilespmem:s4+$0x0];
	_ =	sdelay $0x1  }
0x1f: {  	v3 =	vld [tilespmem:s4+$0x80];
	_ =	sdelay $0x2  }
0x20: {  	s7 =	simm.s32 $0x10;
	s8 =	simm.s32 $0x40;
	v5 =	vld [tilespmem:s4+$0x100];
	(xrf2) =	vadd.scan.msk.f32 $0xffff, v2  }
0x21: {  	s0 =	sand.u32 $0x70, s7;
	s1 =	sand.u32 $0x3E00, s8  }
0x22: {  	s0 =	sor.u32 s0, s1;
	v1, _, _ =	vpop (xrf2);
	(xrf2) =	vadd.scan.msk.f32 $0xffff, v3  }
0x23: {  	v6 =	vld [tilespmem:s0+$0x180];
	_ =	sdelay $0x1  }
0x24: {  	v8 =	vld [tilespmem:s0+$0x0];
	(xrf2) =	vadd.scan.msk.f32 $0xffff, v5  }
0x25: {  	v9 =	vld [tilespmem:s0+$0x80];
	(v2sf) =	vpush v1, $0xF;
	_ =	sdelay $0x1  }
0x26: {  	(xrf2) =	vadd.scan.msk.f32 $0xffff, v6;
	_ =	sdelay $0x1  }
0x27: {  	v7, _, _ =	vpop (xrf2);
	(xrf2) =	vadd.scan.msk.f32 $0xffff, v8  }
0x28: {  	(v2sf) =	vpush v7, $0xF;
	(xrf2) =	vadd.scan.msk.f32 $0xffff, v9  }
0x29: {  	s9 =	simm.s32 $0x20;
	s3 =	simm.s32 $0x80;
	v0 =	vsub.f32 v1, v0;
	v1 =	vld [tilespmem:s0+$0x100];
	v10, _, _ =	vpop (xrf2)  }
0x2a: {  	s3 =	sand.u32 $0x3E00, s3;
	s5 =	sand.u32 $0x70, s9;
	(v2sf) =	vpush v10, $0xF  }
0x2b: {  	s31 =	sor.u32 s5, s3  }
0x2c: {  	v4 =	vld [tilespmem:s31+$0x180];
	v12 =	vsub.f32 v10, v3;
	v3, _, _ =	vpop (xrf2)  }
0x2d: {  	(v2sf) =	vpush v3, $0xF  }
0x2e: {  	s1 =	simm.f32 $0.0e+00;
	v11 =	vsub.f32 v7, v2;
	(xrf2) =	vadd.scan.msk.f32 $0xffff, v1  }
0x2f: {  	v2 =	vld [tilespmem:s31+$0x0];
	v0 =	vadd.f32 s1, v0;
	v5 =	vsub.f32 v3, v5;
	v61, _, _ =	vpop (xrf2)  }
0x30: {  	v60 =	vadd.f32 s1, v11;
	(v2sf) =	vpush v61, $0xF  }
0x31: {  	[tilespmem:s4+$0x8180] =	vst v0;
	(xrf2) =	vadd.scan.msk.f32 $0xffff, v4;
	v7 =	vsub.f32 v61, v6;
	v62, _, _ =	vpop (xrf2);
	v63 =	vadd.f32 s1, v5  }
0x32: {  	v0 =	vld [tilespmem:s31+$0x80];
	v5 =	vsub.f32 v62, v8;
	v8, _, _ =	vpop (xrf2);
	s11 =	spop (v2sf);
	(v2sf) =	vpush v62, $0xF  }
0x33: {  	v6 =	vadd.f32 s1, v12;
	(v2sf) =	vpush v8, $0xF  }
0x34: {  	s10 =	simm.s32 $0x30;
	s6 =	simm.s32 $0xC0;
	v3 =	vld [tilespmem:s31+$0x100];
	[tilespmem:s4+$0x8000] =	vst v60;
	(xrf2) =	vadd.scan.msk.f32 $0xffff, v2  }
0x35: {  	s8 =	sand.u32 $0x70, s10;
	s7 =	simm.s32 $0x40;
	[tilespmem:s4+$0x8080] =	vst v6;
	s3 =	sadd.f32 s11, s1  }
0x36: {  	s9 =	sand.u32 $0x3E00, s6;
	s5 =	simm.f32 $0.0e+00;
	v6 =	vsub.f32 v8, v9;
	[tilespmem:s4+$0x8100] =	vst v63;
	s4 =	simm.f32 $0.0e+00  }
.LBB2_2:
0x37: {  	p0 =	sne.s32 s7, $0xFF0;
	s8 =	sor.u32 s8, s9;
	(xrf2) =	vadd.scan.msk.f32 $0xffff, v0;
	v7 =	vadd.f32 s3, v7;
	s9 =	spop (v2sf)  }
0x38: {  	v8 =	vld [tilespmem:s8+$0x180];
	v9, _, _ =	vpop (xrf2);
	s1 =	sadd.f32 s9, s1  }
0x39: {  	v10 =	vld [tilespmem:s8+$0x0];
	v11 =	vsub.f32 v9, v1;
	[tilespmem:s0+$0x8180] =	vst v7;
	(v2sf) =	vpush v9, $0xF;
	s9 =	spop (v2sf);
	v1 =	vmov v3  }
0x3a: {  	v9 =	vld [tilespmem:s8+$0x80];
	(xrf2) =	vadd.scan.msk.f32 $0xffff, v1;
	v5 =	vadd.f32 s1, v5;
	s5 =	sadd.f32 s9, s5  }
0x3b: {  	v3 =	vld [tilespmem:s8+$0x100];
	v12, _, _ =	vpop (xrf2)  }
0x3c: {  	v7 =	vsub.f32 v12, v4;
	(v2sf) =	vpush v12, $0xF;
	[tilespmem:s0+$0x8000] =	vst v5;
	s9 =	spop (v2sf)  }
0x3d: {  	v6 =	vadd.f32 s5, v6;
	(xrf2) =	vadd.scan.msk.f32 $0xffff, v8;
	s4 =	sadd.f32 s9, s4;
	v4 =	vmov v8  }
.Ltmp0:
0x3e: {  	v8, _, _ =	vpop (xrf2);
	(pc) =	sbr.rel @p0 .LBB2_2-.Ltmp0, $4  }
0x3f: {  	v5 =	vsub.f32 v8, v2;
	[tilespmem:s0+$0x8080] =	vst v6;
	v6 =	vadd.f32 s4, v11;
	s9 =	spop (v2sf);
	v2 =	vmov v10  }
0x40: {  	(xrf2) =	vadd.scan.msk.f32 $0xffff, v2;
	(v2sf) =	vpush v8, $0xF;
	s3 =	sadd.f32 s9, s3  }
0x41: {  	s6 =	sadd.s32 $0x40, s6;
	v8, _, _ =	vpop (xrf2);
	[tilespmem:s0+$0x8100] =	vst v6;
	s0 =	smov.u32 s31;
	s31 =	smov.u32 s8  }
0x42: {  	s9 =	sand.u32 $0x3E00, s6;
	s8 =	sand.u32 $0x70, s7;
	s7 =	sadd.s32 $0x10, s7;
	v6 =	vsub.f32 v8, v0;
	(v2sf) =	vpush v8, $0xF;
	v0 =	vmov v9  }
0x43: {  	s6 =	sor.u32 s8, s9  }
0x44: {  	v7 =	vadd.f32 s3, v7;
	(xrf2) =	vadd.scan.msk.f32 $0xffff, v0;
	v8 =	vld [tilespmem:s6+$0x180]  }
0x45: {  	v9 =	vld [tilespmem:s6+$0x0];
	(xrf2) =	vadd.scan.msk.f32 $0xffff, v3  }
0x46: {  	[tilespmem:s0+$0x8180] =	vst v7  }
0x47: {  	v7 =	vld [tilespmem:s6+$0x80]  }
0x48: {  	v10 =	vld [tilespmem:s6+$0x100]  }
0x49: {  	(xrf2) =	vadd.scan.msk.f32 $0xffff, v8  }
0x4a: {  	(xrf2) =	vadd.scan.msk.f32 $0xffff, v9  }
0x4b: {  	v11, _, _ =	vpop (xrf2)  }
0x4c: {  	(v2sf) =	vpush v11, $0xF;
	v12, _, _ =	vpop (xrf2);
	(xrf2) =	vadd.scan.msk.f32 $0xffff, v7  }
0x4d: {  	(v2sf) =	vpush v12, $0xF;
	v13, _, _ =	vpop (xrf2);
	(xrf2) =	vadd.scan.msk.f32 $0xffff, v10  }
0x4e: {  	(v2sf) =	vpush v13, $0xF;
	v14, _, _ =	vpop (xrf2)  }
0x4f: {  	(v2sf) =	vpush v14, $0xF;
	v15, _, _ =	vpop (xrf2)  }
0x50: {  	(v2sf) =	vpush v15, $0xF;
	_ =	sdelay $0x2  }
0x51: {  	v16, _, _ =	vpop (xrf2)  }
0x52: {  	(v2sf) =	vpush v16, $0xF;
	v17, _, _ =	vpop (xrf2)  }
0x53: {  	s7 =	spop (v2sf);
	(v2sf) =	vpush v17, $0xF  }
0x54: {  	s11 =	spop (v2sf);
	s1 =	sadd.f32 s7, s1;
	v18, _, _ =	vpop (xrf2)  }
0x55: {  	s5 =	sadd.f32 s11, s5;
	v1 =	vsub.f32 v11, v1;
	s8 =	spop (v2sf);
	(v2sf) =	vpush v18, $0xF;
	v19, _, _ =	vpop (xrf2)  }
0x56: {  	v5 =	vadd.f32 s1, v5;
	s4 =	sadd.f32 s8, s4;
	s9 =	spop (v2sf);
	(v2sf) =	vpush v19, $0xF  }
0x57: {  	v6 =	vadd.f32 s5, v6;
	v4 =	vsub.f32 v12, v4;
	s3 =	sadd.f32 s9, s3;
	s10 =	spop (v2sf)  }
0x58: {  	[tilespmem:s0+$0x8000] =	vst v5;
	v2 =	vsub.f32 v13, v2;
	v1 =	vadd.f32 s4, v1;
	s1 =	sadd.f32 s10, s1;
	s11 =	spop (v2sf)  }
0x59: {  	[tilespmem:s0+$0x8080] =	vst v6;
	v0 =	vsub.f32 v14, v0;
	v4 =	vadd.f32 s3, v4;
	s5 =	sadd.f32 s11, s5;
	s9 =	spop (v2sf)  }
0x5a: {  	[tilespmem:s0+$0x8100] =	vst v1;
	v1 =	vsub.f32 v15, v3;
	v2 =	vadd.f32 s1, v2;
	s4 =	sadd.f32 s9, s4;
	s10 =	spop (v2sf)  }
0x5b: {  	[tilespmem:s31+$0x8180] =	vst v4;
	v3 =	vsub.f32 v16, v8;
	v0 =	vadd.f32 s5, v0;
	s8 =	sadd.f32 s10, s3;
	s11 =	spop (v2sf)  }
0x5c: {  	[tilespmem:s31+$0x8000] =	vst v2;
	v2 =	vsub.f32 v17, v9;
	v1 =	vadd.f32 s4, v1;
	s1 =	sadd.f32 s11, s1;
	s7 =	spop (v2sf)  }
0x5d: {  	[tilespmem:s31+$0x8080] =	vst v0;
	v0 =	vsub.f32 v18, v7;
	v3 =	vadd.f32 s8, v3;
	s3 =	sadd.f32 s7, s5;
	s9 =	spop (v2sf)  }
0x5e: {  	[tilespmem:s31+$0x8100] =	vst v1;
	v1 =	vsub.f32 v19, v10;
	v2 =	vadd.f32 s1, v2;
	s5 =	sadd.f32 s9, s4  }
0x5f: {  	[tilespmem:s6+$0x8180] =	vst v3;
	v0 =	vadd.f32 s3, v0  }
0x60: {  	[tilespmem:s6+$0x8000] =	vst v2;
	v1 =	vadd.f32 s5, v1  }
0x61: {  	[tilespmem:s6+$0x8080] =	vst v0;
	s4 =	spop (v2sf)  }
0x62: {  	s10 =	rddreg [dreg:$0x5];
	[tilespmem:s6+$0x8100] =	vst v1;
	s9 =	spop (v2sf)  }
0x63: {  	[hbm4b:s10+s20] =	stream.strided.scatter [tilespmem:s24], [sflag:$0x3], $0x4000, s21, s20, $0x38;
	[tilespmem:$0x10000] =	vst v63  }
0x64: {  	s6 =	spop (v2sf)  }
0x65: {  	s0 =	simm.s32 $0x0;
	s11 =	rddreg [dreg:$0x6];
	s10 =	spop (v2sf)  }
0x66: {  	[tilespmem:s0], [sflag:$0x1] =	stream.strided.gather [hbm4b:s11+s20], $0x4000, s21, s20, $0x38;
	[tilespmem:$0x10000] =	vst v63  }
0x67: {  	_ =	swait.ge [sflag:s25], $0x4000  }
0x68: {  	s11 =	sand.u32 $0x70, s0;
	s0 =	sand.u32 $0x3E00, s0;
	[sflag:s25] =	ssyncset.done $0x0  }
0x69: {  	s7 =	sor.u32 s11, s0;
	[sflag:s25] =	ssyncadd.s32 $0xFFFFC000  }
0x6a: {  	v0 =	vld [tilespmem:s7+$0x4180];
	_ =	sdelay $0x3  }
0x6b: {  	v2 =	vld [tilespmem:s7+$0x4000]  }
0x6c: {  	(xrf2) =	vadd.scan.msk.f32 $0xffff, v0  }
0x6d: {  	v3 =	vld [tilespmem:s7+$0x4080];
	_ =	sdelay $0x2  }
0x6e: {  	s31 =	simm.s32 $0x40;
	s11 =	simm.s32 $0x10;
	v5 =	vld [tilespmem:s7+$0x4100];
	(xrf2) =	vadd.scan.msk.f32 $0xffff, v2  }
0x6f: {  	s31 =	sand.u32 $0x3E00, s31;
	s0 =	sand.u32 $0x70, s11  }
0x70: {  	s0 =	sor.u32 s0, s31;
	(xrf2) =	vadd.scan.msk.f32 $0xffff, v3  }
0x71: {  	v6 =	vld [tilespmem:s0+$0x4180];
	_ =	sdelay $0x1  }
0x72: {  	v8 =	vld [tilespmem:s0+$0x4000];
	(xrf2) =	vadd.scan.msk.f32 $0xffff, v5  }
0x73: {  	v56 =	vld [tilespmem:s0+$0x4080];
	v1, _, _ =	vpop (xrf2)  }
0x74: {  	(v2sf) =	vpush v1, $0xF  }
0x75: {  	(xrf2) =	vadd.scan.msk.f32 $0xffff, v6;
	_ =	sdelay $0x1  }
0x76: {  	(xrf2) =	vadd.scan.msk.f32 $0xffff, v8;
	v7, _, _ =	vpop (xrf2)  }
0x77: {  	(xrf2) =	vadd.scan.msk.f32 $0xffff, v56;
	(v2sf) =	vpush v7, $0xF  }
0x78: {  	s11 =	simm.s32 $0x80;
	s31 =	simm.s32 $0x20;
	v0 =	vsub.f32 v1, v0;
	v1 =	vld [tilespmem:s0+$0x4100];
	v57, _, _ =	vpop (xrf2)  }
0x79: {  	s8 =	sadd.f32 s4, s8;
	s11 =	sand.u32 $0x3E00, s11;
	s4 =	sand.u32 $0x70, s31;
	(v2sf) =	vpush v57, $0xF  }
0x7a: {  	s31 =	sor.u32 s4, s11  }
0x7b: {  	v4 =	vld [tilespmem:s31+$0x4180];
	v59 =	vsub.f32 v57, v3;
	v3, _, _ =	vpop (xrf2)  }
0x7c: {  	s1 =	sadd.f32 s9, s1;
	(v2sf) =	vpush v3, $0xF  }
0x7d: {  	s4 =	sadd.f32 s6, s3;
	v58 =	vsub.f32 v7, v2;
	(xrf2) =	vadd.scan.msk.f32 $0xffff, v1  }
0x7e: {  	s3 =	sadd.f32 s10, s5;
	v2 =	vld [tilespmem:s31+$0x4000];
	v0 =	vadd.f32 s8, v0;
	v5 =	vsub.f32 v3, v5;
	v61, _, _ =	vpop (xrf2)  }
0x7f: {  	v60 =	vadd.f32 s1, v58;
	(v2sf) =	vpush v61, $0xF  }
0x80: {  	[tilespmem:s7+$0xC180] =	vst v0;
	v7 =	vsub.f32 v61, v6;
	v62, _, _ =	vpop (xrf2);
	v63 =	vadd.f32 s3, v5;
	(xrf2) =	vadd.scan.msk.f32 $0xffff, v4  }
0x81: {  	v0 =	vld [tilespmem:s31+$0x4080];
	v5 =	vsub.f32 v62, v8;
	(v2sf) =	vpush v62, $0xF;
	v8, _, _ =	vpop (xrf2)  }
0x82: {  	v6 =	vadd.f32 s4, v59;
	s10 =	spop (v2sf);
	(v2sf) =	vpush v8, $0xF  }
0x83: {  	v3 =	vld [tilespmem:s31+$0x4100];
	[tilespmem:s7+$0xC000] =	vst v60;
	(xrf2) =	vadd.scan.msk.f32 $0xffff, v2  }
0x84: {  	s11 =	simm.s32 $0x30;
	s6 =	simm.s32 $0xC0;
	[tilespmem:s7+$0xC080] =	vst v6;
	s5 =	sadd.f32 s10, s8  }
0x85: {  	s9 =	sand.u32 $0x3E00, s6;
	[tilespmem:s7+$0xC100] =	vst v63;
	s7 =	simm.s32 $0x40;
	v6 =	vsub.f32 v8, v56;
	s8 =	sand.u32 $0x70, s11  }
.LBB2_4:
0x86: {  	p0 =	sne.s32 s7, $0xFF0;
	s8 =	sor.u32 s8, s9;
	(xrf2) =	vadd.scan.msk.f32 $0xffff, v0;
	v7 =	vadd.f32 s5, v7;
	s9 =	spop (v2sf)  }
0x87: {  	v8 =	vld [tilespmem:s8+$0x4180];
	v9, _, _ =	vpop (xrf2);
	s1 =	sadd.f32 s9, s1  }
0x88: {  	v10 =	vld [tilespmem:s8+$0x4000];
	v11 =	vsub.f32 v9, v1;
	[tilespmem:s0+$0xC180] =	vst v7;
	(v2sf) =	vpush v9, $0xF;
	s9 =	spop (v2sf);
	v1 =	vmov v3  }
0x89: {  	v9 =	vld [tilespmem:s8+$0x4080];
	(xrf2) =	vadd.scan.msk.f32 $0xffff, v1;
	v5 =	vadd.f32 s1, v5;
	s4 =	sadd.f32 s9, s4  }
0x8a: {  	v3 =	vld [tilespmem:s8+$0x4100];
	v12, _, _ =	vpop (xrf2)  }
0x8b: {  	v7 =	vsub.f32 v12, v4;
	(v2sf) =	vpush v12, $0xF;
	[tilespmem:s0+$0xC000] =	vst v5;
	s9 =	spop (v2sf)  }
0x8c: {  	v6 =	vadd.f32 s4, v6;
	(xrf2) =	vadd.scan.msk.f32 $0xffff, v8;
	s3 =	sadd.f32 s9, s3;
	v4 =	vmov v8  }
.Ltmp1:
0x8d: {  	v8, _, _ =	vpop (xrf2);
	(pc) =	sbr.rel @p0 .LBB2_4-.Ltmp1, $4  }
0x8e: {  	v5 =	vsub.f32 v8, v2;
	[tilespmem:s0+$0xC080] =	vst v6;
	v6 =	vadd.f32 s3, v11;
	s9 =	spop (v2sf);
	v2 =	vmov v10  }
0x8f: {  	(xrf2) =	vadd.scan.msk.f32 $0xffff, v2;
	(v2sf) =	vpush v8, $0xF;
	s5 =	sadd.f32 s9, s5  }
0x90: {  	s6 =	sadd.s32 $0x40, s6;
	v8, _, _ =	vpop (xrf2);
	[tilespmem:s0+$0xC100] =	vst v6;
	s0 =	smov.u32 s31;
	s31 =	smov.u32 s8  }
0x91: {  	s9 =	sand.u32 $0x3E00, s6;
	s8 =	sand.u32 $0x70, s7;
	s7 =	sadd.s32 $0x10, s7;
	v6 =	vsub.f32 v8, v0;
	(v2sf) =	vpush v8, $0xF;
	v0 =	vmov v9  }
0x92: {  	s6 =	sor.u32 s8, s9  }
0x93: {  	v7 =	vadd.f32 s5, v7;
	(xrf2) =	vadd.scan.msk.f32 $0xffff, v0;
	v8 =	vld [tilespmem:s6+$0x4180]  }
0x94: {  	v9 =	vld [tilespmem:s6+$0x4000];
	(xrf2) =	vadd.scan.msk.f32 $0xffff, v3  }
0x95: {  	[tilespmem:s0+$0xC180] =	vst v7  }
0x96: {  	v7 =	vld [tilespmem:s6+$0x4080]  }
0x97: {  	v10 =	vld [tilespmem:s6+$0x4100]  }
0x98: {  	(xrf2) =	vadd.scan.msk.f32 $0xffff, v8  }
0x99: {  	(xrf2) =	vadd.scan.msk.f32 $0xffff, v9  }
0x9a: {  	v11, _, _ =	vpop (xrf2)  }
0x9b: {  	(v2sf) =	vpush v11, $0xF;
	v12, _, _ =	vpop (xrf2);
	(xrf2) =	vadd.scan.msk.f32 $0xffff, v7  }
0x9c: {  	(v2sf) =	vpush v12, $0xF;
	v13, _, _ =	vpop (xrf2);
	(xrf2) =	vadd.scan.msk.f32 $0xffff, v10  }
0x9d: {  	(v2sf) =	vpush v13, $0xF;
	v14, _, _ =	vpop (xrf2)  }
0x9e: {  	(v2sf) =	vpush v14, $0xF;
	v15, _, _ =	vpop (xrf2)  }
0x9f: {  	(v2sf) =	vpush v15, $0xF;
	_ =	sdelay $0x2  }
0xa0: {  	v16, _, _ =	vpop (xrf2)  }
0xa1: {  	(v2sf) =	vpush v16, $0xF;
	v17, _, _ =	vpop (xrf2)  }
0xa2: {  	s7 =	spop (v2sf);
	(v2sf) =	vpush v17, $0xF  }
0xa3: {  	s11 =	spop (v2sf);
	s1 =	sadd.f32 s7, s1;
	v18, _, _ =	vpop (xrf2)  }
0xa4: {  	s4 =	sadd.f32 s11, s4;
	v1 =	vsub.f32 v11, v1;
	s8 =	spop (v2sf);
	(v2sf) =	vpush v18, $0xF;
	v19, _, _ =	vpop (xrf2)  }
0xa5: {  	v5 =	vadd.f32 s1, v5;
	s3 =	sadd.f32 s8, s3;
	s9 =	spop (v2sf);
	(v2sf) =	vpush v19, $0xF  }
0xa6: {  	v6 =	vadd.f32 s4, v6;
	v4 =	vsub.f32 v12, v4;
	s5 =	sadd.f32 s9, s5;
	s10 =	spop (v2sf)  }
0xa7: {  	[tilespmem:s0+$0xC000] =	vst v5;
	v2 =	vsub.f32 v13, v2;
	v1 =	vadd.f32 s3, v1;
	s1 =	sadd.f32 s10, s1;
	s11 =	spop (v2sf)  }
0xa8: {  	[tilespmem:s0+$0xC080] =	vst v6;
	v0 =	vsub.f32 v14, v0;
	v4 =	vadd.f32 s5, v4;
	s4 =	sadd.f32 s11, s4;
	s9 =	spop (v2sf)  }
0xa9: {  	[tilespmem:s0+$0xC100] =	vst v1;
	v1 =	vsub.f32 v15, v3;
	v2 =	vadd.f32 s1, v2;
	s7 =	sadd.f32 s9, s3;
	s10 =	spop (v2sf)  }
0xaa: {  	[tilespmem:s31+$0xC180] =	vst v4;
	v3 =	vsub.f32 v16, v8;
	v0 =	vadd.f32 s4, v0;
	s8 =	sadd.f32 s10, s5;
	s11 =	spop (v2sf)  }
0xab: {  	[tilespmem:s31+$0xC000] =	vst v2;
	v2 =	vsub.f32 v17, v9;
	v1 =	vadd.f32 s7, v1;
	s1 =	sadd.f32 s11, s1;
	s5 =	spop (v2sf)  }
0xac: {  	[tilespmem:s31+$0xC080] =	vst v0;
	v0 =	vsub.f32 v18, v7;
	v3 =	vadd.f32 s8, v3;
	s3 =	sadd.f32 s5, s4;
	s9 =	spop (v2sf)  }
0xad: {  	[tilespmem:s31+$0xC100] =	vst v1;
	v1 =	vsub.f32 v19, v10;
	v2 =	vadd.f32 s1, v2;
	s5 =	sadd.f32 s9, s7  }
0xae: {  	[tilespmem:s6+$0xC180] =	vst v3;
	v0 =	vadd.f32 s3, v0  }
0xaf: {  	[tilespmem:s6+$0xC000] =	vst v2;
	v1 =	vadd.f32 s5, v1  }
0xb0: {  	[tilespmem:s6+$0xC080] =	vst v0;
	s4 =	spop (v2sf)  }
0xb1: {  	s10 =	rddreg [dreg:$0x7];
	[tilespmem:s6+$0xC100] =	vst v1;
	s9 =	spop (v2sf)  }
0xb2: {  	[hbm4b:s10+s20] =	stream.strided.scatter [tilespmem:s26], [sflag:$0x4], $0x4000, s21, s20, $0x38;
	[tilespmem:$0x10000] =	vst v63  }
0xb3: {  	s6 =	spop (v2sf)  }
0xb4: {  	s11 =	rddreg [dreg:$0x8];
	s10 =	spop (v2sf)  }
0xb5: {  	[tilespmem:s22], [sflag:$0x2] =	stream.strided.gather [hbm4b:s11+s20], $0x4000, s21, s20, $0x38;
	[tilespmem:$0x10000] =	vst v63  }
0xb6: {  	_ =	swait.ge [sflag:s23], $0x4000  }
0xb7: {  	[sflag:s23] =	ssyncset.done $0x0  }
0xb8: {  	[sflag:s23] =	ssyncadd.s32 $0xFFFFC000  }
0xb9: {  	s7 =	simm.s32 $0x0;
	_ =	swait.ge [sflag:s28], $0x4000  }
0xba: {  	s0 =	sand.u32 $0x3E00, s7;
	s11 =	sand.u32 $0x70, s7;
	[sflag:s28] =	ssyncset.done $0x0  }
0xbb: {  	s7 =	sor.u32 s11, s0;
	[sflag:s28] =	ssyncadd.s32 $0xFFFFC000  }
0xbc: {  	v0 =	vld [tilespmem:s7+$0x180];
	_ =	sdelay $0x3  }
0xbd: {  	v2 =	vld [tilespmem:s7+$0x0]  }
0xbe: {  	(xrf2) =	vadd.scan.msk.f32 $0xffff, v0  }
0xbf: {  	v3 =	vld [tilespmem:s7+$0x80];
	_ =	sdelay $0x2  }
0xc0: {  	s0 =	simm.s32 $0x10;
	s11 =	simm.s32 $0x40;
	v5 =	vld [tilespmem:s7+$0x100];
	(xrf2) =	vadd.scan.msk.f32 $0xffff, v2  }
0xc1: {  	s0 =	sand.u32 $0x70, s0;
	s11 =	sand.u32 $0x3E00, s11  }
0xc2: {  	s0 =	sor.u32 s0, s11;
	(xrf2) =	vadd.scan.msk.f32 $0xffff, v3  }
0xc3: {  	v6 =	vld [tilespmem:s0+$0x180];
	_ =	sdelay $0x1  }
0xc4: {  	v8 =	vld [tilespmem:s0+$0x0];
	(xrf2) =	vadd.scan.msk.f32 $0xffff, v5  }
0xc5: {  	v56 =	vld [tilespmem:s0+$0x80];
	v1, _, _ =	vpop (xrf2)  }
0xc6: {  	(v2sf) =	vpush v1, $0xF  }
0xc7: {  	(xrf2) =	vadd.scan.msk.f32 $0xffff, v6;
	_ =	sdelay $0x1  }
0xc8: {  	(xrf2) =	vadd.scan.msk.f32 $0xffff, v8;
	v7, _, _ =	vpop (xrf2)  }
0xc9: {  	(xrf2) =	vadd.scan.msk.f32 $0xffff, v56;
	(v2sf) =	vpush v7, $0xF  }
0xca: {  	s31 =	simm.s32 $0x80;
	s11 =	simm.s32 $0x20;
	v0 =	vsub.f32 v1, v0;
	v1 =	vld [tilespmem:s0+$0x100];
	v57, _, _ =	vpop (xrf2)  }
0xcb: {  	s8 =	sadd.f32 s4, s8;
	s4 =	sand.u32 $0x70, s11;
	s11 =	sand.u32 $0x3E00, s31;
	(v2sf) =	vpush v57, $0xF  }
0xcc: {  	s31 =	sor.u32 s4, s11  }
0xcd: {  	v4 =	vld [tilespmem:s31+$0x180];
	v59 =	vsub.f32 v57, v3;
	v3, _, _ =	vpop (xrf2)  }
0xce: {  	s1 =	sadd.f32 s9, s1;
	(v2sf) =	vpush v3, $0xF  }
0xcf: {  	s4 =	sadd.f32 s6, s3;
	v58 =	vsub.f32 v7, v2;
	(xrf2) =	vadd.scan.msk.f32 $0xffff, v1  }
0xd0: {  	s3 =	sadd.f32 s10, s5;
	v2 =	vld [tilespmem:s31+$0x0];
	v0 =	vadd.f32 s8, v0;
	v5 =	vsub.f32 v3, v5;
	v61, _, _ =	vpop (xrf2)  }
0xd1: {  	v60 =	vadd.f32 s1, v58;
	(v2sf) =	vpush v61, $0xF  }
0xd2: {  	[tilespmem:s7+$0x8180] =	vst v0;
	v7 =	vsub.f32 v61, v6;
	v62, _, _ =	vpop (xrf2);
	v63 =	vadd.f32 s3, v5;
	(xrf2) =	vadd.scan.msk.f32 $0xffff, v4  }
0xd3: {  	v0 =	vld [tilespmem:s31+$0x80];
	v5 =	vsub.f32 v62, v8;
	(v2sf) =	vpush v62, $0xF;
	v8, _, _ =	vpop (xrf2)  }
0xd4: {  	v6 =	vadd.f32 s4, v59;
	s10 =	spop (v2sf);
	(v2sf) =	vpush v8, $0xF  }
0xd5: {  	v3 =	vld [tilespmem:s31+$0x100];
	[tilespmem:s7+$0x8000] =	vst v60;
	(xrf2) =	vadd.scan.msk.f32 $0xffff, v2  }
0xd6: {  	s11 =	simm.s32 $0x30;
	s6 =	simm.s32 $0xC0;
	[tilespmem:s7+$0x8080] =	vst v6;
	s5 =	sadd.f32 s10, s8  }
0xd7: {  	s9 =	sand.u32 $0x3E00, s6;
	[tilespmem:s7+$0x8100] =	vst v63;
	s7 =	simm.s32 $0x40;
	v6 =	vsub.f32 v8, v56;
	s8 =	sand.u32 $0x70, s11  }
.LBB2_6:
0xd8: {  	p0 =	sne.s32 s7, $0xFF0;
	s8 =	sor.u32 s8, s9;
	(xrf2) =	vadd.scan.msk.f32 $0xffff, v0;
	v7 =	vadd.f32 s5, v7;
	s9 =	spop (v2sf)  }
0xd9: {  	v8 =	vld [tilespmem:s8+$0x180];
	v9, _, _ =	vpop (xrf2);
	s1 =	sadd.f32 s9, s1  }
0xda: {  	v10 =	vld [tilespmem:s8+$0x0];
	v11 =	vsub.f32 v9, v1;
	[tilespmem:s0+$0x8180] =	vst v7;
	(v2sf) =	vpush v9, $0xF;
	s9 =	spop (v2sf);
	v1 =	vmov v3  }
0xdb: {  	v9 =	vld [tilespmem:s8+$0x80];
	(xrf2) =	vadd.scan.msk.f32 $0xffff, v1;
	v5 =	vadd.f32 s1, v5;
	s4 =	sadd.f32 s9, s4  }
0xdc: {  	v3 =	vld [tilespmem:s8+$0x100];
	v12, _, _ =	vpop (xrf2)  }
0xdd: {  	v7 =	vsub.f32 v12, v4;
	(v2sf) =	vpush v12, $0xF;
	[tilespmem:s0+$0x8000] =	vst v5;
	s9 =	spop (v2sf)  }
0xde: {  	v6 =	vadd.f32 s4, v6;
	(xrf2) =	vadd.scan.msk.f32 $0xffff, v8;
	s3 =	sadd.f32 s9, s3;
	v4 =	vmov v8  }
.Ltmp2:
0xdf: {  	v8, _, _ =	vpop (xrf2);
	(pc) =	sbr.rel @p0 .LBB2_6-.Ltmp2, $4  }
0xe0: {  	v5 =	vsub.f32 v8, v2;
	[tilespmem:s0+$0x8080] =	vst v6;
	v6 =	vadd.f32 s3, v11;
	s9 =	spop (v2sf);
	v2 =	vmov v10  }
0xe1: {  	(xrf2) =	vadd.scan.msk.f32 $0xffff, v2;
	(v2sf) =	vpush v8, $0xF;
	s5 =	sadd.f32 s9, s5  }
0xe2: {  	s6 =	sadd.s32 $0x40, s6;
	v8, _, _ =	vpop (xrf2);
	[tilespmem:s0+$0x8100] =	vst v6;
	s0 =	smov.u32 s31;
	s31 =	smov.u32 s8  }
0xe3: {  	s9 =	sand.u32 $0x3E00, s6;
	s8 =	sand.u32 $0x70, s7;
	s7 =	sadd.s32 $0x10, s7;
	v6 =	vsub.f32 v8, v0;
	(v2sf) =	vpush v8, $0xF;
	v0 =	vmov v9  }
0xe4: {  	s6 =	sor.u32 s8, s9  }
0xe5: {  	v7 =	vadd.f32 s5, v7;
	(xrf2) =	vadd.scan.msk.f32 $0xffff, v0;
	v8 =	vld [tilespmem:s6+$0x180]  }
0xe6: {  	v9 =	vld [tilespmem:s6+$0x0];
	(xrf2) =	vadd.scan.msk.f32 $0xffff, v3  }
0xe7: {  	[tilespmem:s0+$0x8180] =	vst v7  }
0xe8: {  	v7 =	vld [tilespmem:s6+$0x80]  }
0xe9: {  	v10 =	vld [tilespmem:s6+$0x100]  }
0xea: {  	(xrf2) =	vadd.scan.msk.f32 $0xffff, v8  }
0xeb: {  	(xrf2) =	vadd.scan.msk.f32 $0xffff, v9  }
0xec: {  	v11, _, _ =	vpop (xrf2)  }
0xed: {  	(v2sf) =	vpush v11, $0xF;
	v12, _, _ =	vpop (xrf2);
	(xrf2) =	vadd.scan.msk.f32 $0xffff, v7  }
0xee: {  	(v2sf) =	vpush v12, $0xF;
	v13, _, _ =	vpop (xrf2);
	(xrf2) =	vadd.scan.msk.f32 $0xffff, v10  }
0xef: {  	(v2sf) =	vpush v13, $0xF;
	v14, _, _ =	vpop (xrf2)  }
0xf0: {  	(v2sf) =	vpush v14, $0xF;
	v15, _, _ =	vpop (xrf2)  }
0xf1: {  	(v2sf) =	vpush v15, $0xF;
	_ =	sdelay $0x2  }
0xf2: {  	v16, _, _ =	vpop (xrf2)  }
0xf3: {  	(v2sf) =	vpush v16, $0xF;
	v17, _, _ =	vpop (xrf2)  }
0xf4: {  	s7 =	spop (v2sf);
	(v2sf) =	vpush v17, $0xF  }
0xf5: {  	s11 =	spop (v2sf);
	s1 =	sadd.f32 s7, s1;
	v18, _, _ =	vpop (xrf2)  }
0xf6: {  	s4 =	sadd.f32 s11, s4;
	v1 =	vsub.f32 v11, v1;
	s8 =	spop (v2sf);
	(v2sf) =	vpush v18, $0xF;
	v19, _, _ =	vpop (xrf2)  }
0xf7: {  	v5 =	vadd.f32 s1, v5;
	s3 =	sadd.f32 s8, s3;
	s9 =	spop (v2sf);
	(v2sf) =	vpush v19, $0xF  }
0xf8: {  	v6 =	vadd.f32 s4, v6;
	v4 =	vsub.f32 v12, v4;
	s5 =	sadd.f32 s9, s5;
	s10 =	spop (v2sf)  }
0xf9: {  	[tilespmem:s0+$0x8000] =	vst v5;
	v2 =	vsub.f32 v13, v2;
	v1 =	vadd.f32 s3, v1;
	s1 =	sadd.f32 s10, s1;
	s11 =	spop (v2sf)  }
0xfa: {  	[tilespmem:s0+$0x8080] =	vst v6;
	v0 =	vsub.f32 v14, v0;
	v4 =	vadd.f32 s5, v4;
	s4 =	sadd.f32 s11, s4;
	s9 =	spop (v2sf)  }
0xfb: {  	[tilespmem:s0+$0x8100] =	vst v1;
	v1 =	vsub.f32 v15, v3;
	v2 =	vadd.f32 s1, v2;
	s7 =	sadd.f32 s9, s3;
	s10 =	spop (v2sf)  }
0xfc: {  	[tilespmem:s31+$0x8180] =	vst v4;
	v3 =	vsub.f32 v16, v8;
	v0 =	vadd.f32 s4, v0;
	s8 =	sadd.f32 s10, s5;
	s11 =	spop (v2sf)  }
0xfd: {  	[tilespmem:s31+$0x8000] =	vst v2;
	v2 =	vsub.f32 v17, v9;
	v1 =	vadd.f32 s7, v1;
	s1 =	sadd.f32 s11, s1;
	s5 =	spop (v2sf)  }
0xfe: {  	[tilespmem:s31+$0x8080] =	vst v0;
	v0 =	vsub.f32 v18, v7;
	v3 =	vadd.f32 s8, v3;
	s3 =	sadd.f32 s5, s4;
	s9 =	spop (v2sf)  }
0xff: {  	[tilespmem:s31+$0x8100] =	vst v1;
	v1 =	vsub.f32 v19, v10;
	v2 =	vadd.f32 s1, v2;
	s5 =	sadd.f32 s9, s7  }
0x100: {  	[tilespmem:s6+$0x8180] =	vst v3;
	v0 =	vadd.f32 s3, v0  }
0x101: {  	[tilespmem:s6+$0x8000] =	vst v2;
	v1 =	vadd.f32 s5, v1  }
0x102: {  	[tilespmem:s6+$0x8080] =	vst v0;
	s4 =	spop (v2sf)  }
0x103: {  	s10 =	rddreg [dreg:$0x9];
	[tilespmem:s6+$0x8100] =	vst v1;
	s9 =	spop (v2sf)  }
0x104: {  	[hbm4b:s10+s20] =	stream.strided.scatter [tilespmem:s24], [sflag:$0x3], $0x4000, s21, s20, $0x38;
	[tilespmem:$0x10000] =	vst v63  }
0x105: {  	s6 =	spop (v2sf)  }
0x106: {  	s0 =	simm.s32 $0x0;
	s11 =	rddreg [dreg:$0xa];
	s10 =	spop (v2sf)  }
0x107: {  	[tilespmem:s0], [sflag:$0x1] =	stream.strided.gather [hbm4b:s11+s20], $0x4000, s21, s20, $0x38;
	[tilespmem:$0x10000] =	vst v63  }
0x108: {  	_ =	swait.ge [sflag:s25], $0x4000  }
0x109: {  	[sflag:s25] =	ssyncset.done $0x0  }
0x10a: {  	[sflag:s25] =	ssyncadd.s32 $0xFFFFC000  }
0x10b: {  	_ =	swait.ge [sflag:s29], $0x4000  }
0x10c: {  	s11 =	sand.u32 $0x70, s0;
	s0 =	sand.u32 $0x3E00, s0;
	[sflag:s29] =	ssyncset.done $0x0  }
0x10d: {  	s7 =	sor.u32 s11, s0;
	[sflag:s29] =	ssyncadd.s32 $0xFFFFC000  }
0x10e: {  	v0 =	vld [tilespmem:s7+$0x4180];
	_ =	sdelay $0x3  }
0x10f: {  	v2 =	vld [tilespmem:s7+$0x4000]  }
0x110: {  	(xrf2) =	vadd.scan.msk.f32 $0xffff, v0  }
0x111: {  	v3 =	vld [tilespmem:s7+$0x4080];
	_ =	sdelay $0x2  }
0x112: {  	s0 =	simm.s32 $0x10;
	s11 =	simm.s32 $0x40;
	v5 =	vld [tilespmem:s7+$0x4100];
	(xrf2) =	vadd.scan.msk.f32 $0xffff, v2  }
0x113: {  	s0 =	sand.u32 $0x70, s0;
	s11 =	sand.u32 $0x3E00, s11  }
0x114: {  	s0 =	sor.u32 s0, s11;
	(xrf2) =	vadd.scan.msk.f32 $0xffff, v3  }
0x115: {  	v6 =	vld [tilespmem:s0+$0x4180];
	_ =	sdelay $0x1  }
0x116: {  	v8 =	vld [tilespmem:s0+$0x4000];
	(xrf2) =	vadd.scan.msk.f32 $0xffff, v5  }
0x117: {  	v56 =	vld [tilespmem:s0+$0x4080];
	v1, _, _ =	vpop (xrf2)  }
0x118: {  	(v2sf) =	vpush v1, $0xF  }
0x119: {  	(xrf2) =	vadd.scan.msk.f32 $0xffff, v6;
	_ =	sdelay $0x1  }
0x11a: {  	(xrf2) =	vadd.scan.msk.f32 $0xffff, v8;
	v7, _, _ =	vpop (xrf2)  }
0x11b: {  	(xrf2) =	vadd.scan.msk.f32 $0xffff, v56;
	(v2sf) =	vpush v7, $0xF  }
0x11c: {  	s31 =	simm.s32 $0x80;
	s11 =	simm.s32 $0x20;
	v0 =	vsub.f32 v1, v0;
	v1 =	vld [tilespmem:s0+$0x4100];
	v57, _, _ =	vpop (xrf2)  }
0x11d: {  	s8 =	sadd.f32 s4, s8;
	s4 =	sand.u32 $0x70, s11;
	s11 =	sand.u32 $0x3E00, s31;
	(v2sf) =	vpush v57, $0xF  }
0x11e: {  	s31 =	sor.u32 s4, s11  }
0x11f: {  	v4 =	vld [tilespmem:s31+$0x4180];
	v59 =	vsub.f32 v57, v3;
	v3, _, _ =	vpop (xrf2)  }
0x120: {  	s1 =	sadd.f32 s9, s1;
	(v2sf) =	vpush v3, $0xF  }
0x121: {  	s4 =	sadd.f32 s6, s3;
	v58 =	vsub.f32 v7, v2;
	(xrf2) =	vadd.scan.msk.f32 $0xffff, v1  }
0x122: {  	s3 =	sadd.f32 s10, s5;
	v2 =	vld [tilespmem:s31+$0x4000];
	v0 =	vadd.f32 s8, v0;
	v5 =	vsub.f32 v3, v5;
	v61, _, _ =	vpop (xrf2)  }
0x123: {  	v60 =	vadd.f32 s1, v58;
	(v2sf) =	vpush v61, $0xF  }
0x124: {  	[tilespmem:s7+$0xC180] =	vst v0;
	v7 =	vsub.f32 v61, v6;
	v62, _, _ =	vpop (xrf2);
	v63 =	vadd.f32 s3, v5;
	(xrf2) =	vadd.scan.msk.f32 $0xffff, v4  }
0x125: {  	v0 =	vld [tilespmem:s31+$0x4080];
	v5 =	vsub.f32 v62, v8;
	(v2sf) =	vpush v62, $0xF;
	v8, _, _ =	vpop (xrf2)  }
0x126: {  	v6 =	vadd.f32 s4, v59;
	s10 =	spop (v2sf);
	(v2sf) =	vpush v8, $0xF  }
0x127: {  	v3 =	vld [tilespmem:s31+$0x4100];
	[tilespmem:s7+$0xC000] =	vst v60;
	(xrf2) =	vadd.scan.msk.f32 $0xffff, v2  }
0x128: {  	s11 =	simm.s32 $0x30;
	s6 =	simm.s32 $0xC0;
	[tilespmem:s7+$0xC080] =	vst v6;
	s5 =	sadd.f32 s10, s8  }
0x129: {  	s9 =	sand.u32 $0x3E00, s6;
	[tilespmem:s7+$0xC100] =	vst v63;
	s7 =	simm.s32 $0x40;
	v6 =	vsub.f32 v8, v56;
	s8 =	sand.u32 $0x70, s11  }
.LBB2_8:
0x12a: {  	p0 =	sne.s32 s7, $0xFF0;
	s8 =	sor.u32 s8, s9;
	(xrf2) =	vadd.scan.msk.f32 $0xffff, v0;
	v7 =	vadd.f32 s5, v7;
	s9 =	spop (v2sf)  }
0x12b: {  	v8 =	vld [tilespmem:s8+$0x4180];
	v9, _, _ =	vpop (xrf2);
	s1 =	sadd.f32 s9, s1  }
0x12c: {  	v10 =	vld [tilespmem:s8+$0x4000];
	v11 =	vsub.f32 v9, v1;
	[tilespmem:s0+$0xC180] =	vst v7;
	(v2sf) =	vpush v9, $0xF;
	s9 =	spop (v2sf);
	v1 =	vmov v3  }
0x12d: {  	v9 =	vld [tilespmem:s8+$0x4080];
	(xrf2) =	vadd.scan.msk.f32 $0xffff, v1;
	v5 =	vadd.f32 s1, v5;
	s4 =	sadd.f32 s9, s4  }
0x12e: {  	v3 =	vld [tilespmem:s8+$0x4100];
	v12, _, _ =	vpop (xrf2)  }
0x12f: {  	v7 =	vsub.f32 v12, v4;
	(v2sf) =	vpush v12, $0xF;
	[tilespmem:s0+$0xC000] =	vst v5;
	s9 =	spop (v2sf)  }
0x130: {  	v6 =	vadd.f32 s4, v6;
	(xrf2) =	vadd.scan.msk.f32 $0xffff, v8;
	s3 =	sadd.f32 s9, s3;
	v4 =	vmov v8  }
.Ltmp3:
0x131: {  	v8, _, _ =	vpop (xrf2);
	(pc) =	sbr.rel @p0 .LBB2_8-.Ltmp3, $4  }
0x132: {  	v5 =	vsub.f32 v8, v2;
	[tilespmem:s0+$0xC080] =	vst v6;
	v6 =	vadd.f32 s3, v11;
	s9 =	spop (v2sf);
	v2 =	vmov v10  }
0x133: {  	(xrf2) =	vadd.scan.msk.f32 $0xffff, v2;
	(v2sf) =	vpush v8, $0xF;
	s5 =	sadd.f32 s9, s5  }
0x134: {  	s6 =	sadd.s32 $0x40, s6;
	v8, _, _ =	vpop (xrf2);
	[tilespmem:s0+$0xC100] =	vst v6;
	s0 =	smov.u32 s31;
	s31 =	smov.u32 s8  }
0x135: {  	s9 =	sand.u32 $0x3E00, s6;
	s8 =	sand.u32 $0x70, s7;
	s7 =	sadd.s32 $0x10, s7;
	v6 =	vsub.f32 v8, v0;
	(v2sf) =	vpush v8, $0xF;
	v0 =	vmov v9  }
0x136: {  	s6 =	sor.u32 s8, s9  }
0x137: {  	v7 =	vadd.f32 s5, v7;
	(xrf2) =	vadd.scan.msk.f32 $0xffff, v0;
	v8 =	vld [tilespmem:s6+$0x4180]  }
0x138: {  	v9 =	vld [tilespmem:s6+$0x4000];
	(xrf2) =	vadd.scan.msk.f32 $0xffff, v3  }
0x139: {  	[tilespmem:s0+$0xC180] =	vst v7  }
0x13a: {  	v7 =	vld [tilespmem:s6+$0x4080]  }
0x13b: {  	v10 =	vld [tilespmem:s6+$0x4100]  }
0x13c: {  	(xrf2) =	vadd.scan.msk.f32 $0xffff, v8  }
0x13d: {  	(xrf2) =	vadd.scan.msk.f32 $0xffff, v9  }
0x13e: {  	v11, _, _ =	vpop (xrf2)  }
0x13f: {  	(v2sf) =	vpush v11, $0xF;
	v12, _, _ =	vpop (xrf2);
	(xrf2) =	vadd.scan.msk.f32 $0xffff, v7  }
0x140: {  	(v2sf) =	vpush v12, $0xF;
	v13, _, _ =	vpop (xrf2);
	(xrf2) =	vadd.scan.msk.f32 $0xffff, v10  }
0x141: {  	(v2sf) =	vpush v13, $0xF;
	v14, _, _ =	vpop (xrf2)  }
0x142: {  	(v2sf) =	vpush v14, $0xF;
	v15, _, _ =	vpop (xrf2)  }
0x143: {  	(v2sf) =	vpush v15, $0xF;
	_ =	sdelay $0x2  }
0x144: {  	v16, _, _ =	vpop (xrf2)  }
0x145: {  	(v2sf) =	vpush v16, $0xF;
	v17, _, _ =	vpop (xrf2)  }
0x146: {  	s7 =	spop (v2sf);
	(v2sf) =	vpush v17, $0xF  }
0x147: {  	s11 =	spop (v2sf);
	s1 =	sadd.f32 s7, s1;
	v18, _, _ =	vpop (xrf2)  }
0x148: {  	s4 =	sadd.f32 s11, s4;
	v1 =	vsub.f32 v11, v1;
	s8 =	spop (v2sf);
	(v2sf) =	vpush v18, $0xF;
	v19, _, _ =	vpop (xrf2)  }
0x149: {  	v5 =	vadd.f32 s1, v5;
	s3 =	sadd.f32 s8, s3;
	s9 =	spop (v2sf);
	(v2sf) =	vpush v19, $0xF  }
0x14a: {  	v6 =	vadd.f32 s4, v6;
	v4 =	vsub.f32 v12, v4;
	s5 =	sadd.f32 s9, s5;
	s10 =	spop (v2sf)  }
0x14b: {  	[tilespmem:s0+$0xC000] =	vst v5;
	v2 =	vsub.f32 v13, v2;
	v1 =	vadd.f32 s3, v1;
	s1 =	sadd.f32 s10, s1;
	s11 =	spop (v2sf)  }
0x14c: {  	[tilespmem:s0+$0xC080] =	vst v6;
	v0 =	vsub.f32 v14, v0;
	v4 =	vadd.f32 s5, v4;
	s4 =	sadd.f32 s11, s4;
	s9 =	spop (v2sf)  }
0x14d: {  	[tilespmem:s0+$0xC100] =	vst v1;
	v1 =	vsub.f32 v15, v3;
	v2 =	vadd.f32 s1, v2;
	s7 =	sadd.f32 s9, s3;
	s10 =	spop (v2sf)  }
0x14e: {  	[tilespmem:s31+$0xC180] =	vst v4;
	v3 =	vsub.f32 v16, v8;
	v0 =	vadd.f32 s4, v0;
	s8 =	sadd.f32 s10, s5;
	s11 =	spop (v2sf)  }
0x14f: {  	[tilespmem:s31+$0xC000] =	vst v2;
	v2 =	vsub.f32 v17, v9;
	v1 =	vadd.f32 s7, v1;
	s1 =	sadd.f32 s11, s1;
	s9 =	spop (v2sf)  }
0x150: {  	[tilespmem:s31+$0xC080] =	vst v0;
	v0 =	vsub.f32 v18, v7;
	v3 =	vadd.f32 s8, v3;
	s3 =	sadd.f32 s9, s4;
	s10 =	spop (v2sf)  }
0x151: {  	[tilespmem:s31+$0xC100] =	vst v1;
	v1 =	vsub.f32 v19, v10;
	v2 =	vadd.f32 s1, v2;
	s5 =	sadd.f32 s10, s7  }
0x152: {  	[tilespmem:s6+$0xC180] =	vst v3;
	v0 =	vadd.f32 s3, v0  }
0x153: {  	[tilespmem:s6+$0xC000] =	vst v2;
	v1 =	vadd.f32 s5, v1  }
0x154: {  	[tilespmem:s6+$0xC080] =	vst v0;
	s4 =	spop (v2sf)  }
0x155: {  	s11 =	rddreg [dreg:$0xb];
	[tilespmem:s6+$0xC100] =	vst v1;
	s9 =	spop (v2sf)  }
0x156: {  	[hbm4b:s11+s20] =	stream.strided.scatter [tilespmem:s26], [sflag:$0x4], $0x4000, s21, s20, $0x38;
	[tilespmem:$0x10000] =	vst v63  }
0x157: {  	s6 =	spop (v2sf)  }
0x158: {  	s10 =	spop (v2sf)  }
0x159: {  	[tilespmem:s22], [sflag:$0x2] =	stream.strided.gather [hbm4b:s12+s20], $0x4000, s21, s20, $0x38;
	[tilespmem:$0x10000] =	vst v63  }
0x15a: {  	_ =	swait.ge [sflag:s23], $0x4000  }
0x15b: {  	[sflag:s23] =	ssyncset.done $0x0  }
0x15c: {  	[sflag:s23] =	ssyncadd.s32 $0xFFFFC000  }
0x15d: {  	s7 =	simm.s32 $0x0;
	_ =	swait.ge [sflag:s28], $0x4000  }
0x15e: {  	s0 =	sand.u32 $0x3E00, s7;
	s11 =	sand.u32 $0x70, s7;
	[sflag:s28] =	ssyncset.done $0x0  }
0x15f: {  	s7 =	sor.u32 s11, s0;
	[sflag:s28] =	ssyncadd.s32 $0xFFFFC000  }
0x160: {  	v0 =	vld [tilespmem:s7+$0x180];
	_ =	sdelay $0x3  }
0x161: {  	v2 =	vld [tilespmem:s7+$0x0]  }
0x162: {  	(xrf2) =	vadd.scan.msk.f32 $0xffff, v0  }
0x163: {  	v3 =	vld [tilespmem:s7+$0x80];
	_ =	sdelay $0x2  }
0x164: {  	s0 =	simm.s32 $0x10;
	s11 =	simm.s32 $0x40;
	v5 =	vld [tilespmem:s7+$0x100];
	(xrf2) =	vadd.scan.msk.f32 $0xffff, v2  }
0x165: {  	s0 =	sand.u32 $0x70, s0;
	s11 =	sand.u32 $0x3E00, s11  }
0x166: {  	s0 =	sor.u32 s0, s11;
	(xrf2) =	vadd.scan.msk.f32 $0xffff, v3  }
0x167: {  	v6 =	vld [tilespmem:s0+$0x180];
	_ =	sdelay $0x1  }
0x168: {  	v8 =	vld [tilespmem:s0+$0x0];
	(xrf2) =	vadd.scan.msk.f32 $0xffff, v5  }
0x169: {  	v56 =	vld [tilespmem:s0+$0x80];
	v1, _, _ =	vpop (xrf2)  }
0x16a: {  	(v2sf) =	vpush v1, $0xF  }
0x16b: {  	(xrf2) =	vadd.scan.msk.f32 $0xffff, v6;
	_ =	sdelay $0x1  }
0x16c: {  	(xrf2) =	vadd.scan.msk.f32 $0xffff, v8;
	v7, _, _ =	vpop (xrf2)  }
0x16d: {  	(xrf2) =	vadd.scan.msk.f32 $0xffff, v56;
	(v2sf) =	vpush v7, $0xF  }
0x16e: {  	s31 =	simm.s32 $0x80;
	s11 =	simm.s32 $0x20;
	v0 =	vsub.f32 v1, v0;
	v1 =	vld [tilespmem:s0+$0x100];
	v57, _, _ =	vpop (xrf2)  }
0x16f: {  	s8 =	sadd.f32 s4, s8;
	s4 =	sand.u32 $0x70, s11;
	s11 =	sand.u32 $0x3E00, s31;
	(v2sf) =	vpush v57, $0xF  }
0x170: {  	s31 =	sor.u32 s4, s11  }
0x171: {  	v4 =	vld [tilespmem:s31+$0x180];
	v59 =	vsub.f32 v57, v3;
	v3, _, _ =	vpop (xrf2)  }
0x172: {  	s1 =	sadd.f32 s9, s1;
	(v2sf) =	vpush v3, $0xF  }
0x173: {  	s4 =	sadd.f32 s6, s3;
	v58 =	vsub.f32 v7, v2;
	(xrf2) =	vadd.scan.msk.f32 $0xffff, v1  }
0x174: {  	s3 =	sadd.f32 s10, s5;
	v2 =	vld [tilespmem:s31+$0x0];
	v0 =	vadd.f32 s8, v0;
	v5 =	vsub.f32 v3, v5;
	v61, _, _ =	vpop (xrf2)  }
0x175: {  	v60 =	vadd.f32 s1, v58;
	(v2sf) =	vpush v61, $0xF  }
0x176: {  	[tilespmem:s7+$0x8180] =	vst v0;
	v7 =	vsub.f32 v61, v6;
	v62, _, _ =	vpop (xrf2);
	v63 =	vadd.f32 s3, v5;
	(xrf2) =	vadd.scan.msk.f32 $0xffff, v4  }
0x177: {  	v0 =	vld [tilespmem:s31+$0x80];
	v5 =	vsub.f32 v62, v8;
	(v2sf) =	vpush v62, $0xF;
	v8, _, _ =	vpop (xrf2)  }
0x178: {  	v6 =	vadd.f32 s4, v59;
	s10 =	spop (v2sf);
	(v2sf) =	vpush v8, $0xF  }
0x179: {  	v3 =	vld [tilespmem:s31+$0x100];
	[tilespmem:s7+$0x8000] =	vst v60;
	(xrf2) =	vadd.scan.msk.f32 $0xffff, v2  }
0x17a: {  	s11 =	simm.s32 $0x30;
	s6 =	simm.s32 $0xC0;
	[tilespmem:s7+$0x8080] =	vst v6;
	s5 =	sadd.f32 s10, s8  }
0x17b: {  	s9 =	sand.u32 $0x3E00, s6;
	[tilespmem:s7+$0x8100] =	vst v63;
	s7 =	simm.s32 $0x40;
	v6 =	vsub.f32 v8, v56;
	s8 =	sand.u32 $0x70, s11  }
.LBB2_10:
0x17c: {  	p0 =	sne.s32 s7, $0xFF0;
	s8 =	sor.u32 s8, s9;
	(xrf2) =	vadd.scan.msk.f32 $0xffff, v0;
	v7 =	vadd.f32 s5, v7;
	s9 =	spop (v2sf)  }
0x17d: {  	v8 =	vld [tilespmem:s8+$0x180];
	v9, _, _ =	vpop (xrf2);
	s1 =	sadd.f32 s9, s1  }
0x17e: {  	v10 =	vld [tilespmem:s8+$0x0];
	v11 =	vsub.f32 v9, v1;
	[tilespmem:s0+$0x8180] =	vst v7;
	(v2sf) =	vpush v9, $0xF;
	s9 =	spop (v2sf);
	v1 =	vmov v3  }
0x17f: {  	v9 =	vld [tilespmem:s8+$0x80];
	(xrf2) =	vadd.scan.msk.f32 $0xffff, v1;
	v5 =	vadd.f32 s1, v5;
	s4 =	sadd.f32 s9, s4  }
0x180: {  	v3 =	vld [tilespmem:s8+$0x100];
	v12, _, _ =	vpop (xrf2)  }
0x181: {  	v7 =	vsub.f32 v12, v4;
	(v2sf) =	vpush v12, $0xF;
	[tilespmem:s0+$0x8000] =	vst v5;
	s9 =	spop (v2sf)  }
0x182: {  	v6 =	vadd.f32 s4, v6;
	(xrf2) =	vadd.scan.msk.f32 $0xffff, v8;
	s3 =	sadd.f32 s9, s3;
	v4 =	vmov v8  }
.Ltmp4:
0x183: {  	v8, _, _ =	vpop (xrf2);
	(pc) =	sbr.rel @p0 .LBB2_10-.Ltmp4, $4  }
0x184: {  	v5 =	vsub.f32 v8, v2;
	[tilespmem:s0+$0x8080] =	vst v6;
	v6 =	vadd.f32 s3, v11;
	s9 =	spop (v2sf);
	v2 =	vmov v10  }
0x185: {  	(xrf2) =	vadd.scan.msk.f32 $0xffff, v2;
	(v2sf) =	vpush v8, $0xF;
	s5 =	sadd.f32 s9, s5  }
0x186: {  	s6 =	sadd.s32 $0x40, s6;
	v8, _, _ =	vpop (xrf2);
	[tilespmem:s0+$0x8100] =	vst v6;
	s0 =	smov.u32 s31;
	s31 =	smov.u32 s8  }
0x187: {  	s9 =	sand.u32 $0x3E00, s6;
	s8 =	sand.u32 $0x70, s7;
	s7 =	sadd.s32 $0x10, s7;
	v6 =	vsub.f32 v8, v0;
	(v2sf) =	vpush v8, $0xF;
	v0 =	vmov v9  }
0x188: {  	s6 =	sor.u32 s8, s9  }
0x189: {  	v7 =	vadd.f32 s5, v7;
	(xrf2) =	vadd.scan.msk.f32 $0xffff, v0;
	v8 =	vld [tilespmem:s6+$0x180]  }
0x18a: {  	v9 =	vld [tilespmem:s6+$0x0];
	(xrf2) =	vadd.scan.msk.f32 $0xffff, v3  }
0x18b: {  	[tilespmem:s0+$0x8180] =	vst v7  }
0x18c: {  	v7 =	vld [tilespmem:s6+$0x80]  }
0x18d: {  	v10 =	vld [tilespmem:s6+$0x100]  }
0x18e: {  	(xrf2) =	vadd.scan.msk.f32 $0xffff, v8  }
0x18f: {  	(xrf2) =	vadd.scan.msk.f32 $0xffff, v9  }
0x190: {  	v11, _, _ =	vpop (xrf2)  }
0x191: {  	(v2sf) =	vpush v11, $0xF;
	v12, _, _ =	vpop (xrf2);
	(xrf2) =	vadd.scan.msk.f32 $0xffff, v7  }
0x192: {  	(v2sf) =	vpush v12, $0xF;
	v13, _, _ =	vpop (xrf2);
	(xrf2) =	vadd.scan.msk.f32 $0xffff, v10  }
0x193: {  	(v2sf) =	vpush v13, $0xF;
	v14, _, _ =	vpop (xrf2)  }
0x194: {  	(v2sf) =	vpush v14, $0xF;
	v15, _, _ =	vpop (xrf2)  }
0x195: {  	(v2sf) =	vpush v15, $0xF;
	_ =	sdelay $0x2  }
0x196: {  	v16, _, _ =	vpop (xrf2)  }
0x197: {  	(v2sf) =	vpush v16, $0xF;
	v17, _, _ =	vpop (xrf2)  }
0x198: {  	s7 =	spop (v2sf);
	(v2sf) =	vpush v17, $0xF  }
0x199: {  	s11 =	spop (v2sf);
	s1 =	sadd.f32 s7, s1;
	v18, _, _ =	vpop (xrf2)  }
0x19a: {  	s4 =	sadd.f32 s11, s4;
	v1 =	vsub.f32 v11, v1;
	s8 =	spop (v2sf);
	(v2sf) =	vpush v18, $0xF;
	v19, _, _ =	vpop (xrf2)  }
0x19b: {  	v5 =	vadd.f32 s1, v5;
	s3 =	sadd.f32 s8, s3;
	s9 =	spop (v2sf);
	(v2sf) =	vpush v19, $0xF  }
0x19c: {  	v6 =	vadd.f32 s4, v6;
	v4 =	vsub.f32 v12, v4;
	s5 =	sadd.f32 s9, s5;
	s10 =	spop (v2sf)  }
0x19d: {  	[tilespmem:s0+$0x8000] =	vst v5;
	v2 =	vsub.f32 v13, v2;
	v1 =	vadd.f32 s3, v1;
	s1 =	sadd.f32 s10, s1;
	s11 =	spop (v2sf)  }
0x19e: {  	[tilespmem:s0+$0x8080] =	vst v6;
	v0 =	vsub.f32 v14, v0;
	v4 =	vadd.f32 s5, v4;
	s4 =	sadd.f32 s11, s4;
	s9 =	spop (v2sf)  }
0x19f: {  	[tilespmem:s0+$0x8100] =	vst v1;
	v1 =	vsub.f32 v15, v3;
	v2 =	vadd.f32 s1, v2;
	s7 =	sadd.f32 s9, s3;
	s10 =	spop (v2sf)  }
0x1a0: {  	[tilespmem:s31+$0x8180] =	vst v4;
	v3 =	vsub.f32 v16, v8;
	v0 =	vadd.f32 s4, v0;
	s8 =	sadd.f32 s10, s5;
	s11 =	spop (v2sf)  }
0x1a1: {  	[tilespmem:s31+$0x8000] =	vst v2;
	v2 =	vsub.f32 v17, v9;
	v1 =	vadd.f32 s7, v1;
	s1 =	sadd.f32 s11, s1;
	s3 =	spop (v2sf)  }
0x1a2: {  	[tilespmem:s31+$0x8080] =	vst v0;
	v0 =	vsub.f32 v18, v7;
	v3 =	vadd.f32 s8, v3;
	s3 =	sadd.f32 s3, s4;
	s5 =	spop (v2sf)  }
0x1a3: {  	[tilespmem:s31+$0x8100] =	vst v1;
	v1 =	vsub.f32 v19, v10;
	v2 =	vadd.f32 s1, v2;
	s5 =	sadd.f32 s5, s7  }
0x1a4: {  	[tilespmem:s6+$0x8180] =	vst v3;
	v0 =	vadd.f32 s3, v0  }
0x1a5: {  	[tilespmem:s6+$0x8000] =	vst v2;
	v1 =	vadd.f32 s5, v1  }
0x1a6: {  	[tilespmem:s6+$0x8080] =	vst v0;
	s4 =	spop (v2sf)  }
0x1a7: {  	[tilespmem:s6+$0x8100] =	vst v1;
	s9 =	spop (v2sf)  }
0x1a8: {  	[hbm4b:s13+s20] =	stream.strided.scatter [tilespmem:s24], [sflag:$0x3], $0x4000, s21, s20, $0x38;
	[tilespmem:$0x10000] =	vst v63  }
0x1a9: {  	s6 =	spop (v2sf)  }
0x1aa: {  	s7 =	simm.s32 $0x0;
	s10 =	spop (v2sf)  }
0x1ab: {  	[tilespmem:s7], [sflag:$0x1] =	stream.strided.gather [hbm4b:s14+s20], $0x4000, s21, s20, $0x38;
	[tilespmem:$0x10000] =	vst v63  }
0x1ac: {  	_ =	swait.ge [sflag:s25], $0x4000  }
0x1ad: {  	[sflag:s25] =	ssyncset.done $0x0  }
0x1ae: {  	[sflag:s25] =	ssyncadd.s32 $0xFFFFC000  }
0x1af: {  	_ =	swait.ge [sflag:s29], $0x4000  }
0x1b0: {  	s11 =	sand.u32 $0x70, s7;
	s0 =	sand.u32 $0x3E00, s7;
	[sflag:s29] =	ssyncset.done $0x0  }
0x1b1: {  	s7 =	sor.u32 s11, s0;
	[sflag:s29] =	ssyncadd.s32 $0xFFFFC000  }
0x1b2: {  	v0 =	vld [tilespmem:s7+$0x4180];
	_ =	sdelay $0x3  }
0x1b3: {  	v2 =	vld [tilespmem:s7+$0x4000]  }
0x1b4: {  	(xrf2) =	vadd.scan.msk.f32 $0xffff, v0  }
0x1b5: {  	v3 =	vld [tilespmem:s7+$0x4080];
	_ =	sdelay $0x2  }
0x1b6: {  	s0 =	simm.s32 $0x10;
	s11 =	simm.s32 $0x40;
	v5 =	vld [tilespmem:s7+$0x4100];
	(xrf2) =	vadd.scan.msk.f32 $0xffff, v2  }
0x1b7: {  	s0 =	sand.u32 $0x70, s0;
	s11 =	sand.u32 $0x3E00, s11  }
0x1b8: {  	s0 =	sor.u32 s0, s11;
	(xrf2) =	vadd.scan.msk.f32 $0xffff, v3  }
0x1b9: {  	v6 =	vld [tilespmem:s0+$0x4180];
	_ =	sdelay $0x1  }
0x1ba: {  	v8 =	vld [tilespmem:s0+$0x4000];
	(xrf2) =	vadd.scan.msk.f32 $0xffff, v5  }
0x1bb: {  	v56 =	vld [tilespmem:s0+$0x4080];
	v1, _, _ =	vpop (xrf2)  }
0x1bc: {  	(v2sf) =	vpush v1, $0xF  }
0x1bd: {  	(xrf2) =	vadd.scan.msk.f32 $0xffff, v6;
	_ =	sdelay $0x1  }
0x1be: {  	(xrf2) =	vadd.scan.msk.f32 $0xffff, v8;
	v7, _, _ =	vpop (xrf2)  }
0x1bf: {  	(xrf2) =	vadd.scan.msk.f32 $0xffff, v56;
	(v2sf) =	vpush v7, $0xF  }
0x1c0: {  	s31 =	simm.s32 $0x80;
	s11 =	simm.s32 $0x20;
	v0 =	vsub.f32 v1, v0;
	v1 =	vld [tilespmem:s0+$0x4100];
	v57, _, _ =	vpop (xrf2)  }
0x1c1: {  	s8 =	sadd.f32 s4, s8;
	s4 =	sand.u32 $0x70, s11;
	s11 =	sand.u32 $0x3E00, s31;
	(v2sf) =	vpush v57, $0xF  }
0x1c2: {  	s31 =	sor.u32 s4, s11  }
0x1c3: {  	v4 =	vld [tilespmem:s31+$0x4180];
	v59 =	vsub.f32 v57, v3;
	v3, _, _ =	vpop (xrf2)  }
0x1c4: {  	s1 =	sadd.f32 s9, s1;
	(v2sf) =	vpush v3, $0xF  }
0x1c5: {  	s4 =	sadd.f32 s6, s3;
	v58 =	vsub.f32 v7, v2;
	(xrf2) =	vadd.scan.msk.f32 $0xffff, v1  }
0x1c6: {  	s3 =	sadd.f32 s10, s5;
	v2 =	vld [tilespmem:s31+$0x4000];
	v0 =	vadd.f32 s8, v0;
	v5 =	vsub.f32 v3, v5;
	v61, _, _ =	vpop (xrf2)  }
0x1c7: {  	v60 =	vadd.f32 s1, v58;
	(v2sf) =	vpush v61, $0xF  }
0x1c8: {  	[tilespmem:s7+$0xC180] =	vst v0;
	v7 =	vsub.f32 v61, v6;
	v62, _, _ =	vpop (xrf2);
	v63 =	vadd.f32 s3, v5;
	(xrf2) =	vadd.scan.msk.f32 $0xffff, v4  }
0x1c9: {  	v0 =	vld [tilespmem:s31+$0x4080];
	v5 =	vsub.f32 v62, v8;
	(v2sf) =	vpush v62, $0xF;
	v8, _, _ =	vpop (xrf2)  }
0x1ca: {  	v6 =	vadd.f32 s4, v59;
	s10 =	spop (v2sf);
	(v2sf) =	vpush v8, $0xF  }
0x1cb: {  	v3 =	vld [tilespmem:s31+$0x4100];
	[tilespmem:s7+$0xC000] =	vst v60;
	(xrf2) =	vadd.scan.msk.f32 $0xffff, v2  }
0x1cc: {  	s11 =	simm.s32 $0x30;
	s6 =	simm.s32 $0xC0;
	[tilespmem:s7+$0xC080] =	vst v6;
	s5 =	sadd.f32 s10, s8  }
0x1cd: {  	s9 =	sand.u32 $0x3E00, s6;
	[tilespmem:s7+$0xC100] =	vst v63;
	s7 =	simm.s32 $0x40;
	v6 =	vsub.f32 v8, v56;
	s8 =	sand.u32 $0x70, s11  }
.LBB2_12:
0x1ce: {  	p0 =	sne.s32 s7, $0xFF0;
	s8 =	sor.u32 s8, s9;
	(xrf2) =	vadd.scan.msk.f32 $0xffff, v0;
	v7 =	vadd.f32 s5, v7;
	s9 =	spop (v2sf)  }
0x1cf: {  	v8 =	vld [tilespmem:s8+$0x4180];
	v9, _, _ =	vpop (xrf2);
	s1 =	sadd.f32 s9, s1  }
0x1d0: {  	v10 =	vld [tilespmem:s8+$0x4000];
	v11 =	vsub.f32 v9, v1;
	[tilespmem:s0+$0xC180] =	vst v7;
	(v2sf) =	vpush v9, $0xF;
	s9 =	spop (v2sf);
	v1 =	vmov v3  }
0x1d1: {  	v9 =	vld [tilespmem:s8+$0x4080];
	(xrf2) =	vadd.scan.msk.f32 $0xffff, v1;
	v5 =	vadd.f32 s1, v5;
	s4 =	sadd.f32 s9, s4  }
0x1d2: {  	v3 =	vld [tilespmem:s8+$0x4100];
	v12, _, _ =	vpop (xrf2)  }
0x1d3: {  	v7 =	vsub.f32 v12, v4;
	(v2sf) =	vpush v12, $0xF;
	[tilespmem:s0+$0xC000] =	vst v5;
	s9 =	spop (v2sf)  }
0x1d4: {  	v6 =	vadd.f32 s4, v6;
	(xrf2) =	vadd.scan.msk.f32 $0xffff, v8;
	s3 =	sadd.f32 s9, s3;
	v4 =	vmov v8  }
.Ltmp5:
0x1d5: {  	v8, _, _ =	vpop (xrf2);
	(pc) =	sbr.rel @p0 .LBB2_12-.Ltmp5, $4  }
0x1d6: {  	v5 =	vsub.f32 v8, v2;
	[tilespmem:s0+$0xC080] =	vst v6;
	v6 =	vadd.f32 s3, v11;
	s9 =	spop (v2sf);
	v2 =	vmov v10  }
0x1d7: {  	(xrf2) =	vadd.scan.msk.f32 $0xffff, v2;
	(v2sf) =	vpush v8, $0xF;
	s5 =	sadd.f32 s9, s5  }
0x1d8: {  	s6 =	sadd.s32 $0x40, s6;
	v8, _, _ =	vpop (xrf2);
	[tilespmem:s0+$0xC100] =	vst v6;
	s0 =	smov.u32 s31;
	s31 =	smov.u32 s8  }
0x1d9: {  	s9 =	sand.u32 $0x3E00, s6;
	s8 =	sand.u32 $0x70, s7;
	s7 =	sadd.s32 $0x10, s7;
	v6 =	vsub.f32 v8, v0;
	(v2sf) =	vpush v8, $0xF;
	v0 =	vmov v9  }
0x1da: {  	s6 =	sor.u32 s8, s9  }
0x1db: {  	v7 =	vadd.f32 s5, v7;
	(xrf2) =	vadd.scan.msk.f32 $0xffff, v0;
	v8 =	vld [tilespmem:s6+$0x4180]  }
0x1dc: {  	v9 =	vld [tilespmem:s6+$0x4000];
	(xrf2) =	vadd.scan.msk.f32 $0xffff, v3  }
0x1dd: {  	[tilespmem:s0+$0xC180] =	vst v7  }
0x1de: {  	v7 =	vld [tilespmem:s6+$0x4080]  }
0x1df: {  	v10 =	vld [tilespmem:s6+$0x4100]  }
0x1e0: {  	(xrf2) =	vadd.scan.msk.f32 $0xffff, v8  }
0x1e1: {  	(xrf2) =	vadd.scan.msk.f32 $0xffff, v9  }
0x1e2: {  	v11, _, _ =	vpop (xrf2)  }
0x1e3: {  	(v2sf) =	vpush v11, $0xF;
	v12, _, _ =	vpop (xrf2);
	(xrf2) =	vadd.scan.msk.f32 $0xffff, v7  }
0x1e4: {  	(v2sf) =	vpush v12, $0xF;
	v13, _, _ =	vpop (xrf2);
	(xrf2) =	vadd.scan.msk.f32 $0xffff, v10  }
0x1e5: {  	(v2sf) =	vpush v13, $0xF;
	v14, _, _ =	vpop (xrf2)  }
0x1e6: {  	(v2sf) =	vpush v14, $0xF;
	v15, _, _ =	vpop (xrf2)  }
0x1e7: {  	(v2sf) =	vpush v15, $0xF;
	_ =	sdelay $0x2  }
0x1e8: {  	v16, _, _ =	vpop (xrf2)  }
0x1e9: {  	(v2sf) =	vpush v16, $0xF;
	v17, _, _ =	vpop (xrf2)  }
0x1ea: {  	s7 =	spop (v2sf);
	(v2sf) =	vpush v17, $0xF  }
0x1eb: {  	s11 =	spop (v2sf);
	s1 =	sadd.f32 s7, s1;
	v18, _, _ =	vpop (xrf2)  }
0x1ec: {  	s4 =	sadd.f32 s11, s4;
	v1 =	vsub.f32 v11, v1;
	s8 =	spop (v2sf);
	(v2sf) =	vpush v18, $0xF;
	v19, _, _ =	vpop (xrf2)  }
0x1ed: {  	v5 =	vadd.f32 s1, v5;
	s3 =	sadd.f32 s8, s3;
	s9 =	spop (v2sf);
	(v2sf) =	vpush v19, $0xF  }
0x1ee: {  	v6 =	vadd.f32 s4, v6;
	v4 =	vsub.f32 v12, v4;
	s5 =	sadd.f32 s9, s5;
	s10 =	spop (v2sf)  }
0x1ef: {  	[tilespmem:s0+$0xC000] =	vst v5;
	v2 =	vsub.f32 v13, v2;
	v1 =	vadd.f32 s3, v1;
	s1 =	sadd.f32 s10, s1;
	s11 =	spop (v2sf)  }
0x1f0: {  	[tilespmem:s0+$0xC080] =	vst v6;
	v0 =	vsub.f32 v14, v0;
	v4 =	vadd.f32 s5, v4;
	s4 =	sadd.f32 s11, s4;
	s9 =	spop (v2sf)  }
0x1f1: {  	[tilespmem:s0+$0xC100] =	vst v1;
	v1 =	vsub.f32 v15, v3;
	v2 =	vadd.f32 s1, v2;
	s7 =	sadd.f32 s9, s3;
	s10 =	spop (v2sf)  }
0x1f2: {  	[tilespmem:s31+$0xC180] =	vst v4;
	v3 =	vsub.f32 v16, v8;
	v0 =	vadd.f32 s4, v0;
	s5 =	sadd.f32 s10, s5;
	s11 =	spop (v2sf)  }
0x1f3: {  	[tilespmem:s31+$0xC000] =	vst v2;
	v2 =	vsub.f32 v17, v9;
	v1 =	vadd.f32 s7, v1;
	s1 =	sadd.f32 s11, s1;
	s3 =	spop (v2sf)  }
0x1f4: {  	[tilespmem:s31+$0xC080] =	vst v0;
	v0 =	vsub.f32 v18, v7;
	v3 =	vadd.f32 s5, v3;
	s3 =	sadd.f32 s3, s4;
	s4 =	spop (v2sf)  }
0x1f5: {  	[tilespmem:s31+$0xC100] =	vst v1;
	v1 =	vsub.f32 v19, v10;
	v2 =	vadd.f32 s1, v2;
	s4 =	sadd.f32 s4, s7  }
0x1f6: {  	[tilespmem:s6+$0xC180] =	vst v3;
	v0 =	vadd.f32 s3, v0  }
0x1f7: {  	[tilespmem:s6+$0xC000] =	vst v2;
	v1 =	vadd.f32 s4, v1  }
0x1f8: {  	[tilespmem:s6+$0xC080] =	vst v0;
	s8 =	spop (v2sf)  }
0x1f9: {  	[tilespmem:s6+$0xC100] =	vst v1;
	s9 =	spop (v2sf)  }
0x1fa: {  	[hbm4b:s15+s20] =	stream.strided.scatter [tilespmem:s26], [sflag:$0x4], $0x4000, s21, s20, $0x38;
	[tilespmem:$0x10000] =	vst v63  }
0x1fb: {  	s6 =	spop (v2sf)  }
0x1fc: {  	s10 =	spop (v2sf)  }
0x1fd: {  	[tilespmem:s22], [sflag:$0x2] =	stream.strided.gather [hbm4b:s16+s20], $0x4000, s21, s20, $0x38;
	[tilespmem:$0x10000] =	vst v63  }
0x1fe: {  	_ =	swait.ge [sflag:s23], $0x4000  }
0x1ff: {  	[sflag:s23] =	ssyncset.done $0x0  }
0x200: {  	[sflag:s23] =	ssyncadd.s32 $0xFFFFC000  }
0x201: {  	s7 =	simm.s32 $0x0;
	_ =	swait.ge [sflag:s28], $0x4000  }
0x202: {  	s11 =	sand.u32 $0x70, s7;
	s0 =	sand.u32 $0x3E00, s7;
	[sflag:s28] =	ssyncset.done $0x0  }
0x203: {  	s7 =	sor.u32 s11, s0;
	[sflag:s28] =	ssyncadd.s32 $0xFFFFC000  }
0x204: {  	v0 =	vld [tilespmem:s7+$0x180];
	_ =	sdelay $0x3  }
0x205: {  	v2 =	vld [tilespmem:s7+$0x0]  }
0x206: {  	(xrf2) =	vadd.scan.msk.f32 $0xffff, v0  }
0x207: {  	v3 =	vld [tilespmem:s7+$0x80];
	_ =	sdelay $0x2  }
0x208: {  	s0 =	simm.s32 $0x10;
	s11 =	simm.s32 $0x40;
	v5 =	vld [tilespmem:s7+$0x100];
	(xrf2) =	vadd.scan.msk.f32 $0xffff, v2  }
0x209: {  	s0 =	sand.u32 $0x70, s0;
	s11 =	sand.u32 $0x3E00, s11  }
0x20a: {  	s0 =	sor.u32 s0, s11;
	(xrf2) =	vadd.scan.msk.f32 $0xffff, v3  }
0x20b: {  	v6 =	vld [tilespmem:s0+$0x180];
	_ =	sdelay $0x1  }
0x20c: {  	v8 =	vld [tilespmem:s0+$0x0];
	(xrf2) =	vadd.scan.msk.f32 $0xffff, v5  }
0x20d: {  	v56 =	vld [tilespmem:s0+$0x80];
	v1, _, _ =	vpop (xrf2)  }
0x20e: {  	(v2sf) =	vpush v1, $0xF  }
0x20f: {  	(xrf2) =	vadd.scan.msk.f32 $0xffff, v6;
	_ =	sdelay $0x1  }
0x210: {  	(xrf2) =	vadd.scan.msk.f32 $0xffff, v8;
	v7, _, _ =	vpop (xrf2)  }
0x211: {  	(xrf2) =	vadd.scan.msk.f32 $0xffff, v56;
	(v2sf) =	vpush v7, $0xF  }
0x212: {  	s31 =	simm.s32 $0x80;
	s11 =	simm.s32 $0x20;
	v0 =	vsub.f32 v1, v0;
	v1 =	vld [tilespmem:s0+$0x100];
	v57, _, _ =	vpop (xrf2)  }
0x213: {  	s5 =	sadd.f32 s8, s5;
	s8 =	sand.u32 $0x70, s11;
	s11 =	sand.u32 $0x3E00, s31;
	(v2sf) =	vpush v57, $0xF  }
0x214: {  	s31 =	sor.u32 s8, s11  }
0x215: {  	v4 =	vld [tilespmem:s31+$0x180];
	v59 =	vsub.f32 v57, v3;
	v3, _, _ =	vpop (xrf2)  }
0x216: {  	(v2sf) =	vpush v3, $0xF  }
0x217: {  	s1 =	sadd.f32 s9, s1;
	v58 =	vsub.f32 v7, v2;
	(xrf2) =	vadd.scan.msk.f32 $0xffff, v1  }
0x218: {  	s4 =	sadd.f32 s10, s4;
	v2 =	vld [tilespmem:s31+$0x0];
	v0 =	vadd.f32 s5, v0;
	v5 =	vsub.f32 v3, v5;
	v61, _, _ =	vpop (xrf2)  }
0x219: {  	v60 =	vadd.f32 s1, v58;
	(v2sf) =	vpush v61, $0xF  }
0x21a: {  	s3 =	sadd.f32 s6, s3;
	[tilespmem:s7+$0x8180] =	vst v0;
	v7 =	vsub.f32 v61, v6;
	v62, _, _ =	vpop (xrf2);
	v63 =	vadd.f32 s4, v5;
	(xrf2) =	vadd.scan.msk.f32 $0xffff, v4  }
0x21b: {  	v0 =	vld [tilespmem:s31+$0x80];
	v5 =	vsub.f32 v62, v8;
	(v2sf) =	vpush v62, $0xF;
	v8, _, _ =	vpop (xrf2)  }
0x21c: {  	v6 =	vadd.f32 s3, v59;
	s10 =	spop (v2sf);
	(v2sf) =	vpush v8, $0xF  }
0x21d: {  	v3 =	vld [tilespmem:s31+$0x100];
	[tilespmem:s7+$0x8000] =	vst v60;
	(xrf2) =	vadd.scan.msk.f32 $0xffff, v2  }
0x21e: {  	s11 =	simm.s32 $0x30;
	s6 =	simm.s32 $0xC0;
	[tilespmem:s7+$0x8080] =	vst v6;
	s5 =	sadd.f32 s10, s5  }
0x21f: {  	s8 =	sand.u32 $0x70, s11;
	s9 =	sand.u32 $0x3E00, s6;
	[tilespmem:s7+$0x8100] =	vst v63;
	s7 =	simm.s32 $0x40;
	v6 =	vsub.f32 v8, v56  }
.LBB2_14:
0x220: {  	p0 =	sne.s32 s7, $0xFF0;
	s8 =	sor.u32 s8, s9;
	(xrf2) =	vadd.scan.msk.f32 $0xffff, v0;
	v7 =	vadd.f32 s5, v7;
	s9 =	spop (v2sf)  }
0x221: {  	v8 =	vld [tilespmem:s8+$0x180];
	v9, _, _ =	vpop (xrf2);
	s1 =	sadd.f32 s9, s1  }
0x222: {  	v10 =	vld [tilespmem:s8+$0x0];
	v11 =	vsub.f32 v9, v1;
	[tilespmem:s0+$0x8180] =	vst v7;
	(v2sf) =	vpush v9, $0xF;
	s9 =	spop (v2sf);
	v1 =	vmov v3  }
0x223: {  	v9 =	vld [tilespmem:s8+$0x80];
	(xrf2) =	vadd.scan.msk.f32 $0xffff, v1;
	v5 =	vadd.f32 s1, v5;
	s3 =	sadd.f32 s9, s3  }
0x224: {  	v3 =	vld [tilespmem:s8+$0x100];
	v12, _, _ =	vpop (xrf2)  }
0x225: {  	v7 =	vsub.f32 v12, v4;
	(v2sf) =	vpush v12, $0xF;
	[tilespmem:s0+$0x8000] =	vst v5;
	s9 =	spop (v2sf)  }
0x226: {  	v6 =	vadd.f32 s3, v6;
	(xrf2) =	vadd.scan.msk.f32 $0xffff, v8;
	s4 =	sadd.f32 s9, s4;
	v4 =	vmov v8  }
.Ltmp6:
0x227: {  	v8, _, _ =	vpop (xrf2);
	(pc) =	sbr.rel @p0 .LBB2_14-.Ltmp6, $4  }
0x228: {  	v5 =	vsub.f32 v8, v2;
	[tilespmem:s0+$0x8080] =	vst v6;
	v6 =	vadd.f32 s4, v11;
	s9 =	spop (v2sf);
	v2 =	vmov v10  }
0x229: {  	(xrf2) =	vadd.scan.msk.f32 $0xffff, v2;
	(v2sf) =	vpush v8, $0xF;
	s5 =	sadd.f32 s9, s5  }
0x22a: {  	s6 =	sadd.s32 $0x40, s6;
	v8, _, _ =	vpop (xrf2);
	[tilespmem:s0+$0x8100] =	vst v6;
	s0 =	smov.u32 s31;
	s31 =	smov.u32 s8  }
0x22b: {  	s9 =	sand.u32 $0x3E00, s6;
	s8 =	sand.u32 $0x70, s7;
	s7 =	sadd.s32 $0x10, s7;
	v6 =	vsub.f32 v8, v0;
	(v2sf) =	vpush v8, $0xF;
	v0 =	vmov v9  }
0x22c: {  	s6 =	sor.u32 s8, s9  }
0x22d: {  	v7 =	vadd.f32 s5, v7;
	(xrf2) =	vadd.scan.msk.f32 $0xffff, v0;
	v8 =	vld [tilespmem:s6+$0x180]  }
0x22e: {  	v9 =	vld [tilespmem:s6+$0x0];
	(xrf2) =	vadd.scan.msk.f32 $0xffff, v3  }
0x22f: {  	[tilespmem:s0+$0x8180] =	vst v7  }
0x230: {  	v7 =	vld [tilespmem:s6+$0x80]  }
0x231: {  	v10 =	vld [tilespmem:s6+$0x100]  }
0x232: {  	(xrf2) =	vadd.scan.msk.f32 $0xffff, v8  }
0x233: {  	(xrf2) =	vadd.scan.msk.f32 $0xffff, v9  }
0x234: {  	v11, _, _ =	vpop (xrf2)  }
0x235: {  	(v2sf) =	vpush v11, $0xF;
	v12, _, _ =	vpop (xrf2);
	(xrf2) =	vadd.scan.msk.f32 $0xffff, v7  }
0x236: {  	(v2sf) =	vpush v12, $0xF;
	v13, _, _ =	vpop (xrf2);
	(xrf2) =	vadd.scan.msk.f32 $0xffff, v10  }
0x237: {  	(v2sf) =	vpush v13, $0xF;
	v14, _, _ =	vpop (xrf2)  }
0x238: {  	(v2sf) =	vpush v14, $0xF;
	v15, _, _ =	vpop (xrf2)  }
0x239: {  	(v2sf) =	vpush v15, $0xF;
	_ =	sdelay $0x2  }
0x23a: {  	v16, _, _ =	vpop (xrf2)  }
0x23b: {  	(v2sf) =	vpush v16, $0xF;
	v17, _, _ =	vpop (xrf2)  }
0x23c: {  	s7 =	spop (v2sf);
	(v2sf) =	vpush v17, $0xF  }
0x23d: {  	s9 =	spop (v2sf);
	s1 =	sadd.f32 s7, s1;
	v18, _, _ =	vpop (xrf2)  }
0x23e: {  	s3 =	sadd.f32 s9, s3;
	v1 =	vsub.f32 v11, v1;
	s10 =	spop (v2sf);
	(v2sf) =	vpush v18, $0xF;
	v19, _, _ =	vpop (xrf2)  }
0x23f: {  	v5 =	vadd.f32 s1, v5;
	s4 =	sadd.f32 s10, s4;
	s11 =	spop (v2sf);
	(v2sf) =	vpush v19, $0xF  }
0x240: {  	v6 =	vadd.f32 s3, v6;
	v4 =	vsub.f32 v12, v4;
	s5 =	sadd.f32 s11, s5;
	s9 =	spop (v2sf)  }
0x241: {  	[tilespmem:s0+$0x8000] =	vst v5;
	v2 =	vsub.f32 v13, v2;
	v1 =	vadd.f32 s4, v1;
	s1 =	sadd.f32 s9, s1;
	s10 =	spop (v2sf)  }
0x242: {  	[tilespmem:s0+$0x8080] =	vst v6;
	v0 =	vsub.f32 v14, v0;
	v4 =	vadd.f32 s5, v4;
	s3 =	sadd.f32 s10, s3;
	s11 =	spop (v2sf)  }
0x243: {  	[tilespmem:s0+$0x8100] =	vst v1;
	v1 =	vsub.f32 v15, v3;
	v2 =	vadd.f32 s1, v2;
	s4 =	sadd.f32 s11, s4;
	s8 =	spop (v2sf)  }
0x244: {  	[tilespmem:s31+$0x8180] =	vst v4;
	v3 =	vsub.f32 v16, v8;
	v0 =	vadd.f32 s3, v0;
	s5 =	sadd.f32 s8, s5;
	s9 =	spop (v2sf)  }
0x245: {  	[tilespmem:s31+$0x8000] =	vst v2;
	v2 =	vsub.f32 v17, v9;
	v1 =	vadd.f32 s4, v1;
	s1 =	sadd.f32 s9, s1;
	s10 =	spop (v2sf)  }
0x246: {  	[tilespmem:s31+$0x8080] =	vst v0;
	v0 =	vsub.f32 v18, v7;
	v3 =	vadd.f32 s5, v3;
	s3 =	sadd.f32 s10, s3;
	s11 =	spop (v2sf)  }
0x247: {  	[tilespmem:s31+$0x8100] =	vst v1;
	v1 =	vsub.f32 v19, v10;
	v2 =	vadd.f32 s1, v2;
	s4 =	sadd.f32 s11, s4  }
0x248: {  	[tilespmem:s6+$0x8180] =	vst v3;
	v0 =	vadd.f32 s3, v0  }
0x249: {  	[tilespmem:s6+$0x8000] =	vst v2;
	v1 =	vadd.f32 s4, v1  }
0x24a: {  	[tilespmem:s6+$0x8080] =	vst v0;
	s8 =	spop (v2sf)  }
0x24b: {  	[tilespmem:s6+$0x8100] =	vst v1;
	s9 =	spop (v2sf)  }
0x24c: {  	[hbm4b:s17+s20] =	stream.strided.scatter [tilespmem:s24], [sflag:$0x3], $0x4000, s21, s20, $0x38;
	[tilespmem:$0x10000] =	vst v63  }
0x24d: {  	s10 =	spop (v2sf)  }
0x24e: {  	s6 =	spop (v2sf)  }
0x24f: {  	_ =	swait.ge [sflag:s25], $0x4000  }
0x250: {  	[sflag:s25] =	ssyncset.done $0x0  }
0x251: {  	[sflag:s25] =	ssyncadd.s32 $0xFFFFC000  }
0x252: {  	s7 =	simm.s32 $0x0;
	_ =	swait.ge [sflag:s29], $0x4000  }
0x253: {  	s0 =	sand.u32 $0x3E00, s7;
	s11 =	sand.u32 $0x70, s7;
	[sflag:s29] =	ssyncset.done $0x0  }
0x254: {  	s7 =	sor.u32 s11, s0;
	[sflag:s29] =	ssyncadd.s32 $0xFFFFC000  }
0x255: {  	v0 =	vld [tilespmem:s7+$0x4180];
	_ =	sdelay $0x3  }
0x256: {  	v2 =	vld [tilespmem:s7+$0x4000]  }
0x257: {  	(xrf2) =	vadd.scan.msk.f32 $0xffff, v0  }
0x258: {  	v3 =	vld [tilespmem:s7+$0x4080];
	_ =	sdelay $0x2  }
0x259: {  	s0 =	simm.s32 $0x10;
	s11 =	simm.s32 $0x40;
	v5 =	vld [tilespmem:s7+$0x4100];
	(xrf2) =	vadd.scan.msk.f32 $0xffff, v2  }
0x25a: {  	s0 =	sand.u32 $0x70, s0;
	s11 =	sand.u32 $0x3E00, s11  }
0x25b: {  	s0 =	sor.u32 s0, s11;
	(xrf2) =	vadd.scan.msk.f32 $0xffff, v3  }
0x25c: {  	v6 =	vld [tilespmem:s0+$0x4180];
	_ =	sdelay $0x1  }
0x25d: {  	v8 =	vld [tilespmem:s0+$0x4000];
	(xrf2) =	vadd.scan.msk.f32 $0xffff, v5  }
0x25e: {  	v56 =	vld [tilespmem:s0+$0x4080];
	v1, _, _ =	vpop (xrf2)  }
0x25f: {  	(v2sf) =	vpush v1, $0xF  }
0x260: {  	(xrf2) =	vadd.scan.msk.f32 $0xffff, v6;
	_ =	sdelay $0x1  }
0x261: {  	(xrf2) =	vadd.scan.msk.f32 $0xffff, v8;
	v7, _, _ =	vpop (xrf2)  }
0x262: {  	(xrf2) =	vadd.scan.msk.f32 $0xffff, v56;
	(v2sf) =	vpush v7, $0xF  }
0x263: {  	s31 =	simm.s32 $0x80;
	s11 =	simm.s32 $0x20;
	v0 =	vsub.f32 v1, v0;
	v1 =	vld [tilespmem:s0+$0x4100];
	v57, _, _ =	vpop (xrf2)  }
0x264: {  	s5 =	sadd.f32 s8, s5;
	s8 =	sand.u32 $0x70, s11;
	s11 =	sand.u32 $0x3E00, s31;
	(v2sf) =	vpush v57, $0xF  }
0x265: {  	s31 =	sor.u32 s8, s11  }
0x266: {  	v4 =	vld [tilespmem:s31+$0x4180];
	v59 =	vsub.f32 v57, v3;
	v3, _, _ =	vpop (xrf2)  }
0x267: {  	(v2sf) =	vpush v3, $0xF  }
0x268: {  	s1 =	sadd.f32 s9, s1;
	v58 =	vsub.f32 v7, v2;
	(xrf2) =	vadd.scan.msk.f32 $0xffff, v1  }
0x269: {  	s4 =	sadd.f32 s6, s4;
	v2 =	vld [tilespmem:s31+$0x4000];
	v0 =	vadd.f32 s5, v0;
	v5 =	vsub.f32 v3, v5;
	v61, _, _ =	vpop (xrf2)  }
0x26a: {  	v60 =	vadd.f32 s1, v58;
	(v2sf) =	vpush v61, $0xF  }
0x26b: {  	s3 =	sadd.f32 s10, s3;
	[tilespmem:s7+$0xC180] =	vst v0;
	v7 =	vsub.f32 v61, v6;
	v62, _, _ =	vpop (xrf2);
	v63 =	vadd.f32 s4, v5;
	(xrf2) =	vadd.scan.msk.f32 $0xffff, v4  }
0x26c: {  	v0 =	vld [tilespmem:s31+$0x4080];
	v5 =	vsub.f32 v62, v8;
	(v2sf) =	vpush v62, $0xF;
	v8, _, _ =	vpop (xrf2)  }
0x26d: {  	v6 =	vadd.f32 s3, v59;
	s10 =	spop (v2sf);
	(v2sf) =	vpush v8, $0xF  }
0x26e: {  	v3 =	vld [tilespmem:s31+$0x4100];
	[tilespmem:s7+$0xC000] =	vst v60;
	(xrf2) =	vadd.scan.msk.f32 $0xffff, v2  }
0x26f: {  	s11 =	simm.s32 $0x30;
	s6 =	simm.s32 $0xC0;
	[tilespmem:s7+$0xC080] =	vst v6;
	s5 =	sadd.f32 s10, s5  }
0x270: {  	s8 =	sand.u32 $0x70, s11;
	s9 =	sand.u32 $0x3E00, s6;
	[tilespmem:s7+$0xC100] =	vst v63;
	s7 =	simm.s32 $0x40;
	v6 =	vsub.f32 v8, v56  }
.LBB2_16:
0x271: {  	p0 =	sne.s32 s7, $0xFF0;
	s8 =	sor.u32 s8, s9;
	(xrf2) =	vadd.scan.msk.f32 $0xffff, v0;
	v7 =	vadd.f32 s5, v7;
	s9 =	spop (v2sf)  }
0x272: {  	v8 =	vld [tilespmem:s8+$0x4180];
	v9, _, _ =	vpop (xrf2);
	s1 =	sadd.f32 s9, s1  }
0x273: {  	v10 =	vld [tilespmem:s8+$0x4000];
	v11 =	vsub.f32 v9, v1;
	[tilespmem:s0+$0xC180] =	vst v7;
	(v2sf) =	vpush v9, $0xF;
	s9 =	spop (v2sf);
	v1 =	vmov v3  }
0x274: {  	v9 =	vld [tilespmem:s8+$0x4080];
	(xrf2) =	vadd.scan.msk.f32 $0xffff, v1;
	v5 =	vadd.f32 s1, v5;
	s3 =	sadd.f32 s9, s3  }
0x275: {  	v3 =	vld [tilespmem:s8+$0x4100];
	v12, _, _ =	vpop (xrf2)  }
0x276: {  	v7 =	vsub.f32 v12, v4;
	(v2sf) =	vpush v12, $0xF;
	[tilespmem:s0+$0xC000] =	vst v5;
	s9 =	spop (v2sf)  }
0x277: {  	v6 =	vadd.f32 s3, v6;
	(xrf2) =	vadd.scan.msk.f32 $0xffff, v8;
	s4 =	sadd.f32 s9, s4;
	v4 =	vmov v8  }
.Ltmp7:
0x278: {  	v8, _, _ =	vpop (xrf2);
	(pc) =	sbr.rel @p0 .LBB2_16-.Ltmp7, $4  }
0x279: {  	v5 =	vsub.f32 v8, v2;
	[tilespmem:s0+$0xC080] =	vst v6;
	v6 =	vadd.f32 s4, v11;
	s9 =	spop (v2sf);
	v2 =	vmov v10  }
0x27a: {  	(xrf2) =	vadd.scan.msk.f32 $0xffff, v2;
	(v2sf) =	vpush v8, $0xF;
	s5 =	sadd.f32 s9, s5  }
0x27b: {  	s6 =	sadd.s32 $0x40, s6;
	v8, _, _ =	vpop (xrf2);
	[tilespmem:s0+$0xC100] =	vst v6;
	s0 =	smov.u32 s31;
	s31 =	smov.u32 s8  }
0x27c: {  	s9 =	sand.u32 $0x3E00, s6;
	s8 =	sand.u32 $0x70, s7;
	s7 =	sadd.s32 $0x10, s7;
	v6 =	vsub.f32 v8, v0;
	(v2sf) =	vpush v8, $0xF;
	v0 =	vmov v9  }
0x27d: {  	s6 =	sor.u32 s8, s9  }
0x27e: {  	v7 =	vadd.f32 s5, v7;
	(xrf2) =	vadd.scan.msk.f32 $0xffff, v0;
	v8 =	vld [tilespmem:s6+$0x4180]  }
0x27f: {  	v9 =	vld [tilespmem:s6+$0x4000];
	(xrf2) =	vadd.scan.msk.f32 $0xffff, v3  }
0x280: {  	[tilespmem:s0+$0xC180] =	vst v7  }
0x281: {  	v7 =	vld [tilespmem:s6+$0x4080]  }
0x282: {  	v10 =	vld [tilespmem:s6+$0x4100]  }
0x283: {  	(xrf2) =	vadd.scan.msk.f32 $0xffff, v8  }
0x284: {  	(xrf2) =	vadd.scan.msk.f32 $0xffff, v9  }
0x285: {  	v11, _, _ =	vpop (xrf2)  }
0x286: {  	(v2sf) =	vpush v11, $0xF;
	v12, _, _ =	vpop (xrf2);
	(xrf2) =	vadd.scan.msk.f32 $0xffff, v7  }
0x287: {  	(v2sf) =	vpush v12, $0xF;
	v13, _, _ =	vpop (xrf2);
	(xrf2) =	vadd.scan.msk.f32 $0xffff, v10  }
0x288: {  	(v2sf) =	vpush v13, $0xF;
	v14, _, _ =	vpop (xrf2)  }
0x289: {  	v15, _, _ =	vpop (xrf2);
	(v2sf) =	vpush v14, $0xF  }
0x28a: {  	(v2sf) =	vpush v15, $0xF;
	_ =	sdelay $0x2  }
0x28b: {  	v16, _, _ =	vpop (xrf2)  }
0x28c: {  	(v2sf) =	vpush v16, $0xF;
	v17, _, _ =	vpop (xrf2)  }
0x28d: {  	s7 =	spop (v2sf);
	(v2sf) =	vpush v17, $0xF  }
0x28e: {  	s1 =	sadd.f32 s7, s1;
	s11 =	spop (v2sf);
	v18, _, _ =	vpop (xrf2)  }
0x28f: {  	s3 =	sadd.f32 s11, s3;
	v1 =	vsub.f32 v11, v1;
	s8 =	spop (v2sf);
	(v2sf) =	vpush v18, $0xF;
	v19, _, _ =	vpop (xrf2)  }
0x290: {  	v5 =	vadd.f32 s1, v5;
	s4 =	sadd.f32 s8, s4;
	s9 =	spop (v2sf);
	(v2sf) =	vpush v19, $0xF  }
0x291: {  	v6 =	vadd.f32 s3, v6;
	v4 =	vsub.f32 v12, v4;
	s5 =	sadd.f32 s9, s5;
	s10 =	spop (v2sf)  }
0x292: {  	[tilespmem:s0+$0xC000] =	vst v5;
	v2 =	vsub.f32 v13, v2;
	v1 =	vadd.f32 s4, v1;
	s1 =	sadd.f32 s10, s1;
	s11 =	spop (v2sf)  }
0x293: {  	[tilespmem:s0+$0xC080] =	vst v6;
	v58 =	vsub.f32 v14, v0;
	v4 =	vadd.f32 s5, v4;
	s3 =	sadd.f32 s11, s3;
	s8 =	spop (v2sf)  }
0x294: {  	[tilespmem:s0+$0xC100] =	vst v1;
	v59 =	vsub.f32 v15, v3;
	v2 =	vadd.f32 s1, v2;
	s4 =	sadd.f32 s8, s4;
	s9 =	spop (v2sf)  }
0x295: {  	[tilespmem:s31+$0xC180] =	vst v4;
	v60 =	vsub.f32 v16, v8;
	v0 =	vadd.f32 s3, v58;
	s0 =	sadd.f32 s9, s5;
	s10 =	spop (v2sf)  }
0x296: {  	[tilespmem:s31+$0xC000] =	vst v2;
	v61 =	vsub.f32 v17, v9;
	v1 =	vadd.f32 s4, v59;
	s1 =	sadd.f32 s10, s1;
	s11 =	spop (v2sf)  }
0x297: {  	[tilespmem:s31+$0xC080] =	vst v0;
	v62 =	vsub.f32 v18, v7;
	v3 =	vadd.f32 s0, v60;
	s5 =	sadd.f32 s11, s3;
	s7 =	spop (v2sf)  }
0x298: {  	v63 =	vsub.f32 v19, v10;
	[tilespmem:s31+$0xC100] =	vst v1;
	v2 =	vadd.f32 s1, v61;
	s8 =	sadd.f32 s7, s4  }
0x299: {  	[tilespmem:s6+$0xC180] =	vst v3;
	v0 =	vadd.f32 s5, v62  }
0x29a: {  	[tilespmem:s6+$0xC000] =	vst v2;
	v1 =	vadd.f32 s8, v63  }
0x29b: {  	[tilespmem:s6+$0xC080] =	vst v0;
	s9 =	spop (v2sf)  }
0x29c: {  	[tilespmem:s6+$0xC100] =	vst v1;
	s10 =	spop (v2sf)  }
0x29d: {  	[hbm4b:s18+s20] =	stream.strided.scatter [tilespmem:s26], [sflag:$0x4], $0x4000, s21, s20, $0x38;
	[tilespmem:$0x10000] =	vst v63  }
0x29e: {  	s11 =	spop (v2sf)  }
0x29f: {  	s30 =	sadd.s32 $0x1, s30;
	s31 =	spop (v2sf)  }
0x2a0: {  	p0 =	sne.s32 s30, s19;
	_ =	swait.ge [sflag:s28], $0x4000  }
.Ltmp8:
0x2a1: {  	[sflag:s28] =	ssyncset.done $0x0;
	(pc) =	sbr.rel @p0 .LBB2_1-.Ltmp8, $4  }
0x2a2: {  	[sflag:s28] =	ssyncadd.s32 $0xFFFFC000  }
0x2a3: {  	_ =	swait.ge [sflag:s29], $0x4000  }
0x2a4: {  	[sflag:s29] =	ssyncset.done $0x0  }
0x2a5: {  	[sflag:s29] =	ssyncadd.s32 $0xFFFFC000  }
0x2a6: {  	_ =	sfence.sel $0x180000  }
0x2a7: {  	[bflag:$0x0] =	sbarrier.arrive $0xFFFF  }
0x2a8: {  	_ =	strace $0x90000047  }
0x2a9: {  	s0 =	stileid.u32;
	[bflag:$0x2] =	sbarrier.arrive $0xFFFF  }
0x2aa: {  	p0 =	sne.s32 s0, $0x0;
	s0 =	rddreg [dreg:$0x2]  }
0x2ab: {  	s0 =	sadd.s32 @!p0 $0x100000, s0  }
0x2ac: {  	[sflag:s0] =	ssyncadd.tile.s32 @!p0 $0x1;
	_ =	shalt  }
.Lfunc_end2:
_tile_overlayer_lowered:
.L_overlay_start_2:
0x2ad: {  	(tag) =	ssettag $0x2  }
0x2ae: {  	s0 =	rddreg [dreg:$0x0];
	s2 =	stileid.u32  }
0x2af: {  	s1 =	rddreg [dreg:$0x1];
	p0 =	sne.s32 s2, $0x0  }
0x2b0: {  	s3 =	rddreg [dreg:$0x2];
	[bflag:$0x3] =	sbarrier.arrive $0xFFFF;
	s2 =	simm.s32 @!p0 $0x1C05  }
0x2b1: {  	[timem:s3], [sflag:s2] =	dma.local @!p0 [hbm:s0], s1  }
0x2b2: {  	s0 =	simm.s32 @!p0 $0x5  }
0x2b3: {  	_ =	swait.ge @!p0 [sflag:s0], s1  }
0x2b4: {  	s1 =	ssub.s32 @!p0 $0x0, s1;
	[sflag:s0] =	ssyncset.done @!p0 $0x0  }
0x2b5: {  	[sflag:s0] =	ssyncadd.s32 @!p0 s1  }
0x2b6: {  	[bflag:$0x3] =	sbarrier.arrive $0xFFFF  }
0x2b7: {  	_ =	shalt  }

</sc_bundles>
